<compile_context>
chip_gen: v7x
topology: tpu7x:2x2x1
jax: 0.10.2.dev20260603
libtpu: 0.0.44.dev20260713+nightly
codegen_flags: <defaults>
</compile_context>

<pallas_src>
import jax
import jax.numpy as jnp
from jax import lax
from jax.experimental import pallas as pl
from jax.experimental.pallas import tpu as pltpu
from jax.experimental.pallas import tpu_sc as plsc

NC = 2
NS = 16
NW = NC * NS
L = 16
CHUNK = 128


def _make_sc_pass(npad, d, k0, k1, kmax, chunk):
    mesh = plsc.VectorSubcoreMesh(core_axis_name="c", subcore_axis_name="s",
                                  num_cores=NC, num_subcores=NS)
    rpt = npad // NS
    hk = kmax // 4

    def body(h_hbm, src4, dst4, psum_hbm, src_v, dst_v, rows_v, acc_sh,
             gsem0, gsem1):
        c = lax.axis_index("c")
        s = lax.axis_index("s")
        kc = jnp.where(c == 0, k0, k1)

        b0 = rows_v.at[0]
        b1 = rows_v.at[1]
        zeros16 = jnp.zeros((L,), jnp.float32)

        def zrow(i, carry):
            for t in range(d // L):
                rows_v[0, i, pl.ds(t * L, L)] = zeros16
            return carry

        lax.fori_loop(0, chunk, zrow, 0)
        for r in range(rpt // chunk):
            pltpu.sync_copy(b0, acc_sh.at[pl.ds(s * rpt + r * chunk, chunk)])
        plsc.subcore_barrier()

        for hh in range(4):
            pltpu.sync_copy(src4.at[c, s, pl.ds(hh * hk, hk)],
                            src_v.at[pl.ds(0, hk)])
            pltpu.sync_copy(dst4.at[c, s, pl.ds(hh * hk, hk)],
                            dst_v.at[pl.ds(0, hk)])
            nj = jnp.clip(kc - hh * hk, 0, hk)

            def step(j, carry):
                pltpu.async_copy(h_hbm.at[src_v.at[j]], b0, gsem0).wait()
                pltpu.sync_copy(b0, acc_sh.at[dst_v.at[j]], add=True)
                return carry

            lax.fori_loop(0, nj, step, 0)

        plsc.subcore_barrier()

        pltpu.sync_copy(acc_sh.at[pl.ds(s * rpt, rpt)],
                        psum_hbm.at[c, pl.ds(s * rpt, rpt)])

    return pl.kernel(
        body,
        out_type=jax.ShapeDtypeStruct((NC, npad, d), jnp.float32),
        mesh=mesh,
        scratch_types=(
            pltpu.VMEM((hk, chunk), jnp.int32),
            pltpu.VMEM((hk, chunk), jnp.int32),
            pltpu.VMEM((2, chunk, d), jnp.float32),
            pltpu.VMEM_SHARED((npad, d), jnp.float32),
            pltpu.SemaphoreType.DMA,
            pltpu.SemaphoreType.DMA,
        ),
    )


def _make_sc_count_pass(npad, k_chunks):
    mesh = plsc.VectorSubcoreMesh(core_axis_name="c", subcore_axis_name="s",
                                  num_cores=NC, num_subcores=NS)
    rpt = npad // NS

    def body(dst_hbm, cnt_hbm, dst_v, ones_v, zero_v, cnt_sh):
        c = lax.axis_index("c")
        s = lax.axis_index("s")
        wid = s * NC + c

        def fill(i, carry):
            ones_v[i, pl.ds(0, L)] = jnp.full((L,), 1.0, jnp.float32)
            zero_v[i, pl.ds(0, L)] = jnp.zeros((L,), jnp.float32)
            return carry

        lax.fori_loop(0, CHUNK, fill, 0)
        for r in range(rpt // CHUNK):
            pltpu.sync_copy(zero_v, cnt_sh.at[pl.ds(s * rpt + r * CHUNK, CHUNK)])
        pltpu.sync_copy(dst_hbm.at[wid], dst_v)

        plsc.subcore_barrier()

        def step(j, carry):
            pltpu.sync_copy(ones_v, cnt_sh.at[dst_v.at[j]], add=True)
            return carry

        lax.fori_loop(0, k_chunks, step, 0)

        plsc.subcore_barrier()

        pltpu.sync_copy(cnt_sh.at[pl.ds(s * rpt, rpt)],
                        cnt_hbm.at[c, pl.ds(s * rpt, rpt)])

    return pl.kernel(
        body,
        out_type=jax.ShapeDtypeStruct((NC, npad, L), jnp.float32),
        mesh=mesh,
        compiler_params=pltpu.CompilerParams(use_tc_tiling_on_sc=False),
        scratch_types=(
            pltpu.VMEM((k_chunks, CHUNK), jnp.int32),
            pltpu.VMEM((CHUNK, L), jnp.float32),
            pltpu.VMEM((CHUNK, L), jnp.float32),
            pltpu.VMEM_SHARED((npad, L), jnp.float32),
        ),
    )


def _make_tc_layer1(npad, d, blk, ncp):

    def body(p_ref, c_ref, h_ref, wl_ref, bl_ref, wr_ref, out_ref, cnt_ref):
        ssum = p_ref[0] + p_ref[1] if ncp == 2 else p_ref[0]
        cnt = jnp.maximum((c_ref[0] + c_ref[1])[:, 0:1], 1.0)
        agg = ssum / cnt
        out = (jnp.dot(agg, wl_ref[...], preferred_element_type=jnp.float32)
               + bl_ref[...]
               + jnp.dot(h_ref[...], wr_ref[...],
                         preferred_element_type=jnp.float32))
        out_ref[...] = jnp.maximum(out, 0.0)
        cnt_ref[...] = cnt

    return pl.pallas_call(
        body,
        grid=(npad // blk,),
        in_specs=[
            pl.BlockSpec((ncp, blk, d), lambda i: (0, i, 0)),
            pl.BlockSpec((NC, blk, L), lambda i: (0, i, 0)),
            pl.BlockSpec((blk, d), lambda i: (i, 0)),
            pl.BlockSpec((d, d), lambda i: (0, 0)),
            pl.BlockSpec((1, d), lambda i: (0, 0)),
            pl.BlockSpec((d, d), lambda i: (0, 0)),
        ],
        out_specs=[
            pl.BlockSpec((blk, d), lambda i: (i, 0)),
            pl.BlockSpec((blk, 1), lambda i: (i, 0)),
        ],
        out_shape=[
            jax.ShapeDtypeStruct((npad, d), jnp.float32),
            jax.ShapeDtypeStruct((npad, 1), jnp.float32),
        ],
    )


def _make_tc_layer2(npad, d, blk, ncp):

    def body(p_ref, cnt_ref, h_ref, wl_ref, bl_ref, wr_ref, out_ref):
        ssum = p_ref[0] + p_ref[1] if ncp == 2 else p_ref[0]
        agg = ssum / cnt_ref[...]
        out_ref[...] = (
            jnp.dot(agg, wl_ref[...], preferred_element_type=jnp.float32)
            + bl_ref[...]
            + jnp.dot(h_ref[...], wr_ref[...],
                      preferred_element_type=jnp.float32))

    return pl.pallas_call(
        body,
        grid=(npad // blk,),
        in_specs=[
            pl.BlockSpec((ncp, blk, d), lambda i: (0, i, 0)),
            pl.BlockSpec((blk, 1), lambda i: (i, 0)),
            pl.BlockSpec((blk, d), lambda i: (i, 0)),
            pl.BlockSpec((d, d), lambda i: (0, 0)),
            pl.BlockSpec((1, d), lambda i: (0, 0)),
            pl.BlockSpec((d, d), lambda i: (0, 0)),
        ],
        out_specs=pl.BlockSpec((blk, d), lambda i: (i, 0)),
        out_shape=jax.ShapeDtypeStruct((npad, d), jnp.float32),
    )


FCHUNK = 128
SPLIT0 = 0.5


@jax.jit
def kernel(x, edge_index, Wl0, bl0, Wr0, Wl1, bl1, Wr1):
    n, d = x.shape
    e = edge_index.shape[1]

    npad = (n // (NS * CHUNK) + 1) * (NS * CHUNK)

    kc = -(-e // (CHUNK * NW))
    epad_c = kc * CHUNK * NW
    dst3 = jnp.pad(edge_index[1], (0, epad_c - e),
                   constant_values=npad - 1).reshape(NW, kc, CHUNK)

    chunks = -(-e // FCHUNK)
    kmax = 128
    k0 = min(kmax, -(-int(chunks * SPLIT0) // NS))
    k1 = min(kmax, max(0, -(-(chunks - k0 * NS) // NS)))
    assert (k0 + k1) * NS >= chunks

    epad = (k0 + k1) * NS * FCHUNK
    srcp = jnp.pad(edge_index[0], (0, epad - e))
    dstp = jnp.pad(edge_index[1], (0, epad - e), constant_values=npad - 1)
    na = k0 * NS * FCHUNK

    def to4(arr, fill):
        a = arr[:na].reshape(NS, k0, FCHUNK)
        b = arr[na:].reshape(NS, k1, FCHUNK)
        a = jnp.pad(a, ((0, 0), (0, kmax - k0), (0, 0)), constant_values=fill)
        b = jnp.pad(b, ((0, 0), (0, kmax - k1), (0, 0)), constant_values=fill)
        return jnp.stack([a, b])

    src4 = to4(srcp, 0)
    dst4 = to4(dstp, npad - 1)

    xp = jnp.pad(x, ((0, npad - n), (0, 0)))

    blk = 512
    sc_feat = _make_sc_pass(npad, d, k0, k1, kmax, FCHUNK)
    cntp = _make_sc_count_pass(npad, kc)(dst3)
    psum0 = sc_feat(xp, src4, dst4)
    h1, cnt = _make_tc_layer1(npad, d, blk, NC)(
        psum0, cntp, xp, Wl0, bl0[None, :], Wr0)
    psum1 = sc_feat(h1, src4, dst4)
    out = _make_tc_layer2(npad, d, blk, NC)(
        psum1, cnt, h1, Wl1, bl1[None, :], Wr1)
    return out[:n]

# --- scband reference (transcript-rebuilt; emitter-appended) ---
"""Pipeline reference for scband-graph-sage-8667244003471 (READ-ONLY COPY).

The authoritative reference and input builder live on the scoring server;
editing this copy changes nothing except your own understanding.
"""

import jax, jax.numpy as jnp
import numpy as np

N = 10000
E = 320000
D = 128
H = 128


def setup_inputs(seed: int = 0) -> dict:
    key = jax.random.key(seed)
    ks = jax.random.split(key, 8)
    x = jax.random.normal(ks[0], (N, D), dtype=jnp.float32)
    edge_index = jax.random.randint(ks[1], (2, E), 0, N, dtype=jnp.int32)
    s0 = 1.0 / np.sqrt(D)
    s1 = 1.0 / np.sqrt(H)
    Wl0 = jax.random.normal(ks[2], (D, H), dtype=jnp.float32) * s0
    bl0 = jnp.zeros((H,), dtype=jnp.float32)
    Wr0 = jax.random.normal(ks[3], (D, H), dtype=jnp.float32) * s0
    Wl1 = jax.random.normal(ks[4], (H, H), dtype=jnp.float32) * s1
    bl1 = jnp.zeros((H,), dtype=jnp.float32)
    Wr1 = jax.random.normal(ks[5], (H, H), dtype=jnp.float32) * s1
    return {"x": x, "edge_index": edge_index, "Wl0": Wl0, "bl0": bl0, "Wr0": Wr0, "Wl1": Wl1, "bl1": bl1, "Wr1": Wr1}


def _sage_layer(h, src, dst, Wl, bl, Wr):
    # mean aggregation of source node features onto destination nodes
    msgs = h[src]  # gather [E, d]
    agg = jax.ops.segment_sum(msgs, dst, num_segments=N)
    cnt = jax.ops.segment_sum(jnp.ones((src.shape[0],), dtype=h.dtype), dst, num_segments=N)
    agg = agg / jnp.clip(cnt, 1.0)[:, None]
    # SAGEConv: lin_l(agg) + lin_r(x_root); lin_l has bias, lin_r has no bias
    return agg @ Wl + bl + h @ Wr


def reference(x, edge_index, Wl0, bl0, Wr0, Wl1, bl1, Wr1):
    src = edge_index[0]
    dst = edge_index[1]
    h = _sage_layer(x, src, dst, Wl0, bl0, Wr0)
    h = jax.nn.relu(h)
    h = _sage_layer(h, src, dst, Wl1, bl1, Wr1)
    return h

if __name__ == "__main__":
    import jax
    _d = setup_inputs()
    print(jax.jit(kernel)(*tuple(_d.values())))

</pallas_src>

<mosaic_0001>
#map = affine_map<(d0, d1) -> (0, 0, 0)>
module attributes {stable_mosaic.version = 14 : i64} {
  func.func @body(%arg0: i32, %arg1: i32, %arg2: memref<32x79x128xi32, #tpu.memory_space<hbm>>, %arg3: memref<2x10240x16xf32, #tpu.memory_space<hbm>>, %arg4: memref<79x128xi32, #tpu.memory_space<vmem>>, %arg5: memref<128x16xf32, #tpu.memory_space<vmem>>, %arg6: memref<128x16xf32, #tpu.memory_space<vmem>>, %arg7: memref<10240x16xf32, #tpu.memory_space<vmem_shared>>) attributes {dimension_semantics = [#tpu.dimension_semantics<core_parallel>, #tpu.dimension_semantics<subcore_parallel>], iteration_bounds = array<i64: 2, 16>, scalar_prefetch = 0 : i64, scratch_operands = 4 : i64, tpu.core_type = #tpu.core_type<sc_vector_subcore>, window_params = [{transform_indices = #map}, {transform_indices = #map}]} {
    %mul3A = arith.constant 2 : i32
    %mul3A_0 = arith.muli %arg1, %mul3A : i32
    %add3A = arith.addi %mul3A_0, %arg0 : i32
    %scan3A = arith.constant 0 : i32
    %scan3A_1 = arith.constant 0 : i32
    %scan3A_2 = arith.constant 128 : i32
    %scan3A_3 = arith.addi %scan3A_1, %scan3A_2 : i32
    %scan3A_4 = arith.constant 1 : i32
    scf.for %scan3A_37 = %scan3A_1 to %scan3A_3 step %scan3A_4  : i32 {
      %broadcast_in_dim3A = arith.constant 1.000000e+00 : f32
      %broadcast_in_dim3A_38 = vector.broadcast %broadcast_in_dim3A : f32 to vector<16xf32>
      %swap3A = arith.index_cast %scan3A_37 : i32 to index
      %swap3A_39 = arith.constant 0 : index
      %swap3A_40 = tpu.vector_load %arg5[%swap3A, %swap3A_39] {strides = array<i32>} : memref<128x16xf32, #tpu.memory_space<vmem>>, vector<1x16xf32>,
      %swap3A_41 = vector.shape_cast %swap3A_40 : vector<1x16xf32> to vector<16xf32>
      %swap3A_42 = vector.shape_cast %broadcast_in_dim3A_38 : vector<16xf32> to vector<1x16xf32>
      tpu.vector_store %arg5[%swap3A, %swap3A_39], %swap3A_42 {strides = array<i32>} : memref<128x16xf32, #tpu.memory_space<vmem>>, vector<1x16xf32>,
      %broadcast_in_dim3A_43 = arith.constant 0.000000e+00 : f32
      %broadcast_in_dim3A_44 = vector.broadcast %broadcast_in_dim3A_43 : f32 to vector<16xf32>
      %swap3A_45 = arith.index_cast %scan3A_37 : i32 to index
      %swap3A_46 = arith.constant 0 : index
      %swap3A_47 = tpu.vector_load %arg6[%swap3A_45, %swap3A_46] {strides = array<i32>} : memref<128x16xf32, #tpu.memory_space<vmem>>, vector<1x16xf32>,
      %swap3A_48 = vector.shape_cast %swap3A_47 : vector<1x16xf32> to vector<16xf32>
      %swap3A_49 = vector.shape_cast %broadcast_in_dim3A_44 : vector<16xf32> to vector<1x16xf32>
      tpu.vector_store %arg6[%swap3A_45, %swap3A_46], %swap3A_49 {strides = array<i32>} : memref<128x16xf32, #tpu.memory_space<vmem>>, vector<1x16xf32>,
    }
    %scan3A_5 = arith.constant 128 : i32
    %mul3A_6 = arith.constant 640 : i32
    %mul3A_7 = arith.muli %arg1, %mul3A_6 : i32
    %add3A_8 = arith.constant 0 : i32
    %add3A_9 = arith.addi %mul3A_7, %add3A_8 : i32
    "tpu.region"() ({
      %run_scoped3A = tpu.sem_alloc : memref<!tpu.dma_semaphore, #tpu.memory_space<semaphore_mem>>
      %dma_start3A = arith.constant 0 : i32
      %dma_start3A_37 = tpu.memref_slice %arg7[%add3A_9, %dma_start3A] : memref<10240x16xf32, #tpu.memory_space<vmem_shared>> -> memref<128x16xf32, #tpu.memory_space<vmem_shared>>
      %dma_start3A_38 = arith.constant 0 : i32
      %dma_start3A_39 = tpu.memref_slice %arg7[%add3A_9, %dma_start3A_38] : memref<10240x16xf32, #tpu.memory_space<vmem_shared>> -> memref<128x16xf32, #tpu.memory_space<vmem_shared>>
      tpu.enqueue_dma source(%arg6 : memref<128x16xf32, #tpu.memory_space<vmem>>) target(%dma_start3A_39 : memref<128x16xf32, #tpu.memory_space<vmem_shared>>) target_semaphore(%run_scoped3A : memref<!tpu.dma_semaphore, #tpu.memory_space<semaphore_mem>>)
      %dma_wait3A = arith.constant 0 : i32
      %dma_wait3A_40 = tpu.memref_slice %arg7[%add3A_9, %dma_wait3A] : memref<10240x16xf32, #tpu.memory_space<vmem_shared>> -> memref<128x16xf32, #tpu.memory_space<vmem_shared>>
      %dma_wait3A_41 = arith.constant 0 : i32
      %dma_wait3A_42 = tpu.memref_slice %arg7[%add3A_9, %dma_wait3A_41] : memref<10240x16xf32, #tpu.memory_space<vmem_shared>> -> memref<128x16xf32, #tpu.memory_space<vmem_shared>>
      tpu.wait_dma2 semaphore(%run_scoped3A : memref<!tpu.dma_semaphore, #tpu.memory_space<semaphore_mem>>) src(%arg6 : memref<128x16xf32, #tpu.memory_space<vmem>>) dst(%dma_wait3A_42 : memref<128x16xf32, #tpu.memory_space<vmem_shared>>)
      tpu.yield
    }) : () -> ()
    %mul3A_10 = arith.constant 640 : i32
    %mul3A_11 = arith.muli %arg1, %mul3A_10 : i32
    %add3A_12 = arith.constant 128 : i32
    %add3A_13 = arith.addi %mul3A_11, %add3A_12 : i32
    "tpu.region"() ({
      %run_scoped3A = tpu.sem_alloc : memref<!tpu.dma_semaphore, #tpu.memory_space<semaphore_mem>>
      %dma_start3A = arith.constant 0 : i32
      %dma_start3A_37 = tpu.memref_slice %arg7[%add3A_13, %dma_start3A] : memref<10240x16xf32, #tpu.memory_space<vmem_shared>> -> memref<128x16xf32, #tpu.memory_space<vmem_shared>>
      %dma_start3A_38 = arith.constant 0 : i32
      %dma_start3A_39 = tpu.memref_slice %arg7[%add3A_13, %dma_start3A_38] : memref<10240x16xf32, #tpu.memory_space<vmem_shared>> -> memref<128x16xf32, #tpu.memory_space<vmem_shared>>
      tpu.enqueue_dma source(%arg6 : memref<128x16xf32, #tpu.memory_space<vmem>>) target(%dma_start3A_39 : memref<128x16xf32, #tpu.memory_space<vmem_shared>>) target_semaphore(%run_scoped3A : memref<!tpu.dma_semaphore, #tpu.memory_space<semaphore_mem>>)
      %dma_wait3A = arith.constant 0 : i32
      %dma_wait3A_40 = tpu.memref_slice %arg7[%add3A_13, %dma_wait3A] : memref<10240x16xf32, #tpu.memory_space<vmem_shared>> -> memref<128x16xf32, #tpu.memory_space<vmem_shared>>
      %dma_wait3A_41 = arith.constant 0 : i32
      %dma_wait3A_42 = tpu.memref_slice %arg7[%add3A_13, %dma_wait3A_41] : memref<10240x16xf32, #tpu.memory_space<vmem_shared>> -> memref<128x16xf32, #tpu.memory_space<vmem_shared>>
      tpu.wait_dma2 semaphore(%run_scoped3A : memref<!tpu.dma_semaphore, #tpu.memory_space<semaphore_mem>>) src(%arg6 : memref<128x16xf32, #tpu.memory_space<vmem>>) dst(%dma_wait3A_42 : memref<128x16xf32, #tpu.memory_space<vmem_shared>>)
      tpu.yield
    }) : () -> ()
    %mul3A_14 = arith.constant 640 : i32
    %mul3A_15 = arith.muli %arg1, %mul3A_14 : i32
    %add3A_16 = arith.constant 256 : i32
    %add3A_17 = arith.addi %mul3A_15, %add3A_16 : i32
    "tpu.region"() ({
      %run_scoped3A = tpu.sem_alloc : memref<!tpu.dma_semaphore, #tpu.memory_space<semaphore_mem>>
      %dma_start3A = arith.constant 0 : i32
      %dma_start3A_37 = tpu.memref_slice %arg7[%add3A_17, %dma_start3A] : memref<10240x16xf32, #tpu.memory_space<vmem_shared>> -> memref<128x16xf32, #tpu.memory_space<vmem_shared>>
      %dma_start3A_38 = arith.constant 0 : i32
      %dma_start3A_39 = tpu.memref_slice %arg7[%add3A_17, %dma_start3A_38] : memref<10240x16xf32, #tpu.memory_space<vmem_shared>> -> memref<128x16xf32, #tpu.memory_space<vmem_shared>>
      tpu.enqueue_dma source(%arg6 : memref<128x16xf32, #tpu.memory_space<vmem>>) target(%dma_start3A_39 : memref<128x16xf32, #tpu.memory_space<vmem_shared>>) target_semaphore(%run_scoped3A : memref<!tpu.dma_semaphore, #tpu.memory_space<semaphore_mem>>)
      %dma_wait3A = arith.constant 0 : i32
      %dma_wait3A_40 = tpu.memref_slice %arg7[%add3A_17, %dma_wait3A] : memref<10240x16xf32, #tpu.memory_space<vmem_shared>> -> memref<128x16xf32, #tpu.memory_space<vmem_shared>>
      %dma_wait3A_41 = arith.constant 0 : i32
      %dma_wait3A_42 = tpu.memref_slice %arg7[%add3A_17, %dma_wait3A_41] : memref<10240x16xf32, #tpu.memory_space<vmem_shared>> -> memref<128x16xf32, #tpu.memory_space<vmem_shared>>
      tpu.wait_dma2 semaphore(%run_scoped3A : memref<!tpu.dma_semaphore, #tpu.memory_space<semaphore_mem>>) src(%arg6 : memref<128x16xf32, #tpu.memory_space<vmem>>) dst(%dma_wait3A_42 : memref<128x16xf32, #tpu.memory_space<vmem_shared>>)
      tpu.yield
    }) : () -> ()
    %mul3A_18 = arith.constant 640 : i32
    %mul3A_19 = arith.muli %arg1, %mul3A_18 : i32
    %add3A_20 = arith.constant 384 : i32
    %add3A_21 = arith.addi %mul3A_19, %add3A_20 : i32
    "tpu.region"() ({
      %run_scoped3A = tpu.sem_alloc : memref<!tpu.dma_semaphore, #tpu.memory_space<semaphore_mem>>
      %dma_start3A = arith.constant 0 : i32
      %dma_start3A_37 = tpu.memref_slice %arg7[%add3A_21, %dma_start3A] : memref<10240x16xf32, #tpu.memory_space<vmem_shared>> -> memref<128x16xf32, #tpu.memory_space<vmem_shared>>
      %dma_start3A_38 = arith.constant 0 : i32
      %dma_start3A_39 = tpu.memref_slice %arg7[%add3A_21, %dma_start3A_38] : memref<10240x16xf32, #tpu.memory_space<vmem_shared>> -> memref<128x16xf32, #tpu.memory_space<vmem_shared>>
      tpu.enqueue_dma source(%arg6 : memref<128x16xf32, #tpu.memory_space<vmem>>) target(%dma_start3A_39 : memref<128x16xf32, #tpu.memory_space<vmem_shared>>) target_semaphore(%run_scoped3A : memref<!tpu.dma_semaphore, #tpu.memory_space<semaphore_mem>>)
      %dma_wait3A = arith.constant 0 : i32
      %dma_wait3A_40 = tpu.memref_slice %arg7[%add3A_21, %dma_wait3A] : memref<10240x16xf32, #tpu.memory_space<vmem_shared>> -> memref<128x16xf32, #tpu.memory_space<vmem_shared>>
      %dma_wait3A_41 = arith.constant 0 : i32
      %dma_wait3A_42 = tpu.memref_slice %arg7[%add3A_21, %dma_wait3A_41] : memref<10240x16xf32, #tpu.memory_space<vmem_shared>> -> memref<128x16xf32, #tpu.memory_space<vmem_shared>>
      tpu.wait_dma2 semaphore(%run_scoped3A : memref<!tpu.dma_semaphore, #tpu.memory_space<semaphore_mem>>) src(%arg6 : memref<128x16xf32, #tpu.memory_space<vmem>>) dst(%dma_wait3A_42 : memref<128x16xf32, #tpu.memory_space<vmem_shared>>)
      tpu.yield
    }) : () -> ()
    %mul3A_22 = arith.constant 640 : i32
    %mul3A_23 = arith.muli %arg1, %mul3A_22 : i32
    %add3A_24 = arith.constant 512 : i32
    %add3A_25 = arith.addi %mul3A_23, %add3A_24 : i32
    "tpu.region"() ({
      %run_scoped3A = tpu.sem_alloc : memref<!tpu.dma_semaphore, #tpu.memory_space<semaphore_mem>>
      %dma_start3A = arith.constant 0 : i32
      %dma_start3A_37 = tpu.memref_slice %arg7[%add3A_25, %dma_start3A] : memref<10240x16xf32, #tpu.memory_space<vmem_shared>> -> memref<128x16xf32, #tpu.memory_space<vmem_shared>>
      %dma_start3A_38 = arith.constant 0 : i32
      %dma_start3A_39 = tpu.memref_slice %arg7[%add3A_25, %dma_start3A_38] : memref<10240x16xf32, #tpu.memory_space<vmem_shared>> -> memref<128x16xf32, #tpu.memory_space<vmem_shared>>
      tpu.enqueue_dma source(%arg6 : memref<128x16xf32, #tpu.memory_space<vmem>>) target(%dma_start3A_39 : memref<128x16xf32, #tpu.memory_space<vmem_shared>>) target_semaphore(%run_scoped3A : memref<!tpu.dma_semaphore, #tpu.memory_space<semaphore_mem>>)
      %dma_wait3A = arith.constant 0 : i32
      %dma_wait3A_40 = tpu.memref_slice %arg7[%add3A_25, %dma_wait3A] : memref<10240x16xf32, #tpu.memory_space<vmem_shared>> -> memref<128x16xf32, #tpu.memory_space<vmem_shared>>
      %dma_wait3A_41 = arith.constant 0 : i32
      %dma_wait3A_42 = tpu.memref_slice %arg7[%add3A_25, %dma_wait3A_41] : memref<10240x16xf32, #tpu.memory_space<vmem_shared>> -> memref<128x16xf32, #tpu.memory_space<vmem_shared>>
      tpu.wait_dma2 semaphore(%run_scoped3A : memref<!tpu.dma_semaphore, #tpu.memory_space<semaphore_mem>>) src(%arg6 : memref<128x16xf32, #tpu.memory_space<vmem>>) dst(%dma_wait3A_42 : memref<128x16xf32, #tpu.memory_space<vmem_shared>>)
      tpu.yield
    }) : () -> ()
    "tpu.region"() ({
      %run_scoped3A = tpu.sem_alloc : memref<!tpu.dma_semaphore, #tpu.memory_space<semaphore_mem>>
      %dma_start3A = arith.constant 0 : i32
      %dma_start3A_37 = arith.constant 0 : i32
      %dma_start3A_38 = tpu.memref_slice %arg2[%add3A, %dma_start3A, %dma_start3A_37] : memref<32x79x128xi32, #tpu.memory_space<hbm>> -> memref<1x79x128xi32, #tpu.memory_space<hbm>>
      %dma_start3A_39 = tpu.memref_squeeze %dma_start3A_38 : memref<1x79x128xi32, #tpu.memory_space<hbm>> -> memref<79x128xi32, #tpu.memory_space<hbm>>
      %dma_start3A_40 = arith.constant 0 : i32
      %dma_start3A_41 = arith.constant 0 : i32
      %dma_start3A_42 = tpu.memref_slice %arg2[%add3A, %dma_start3A_40, %dma_start3A_41] : memref<32x79x128xi32, #tpu.memory_space<hbm>> -> memref<1x79x128xi32, #tpu.memory_space<hbm>>
      %dma_start3A_43 = tpu.memref_squeeze %dma_start3A_42 : memref<1x79x128xi32, #tpu.memory_space<hbm>> -> memref<79x128xi32, #tpu.memory_space<hbm>>
      tpu.enqueue_dma source(%dma_start3A_43 : memref<79x128xi32, #tpu.memory_space<hbm>>) target(%arg4 : memref<79x128xi32, #tpu.memory_space<vmem>>) target_semaphore(%run_scoped3A : memref<!tpu.dma_semaphore, #tpu.memory_space<semaphore_mem>>)
      %dma_wait3A = arith.constant 0 : i32
      %dma_wait3A_44 = arith.constant 0 : i32
      %dma_wait3A_45 = tpu.memref_slice %arg2[%add3A, %dma_wait3A, %dma_wait3A_44] : memref<32x79x128xi32, #tpu.memory_space<hbm>> -> memref<1x79x128xi32, #tpu.memory_space<hbm>>
      %dma_wait3A_46 = tpu.memref_squeeze %dma_wait3A_45 : memref<1x79x128xi32, #tpu.memory_space<hbm>> -> memref<79x128xi32, #tpu.memory_space<hbm>>
      %dma_wait3A_47 = arith.constant 0 : i32
      %dma_wait3A_48 = arith.constant 0 : i32
      %dma_wait3A_49 = tpu.memref_slice %arg2[%add3A, %dma_wait3A_47, %dma_wait3A_48] : memref<32x79x128xi32, #tpu.memory_space<hbm>> -> memref<1x79x128xi32, #tpu.memory_space<hbm>>
      %dma_wait3A_50 = tpu.memref_squeeze %dma_wait3A_49 : memref<1x79x128xi32, #tpu.memory_space<hbm>> -> memref<79x128xi32, #tpu.memory_space<hbm>>
      tpu.wait_dma2 semaphore(%run_scoped3A : memref<!tpu.dma_semaphore, #tpu.memory_space<semaphore_mem>>) src(%dma_wait3A_50 : memref<79x128xi32, #tpu.memory_space<hbm>>) dst(%arg4 : memref<79x128xi32, #tpu.memory_space<vmem>>)
      tpu.yield
    }) : () -> ()
    %barrier3A = arith.constant 0 : index
    tpu.barrier barrier_id(%barrier3A)
    %scan3A_26 = arith.constant 0 : i32
    %scan3A_27 = arith.constant 0 : i32
    %scan3A_28 = arith.constant 79 : i32
    %scan3A_29 = arith.addi %scan3A_27, %scan3A_28 : i32
    %scan3A_30 = arith.constant 1 : i32
    scf.for %scan3A_37 = %scan3A_27 to %scan3A_29 step %scan3A_30  : i32 {
      "tpu.region"() ({
        %run_scoped3A = tpu.sem_alloc : memref<!tpu.dma_semaphore, #tpu.memory_space<semaphore_mem>>
        %dma_start3A = arith.constant 0 : i32
        %dma_start3A_38 = tpu.memref_slice %arg4[%scan3A_37, %dma_start3A] : memref<79x128xi32, #tpu.memory_space<vmem>> -> memref<1x128xi32, #tpu.memory_space<vmem>>
        %dma_start3A_39 = tpu.memref_squeeze %dma_start3A_38 : memref<1x128xi32, #tpu.memory_space<vmem>> -> memref<128xi32, #tpu.memory_space<vmem>>
        %dma_start3A_40 = arith.constant 0 : i32
        %dma_start3A_41 = arith.constant 0 : i32
        %dma_start3A_42 = tpu.memref_slice %arg7[%dma_start3A_40, %dma_start3A_41] : memref<10240x16xf32, #tpu.memory_space<vmem_shared>> -> memref<10240x16xf32, #tpu.memory_space<vmem_shared>>
        tpu.enqueue_indirect_dma source(%arg5 : memref<128x16xf32, #tpu.memory_space<vmem>>) target(%dma_start3A_42 : memref<10240x16xf32, #tpu.memory_space<vmem_shared>>) offsets(%dma_start3A_39 : memref<128xi32, #tpu.memory_space<vmem>>) semaphore(%run_scoped3A : memref<!tpu.dma_semaphore, #tpu.memory_space<semaphore_mem>>) {add = true}
        %dma_wait3A = arith.constant 0 : i32
        %dma_wait3A_43 = tpu.memref_slice %arg4[%scan3A_37, %dma_wait3A] : memref<79x128xi32, #tpu.memory_space<vmem>> -> memref<1x128xi32, #tpu.memory_space<vmem>>
        %dma_wait3A_44 = tpu.memref_squeeze %dma_wait3A_43 : memref<1x128xi32, #tpu.memory_space<vmem>> -> memref<128xi32, #tpu.memory_space<vmem>>
        %dma_wait3A_45 = arith.constant 0 : i32
        %dma_wait3A_46 = arith.constant 0 : i32
        %dma_wait3A_47 = tpu.memref_slice %arg7[%dma_wait3A_45, %dma_wait3A_46] : memref<10240x16xf32, #tpu.memory_space<vmem_shared>> -> memref<10240x16xf32, #tpu.memory_space<vmem_shared>>
        tpu.wait_indirect_dma semaphore(%run_scoped3A : memref<!tpu.dma_semaphore, #tpu.memory_space<semaphore_mem>>) src(%arg5 : memref<128x16xf32, #tpu.memory_space<vmem>>) dst(%dma_wait3A_47 : memref<10240x16xf32, #tpu.memory_space<vmem_shared>>)
        tpu.yield
      }) : () -> ()
    }
    %scan3A_31 = arith.constant 79 : i32
    %barrier3A_32 = arith.constant 0 : index
    tpu.barrier barrier_id(%barrier3A_32)
    %mul3A_33 = arith.constant 640 : i32
    %mul3A_34 = arith.muli %arg1, %mul3A_33 : i32
    %mul3A_35 = arith.constant 640 : i32
    %mul3A_36 = arith.muli %arg1, %mul3A_35 : i32
    "tpu.region"() ({
      %run_scoped3A = tpu.sem_alloc : memref<!tpu.dma_semaphore, #tpu.memory_space<semaphore_mem>>
      %dma_start3A = arith.constant 0 : i32
      %dma_start3A_37 = tpu.memref_slice %arg3[%arg0, %mul3A_36, %dma_start3A] : memref<2x10240x16xf32, #tpu.memory_space<hbm>> -> memref<1x640x16xf32, #tpu.memory_space<hbm>>
      %dma_start3A_38 = tpu.memref_squeeze %dma_start3A_37 : memref<1x640x16xf32, #tpu.memory_space<hbm>> -> memref<640x16xf32, #tpu.memory_space<hbm>>
      %dma_start3A_39 = arith.constant 0 : i32
      %dma_start3A_40 = tpu.memref_slice %arg7[%mul3A_34, %dma_start3A_39] : memref<10240x16xf32, #tpu.memory_space<vmem_shared>> -> memref<640x16xf32, #tpu.memory_space<vmem_shared>>
      tpu.enqueue_dma source(%dma_start3A_40 : memref<640x16xf32, #tpu.memory_space<vmem_shared>>) target(%dma_start3A_38 : memref<640x16xf32, #tpu.memory_space<hbm>>) target_semaphore(%run_scoped3A : memref<!tpu.dma_semaphore, #tpu.memory_space<semaphore_mem>>)
      %dma_wait3A = arith.constant 0 : i32
      %dma_wait3A_41 = tpu.memref_slice %arg3[%arg0, %mul3A_36, %dma_wait3A] : memref<2x10240x16xf32, #tpu.memory_space<hbm>> -> memref<1x640x16xf32, #tpu.memory_space<hbm>>
      %dma_wait3A_42 = tpu.memref_squeeze %dma_wait3A_41 : memref<1x640x16xf32, #tpu.memory_space<hbm>> -> memref<640x16xf32, #tpu.memory_space<hbm>>
      %dma_wait3A_43 = arith.constant 0 : i32
      %dma_wait3A_44 = tpu.memref_slice %arg7[%mul3A_34, %dma_wait3A_43] : memref<10240x16xf32, #tpu.memory_space<vmem_shared>> -> memref<640x16xf32, #tpu.memory_space<vmem_shared>>
      tpu.wait_dma2 semaphore(%run_scoped3A : memref<!tpu.dma_semaphore, #tpu.memory_space<semaphore_mem>>) src(%dma_wait3A_44 : memref<640x16xf32, #tpu.memory_space<vmem_shared>>) dst(%dma_wait3A_42 : memref<640x16xf32, #tpu.memory_space<hbm>>)
      tpu.yield
    }) : () -> ()
    return
  }
}

#map = affine_map<(d0, d1) -> (0, 0)>
#map1 = affine_map<(d0, d1) -> (0, 0, 0, 0)>
#map2 = affine_map<(d0, d1) -> (0, 0, 0)>
module attributes {stable_mosaic.version = 14 : i64} {
  func.func @body(%arg0: i32, %arg1: i32, %arg2: memref<10240x128xf32, #tpu.memory_space<hbm>>, %arg3: memref<2x16x128x128xi32, #tpu.memory_space<hbm>>, %arg4: memref<2x16x128x128xi32, #tpu.memory_space<hbm>>, %arg5: memref<2x10240x128xf32, #tpu.memory_space<hbm>>, %arg6: memref<32x128xi32, #tpu.memory_space<vmem>>, %arg7: memref<32x128xi32, #tpu.memory_space<vmem>>, %arg8: memref<2x128x128xf32, #tpu.memory_space<vmem>>, %arg9: memref<10240x128xf32, #tpu.memory_space<vmem_shared>>, %arg10: memref<!tpu.dma_semaphore, #tpu.memory_space<semaphore_mem>>, %arg11: memref<!tpu.dma_semaphore, #tpu.memory_space<semaphore_mem>>) attributes {dimension_semantics = [#tpu.dimension_semantics<core_parallel>, #tpu.dimension_semantics<subcore_parallel>], iteration_bounds = array<i64: 2, 16>, scalar_prefetch = 0 : i64, scratch_operands = 6 : i64, tpu.core_type = #tpu.core_type<sc_vector_subcore>, window_params = [{transform_indices = #map}, {transform_indices = #map1}, {transform_indices = #map1}, {transform_indices = #map2}]} {
    %eq3A = arith.constant 0 : i32
    %eq3A_0 = arith.cmpi eq, %arg0, %eq3A : i32
    %jit3A = arith.constant 79 : i32
    %jit3A_1 = arith.constant 78 : i32
    %select_n3A = arith.select %eq3A_0, %jit3A, %jit3A_1 : i32
    %broadcast_in_dim3A = arith.constant 0.000000e+00 : f32
    %broadcast_in_dim3A_2 = vector.broadcast %broadcast_in_dim3A : f32 to vector<16xf32>
    %scan3A = arith.constant 0 : i32
    %scan3A_3 = arith.constant 0 : i32
    %scan3A_4 = arith.constant 128 : i32
    %scan3A_5 = arith.addi %scan3A_3, %scan3A_4 : i32
    %scan3A_6 = arith.constant 1 : i32
    scf.for %scan3A_99 = %scan3A_3 to %scan3A_5 step %scan3A_6  : i32 {
      %swap3A = arith.constant 0 : i32
      %swap3A_100 = arith.index_cast %swap3A : i32 to index
      %swap3A_101 = arith.index_cast %scan3A_99 : i32 to index
      %swap3A_102 = arith.constant 0 : index
      %swap3A_103 = tpu.vector_load %arg8[%swap3A_100, %swap3A_101, %swap3A_102] {strides = array<i32>} : memref<2x128x128xf32, #tpu.memory_space<vmem>>, vector<1x1x16xf32>,
      %swap3A_104 = vector.shape_cast %swap3A_103 : vector<1x1x16xf32> to vector<16xf32>
      %swap3A_105 = vector.shape_cast %broadcast_in_dim3A_2 : vector<16xf32> to vector<1x1x16xf32>
      tpu.vector_store %arg8[%swap3A_100, %swap3A_101, %swap3A_102], %swap3A_105 {strides = array<i32>} : memref<2x128x128xf32, #tpu.memory_space<vmem>>, vector<1x1x16xf32>,
      %swap3A_106 = arith.constant 0 : i32
      %swap3A_107 = arith.index_cast %swap3A_106 : i32 to index
      %swap3A_108 = arith.index_cast %scan3A_99 : i32 to index
      %swap3A_109 = arith.constant 16 : index
      %swap3A_110 = tpu.vector_load %arg8[%swap3A_107, %swap3A_108, %swap3A_109] {strides = array<i32>} : memref<2x128x128xf32, #tpu.memory_space<vmem>>, vector<1x1x16xf32>,
      %swap3A_111 = vector.shape_cast %swap3A_110 : vector<1x1x16xf32> to vector<16xf32>
      %swap3A_112 = vector.shape_cast %broadcast_in_dim3A_2 : vector<16xf32> to vector<1x1x16xf32>
      tpu.vector_store %arg8[%swap3A_107, %swap3A_108, %swap3A_109], %swap3A_112 {strides = array<i32>} : memref<2x128x128xf32, #tpu.memory_space<vmem>>, vector<1x1x16xf32>,
      %swap3A_113 = arith.constant 0 : i32
      %swap3A_114 = arith.index_cast %swap3A_113 : i32 to index
      %swap3A_115 = arith.index_cast %scan3A_99 : i32 to index
      %swap3A_116 = arith.constant 32 : index
      %swap3A_117 = tpu.vector_load %arg8[%swap3A_114, %swap3A_115, %swap3A_116] {strides = array<i32>} : memref<2x128x128xf32, #tpu.memory_space<vmem>>, vector<1x1x16xf32>,
      %swap3A_118 = vector.shape_cast %swap3A_117 : vector<1x1x16xf32> to vector<16xf32>
      %swap3A_119 = vector.shape_cast %broadcast_in_dim3A_2 : vector<16xf32> to vector<1x1x16xf32>
      tpu.vector_store %arg8[%swap3A_114, %swap3A_115, %swap3A_116], %swap3A_119 {strides = array<i32>} : memref<2x128x128xf32, #tpu.memory_space<vmem>>, vector<1x1x16xf32>,
      %swap3A_120 = arith.constant 0 : i32
      %swap3A_121 = arith.index_cast %swap3A_120 : i32 to index
      %swap3A_122 = arith.index_cast %scan3A_99 : i32 to index
      %swap3A_123 = arith.constant 48 : index
      %swap3A_124 = tpu.vector_load %arg8[%swap3A_121, %swap3A_122, %swap3A_123] {strides = array<i32>} : memref<2x128x128xf32, #tpu.memory_space<vmem>>, vector<1x1x16xf32>,
      %swap3A_125 = vector.shape_cast %swap3A_124 : vector<1x1x16xf32> to vector<16xf32>
      %swap3A_126 = vector.shape_cast %broadcast_in_dim3A_2 : vector<16xf32> to vector<1x1x16xf32>
      tpu.vector_store %arg8[%swap3A_121, %swap3A_122, %swap3A_123], %swap3A_126 {strides = array<i32>} : memref<2x128x128xf32, #tpu.memory_space<vmem>>, vector<1x1x16xf32>,
      %swap3A_127 = arith.constant 0 : i32
      %swap3A_128 = arith.index_cast %swap3A_127 : i32 to index
      %swap3A_129 = arith.index_cast %scan3A_99 : i32 to index
      %swap3A_130 = arith.constant 64 : index
      %swap3A_131 = tpu.vector_load %arg8[%swap3A_128, %swap3A_129, %swap3A_130] {strides = array<i32>} : memref<2x128x128xf32, #tpu.memory_space<vmem>>, vector<1x1x16xf32>,
      %swap3A_132 = vector.shape_cast %swap3A_131 : vector<1x1x16xf32> to vector<16xf32>
      %swap3A_133 = vector.shape_cast %broadcast_in_dim3A_2 : vector<16xf32> to vector<1x1x16xf32>
      tpu.vector_store %arg8[%swap3A_128, %swap3A_129, %swap3A_130], %swap3A_133 {strides = array<i32>} : memref<2x128x128xf32, #tpu.memory_space<vmem>>, vector<1x1x16xf32>,
      %swap3A_134 = arith.constant 0 : i32
      %swap3A_135 = arith.index_cast %swap3A_134 : i32 to index
      %swap3A_136 = arith.index_cast %scan3A_99 : i32 to index
      %swap3A_137 = arith.constant 80 : index
      %swap3A_138 = tpu.vector_load %arg8[%swap3A_135, %swap3A_136, %swap3A_137] {strides = array<i32>} : memref<2x128x128xf32, #tpu.memory_space<vmem>>, vector<1x1x16xf32>,
      %swap3A_139 = vector.shape_cast %swap3A_138 : vector<1x1x16xf32> to vector<16xf32>
      %swap3A_140 = vector.shape_cast %broadcast_in_dim3A_2 : vector<16xf32> to vector<1x1x16xf32>
      tpu.vector_store %arg8[%swap3A_135, %swap3A_136, %swap3A_137], %swap3A_140 {strides = array<i32>} : memref<2x128x128xf32, #tpu.memory_space<vmem>>, vector<1x1x16xf32>,
      %swap3A_141 = arith.constant 0 : i32
      %swap3A_142 = arith.index_cast %swap3A_141 : i32 to index
      %swap3A_143 = arith.index_cast %scan3A_99 : i32 to index
      %swap3A_144 = arith.constant 96 : index
      %swap3A_145 = tpu.vector_load %arg8[%swap3A_142, %swap3A_143, %swap3A_144] {strides = array<i32>} : memref<2x128x128xf32, #tpu.memory_space<vmem>>, vector<1x1x16xf32>,
      %swap3A_146 = vector.shape_cast %swap3A_145 : vector<1x1x16xf32> to vector<16xf32>
      %swap3A_147 = vector.shape_cast %broadcast_in_dim3A_2 : vector<16xf32> to vector<1x1x16xf32>
      tpu.vector_store %arg8[%swap3A_142, %swap3A_143, %swap3A_144], %swap3A_147 {strides = array<i32>} : memref<2x128x128xf32, #tpu.memory_space<vmem>>, vector<1x1x16xf32>,
      %swap3A_148 = arith.constant 0 : i32
      %swap3A_149 = arith.index_cast %swap3A_148 : i32 to index
      %swap3A_150 = arith.index_cast %scan3A_99 : i32 to index
      %swap3A_151 = arith.constant 112 : index
      %swap3A_152 = tpu.vector_load %arg8[%swap3A_149, %swap3A_150, %swap3A_151] {strides = array<i32>} : memref<2x128x128xf32, #tpu.memory_space<vmem>>, vector<1x1x16xf32>,
      %swap3A_153 = vector.shape_cast %swap3A_152 : vector<1x1x16xf32> to vector<16xf32>
      %swap3A_154 = vector.shape_cast %broadcast_in_dim3A_2 : vector<16xf32> to vector<1x1x16xf32>
      tpu.vector_store %arg8[%swap3A_149, %swap3A_150, %swap3A_151], %swap3A_154 {strides = array<i32>} : memref<2x128x128xf32, #tpu.memory_space<vmem>>, vector<1x1x16xf32>,
    }
    %scan3A_7 = arith.constant 128 : i32
    %mul3A = arith.constant 640 : i32
    %mul3A_8 = arith.muli %arg1, %mul3A : i32
    %add3A = arith.constant 0 : i32
    %add3A_9 = arith.addi %mul3A_8, %add3A : i32
    %run_scoped3A = arith.constant 0 : i32
    "tpu.region"() ({
      %run_scoped3A_99 = tpu.sem_alloc : memref<!tpu.dma_semaphore, #tpu.memory_space<semaphore_mem>>
      %dma_start3A = arith.constant 0 : i32
      %dma_start3A_100 = arith.constant 0 : i32
      %dma_start3A_101 = tpu.memref_slice %arg8[%run_scoped3A, %dma_start3A, %dma_start3A_100] : memref<2x128x128xf32, #tpu.memory_space<vmem>> -> memref<1x128x128xf32, #tpu.memory_space<vmem>>
      %dma_start3A_102 = tpu.memref_squeeze %dma_start3A_101 : memref<1x128x128xf32, #tpu.memory_space<vmem>> -> memref<128x128xf32, #tpu.memory_space<vmem>>
      %dma_start3A_103 = arith.constant 0 : i32
      %dma_start3A_104 = tpu.memref_slice %arg9[%add3A_9, %dma_start3A_103] : memref<10240x128xf32, #tpu.memory_space<vmem_shared>> -> memref<128x128xf32, #tpu.memory_space<vmem_shared>>
      %dma_start3A_105 = arith.constant 0 : i32
      %dma_start3A_106 = tpu.memref_slice %arg9[%add3A_9, %dma_start3A_105] : memref<10240x128xf32, #tpu.memory_space<vmem_shared>> -> memref<128x128xf32, #tpu.memory_space<vmem_shared>>
      %dma_start3A_107 = arith.constant 0 : i32
      %dma_start3A_108 = arith.constant 0 : i32
      %dma_start3A_109 = tpu.memref_slice %arg8[%run_scoped3A, %dma_start3A_107, %dma_start3A_108] : memref<2x128x128xf32, #tpu.memory_space<vmem>> -> memref<1x128x128xf32, #tpu.memory_space<vmem>>
      %dma_start3A_110 = tpu.memref_squeeze %dma_start3A_109 : memref<1x128x128xf32, #tpu.memory_space<vmem>> -> memref<128x128xf32, #tpu.memory_space<vmem>>
      tpu.enqueue_dma source(%dma_start3A_110 : memref<128x128xf32, #tpu.memory_space<vmem>>) target(%dma_start3A_106 : memref<128x128xf32, #tpu.memory_space<vmem_shared>>) target_semaphore(%run_scoped3A_99 : memref<!tpu.dma_semaphore, #tpu.memory_space<semaphore_mem>>)
      %dma_wait3A = arith.constant 0 : i32
      %dma_wait3A_111 = arith.constant 0 : i32
      %dma_wait3A_112 = tpu.memref_slice %arg8[%run_scoped3A, %dma_wait3A, %dma_wait3A_111] : memref<2x128x128xf32, #tpu.memory_space<vmem>> -> memref<1x128x128xf32, #tpu.memory_space<vmem>>
      %dma_wait3A_113 = tpu.memref_squeeze %dma_wait3A_112 : memref<1x128x128xf32, #tpu.memory_space<vmem>> -> memref<128x128xf32, #tpu.memory_space<vmem>>
      %dma_wait3A_114 = arith.constant 0 : i32
      %dma_wait3A_115 = tpu.memref_slice %arg9[%add3A_9, %dma_wait3A_114] : memref<10240x128xf32, #tpu.memory_space<vmem_shared>> -> memref<128x128xf32, #tpu.memory_space<vmem_shared>>
      %dma_wait3A_116 = arith.constant 0 : i32
      %dma_wait3A_117 = tpu.memref_slice %arg9[%add3A_9, %dma_wait3A_116] : memref<10240x128xf32, #tpu.memory_space<vmem_shared>> -> memref<128x128xf32, #tpu.memory_space<vmem_shared>>
      %dma_wait3A_118 = arith.constant 0 : i32
      %dma_wait3A_119 = arith.constant 0 : i32
      %dma_wait3A_120 = tpu.memref_slice %arg8[%run_scoped3A, %dma_wait3A_118, %dma_wait3A_119] : memref<2x128x128xf32, #tpu.memory_space<vmem>> -> memref<1x128x128xf32, #tpu.memory_space<vmem>>
      %dma_wait3A_121 = tpu.memref_squeeze %dma_wait3A_120 : memref<1x128x128xf32, #tpu.memory_space<vmem>> -> memref<128x128xf32, #tpu.memory_space<vmem>>
      tpu.wait_dma2 semaphore(%run_scoped3A_99 : memref<!tpu.dma_semaphore, #tpu.memory_space<semaphore_mem>>) src(%dma_wait3A_121 : memref<128x128xf32, #tpu.memory_space<vmem>>) dst(%dma_wait3A_117 : memref<128x128xf32, #tpu.memory_space<vmem_shared>>)
      tpu.yield
    }) : () -> ()
    %mul3A_10 = arith.constant 640 : i32
    %mul3A_11 = arith.muli %arg1, %mul3A_10 : i32
    %add3A_12 = arith.constant 128 : i32
    %add3A_13 = arith.addi %mul3A_11, %add3A_12 : i32
    %run_scoped3A_14 = arith.constant 0 : i32
    "tpu.region"() ({
      %run_scoped3A_99 = tpu.sem_alloc : memref<!tpu.dma_semaphore, #tpu.memory_space<semaphore_mem>>
      %dma_start3A = arith.constant 0 : i32
      %dma_start3A_100 = arith.constant 0 : i32
      %dma_start3A_101 = tpu.memref_slice %arg8[%run_scoped3A_14, %dma_start3A, %dma_start3A_100] : memref<2x128x128xf32, #tpu.memory_space<vmem>> -> memref<1x128x128xf32, #tpu.memory_space<vmem>>
      %dma_start3A_102 = tpu.memref_squeeze %dma_start3A_101 : memref<1x128x128xf32, #tpu.memory_space<vmem>> -> memref<128x128xf32, #tpu.memory_space<vmem>>
      %dma_start3A_103 = arith.constant 0 : i32
      %dma_start3A_104 = tpu.memref_slice %arg9[%add3A_13, %dma_start3A_103] : memref<10240x128xf32, #tpu.memory_space<vmem_shared>> -> memref<128x128xf32, #tpu.memory_space<vmem_shared>>
      %dma_start3A_105 = arith.constant 0 : i32
      %dma_start3A_106 = tpu.memref_slice %arg9[%add3A_13, %dma_start3A_105] : memref<10240x128xf32, #tpu.memory_space<vmem_shared>> -> memref<128x128xf32, #tpu.memory_space<vmem_shared>>
      %dma_start3A_107 = arith.constant 0 : i32
      %dma_start3A_108 = arith.constant 0 : i32
      %dma_start3A_109 = tpu.memref_slice %arg8[%run_scoped3A_14, %dma_start3A_107, %dma_start3A_108] : memref<2x128x128xf32, #tpu.memory_space<vmem>> -> memref<1x128x128xf32, #tpu.memory_space<vmem>>
      %dma_start3A_110 = tpu.memref_squeeze %dma_start3A_109 : memref<1x128x128xf32, #tpu.memory_space<vmem>> -> memref<128x128xf32, #tpu.memory_space<vmem>>
      tpu.enqueue_dma source(%dma_start3A_110 : memref<128x128xf32, #tpu.memory_space<vmem>>) target(%dma_start3A_106 : memref<128x128xf32, #tpu.memory_space<vmem_shared>>) target_semaphore(%run_scoped3A_99 : memref<!tpu.dma_semaphore, #tpu.memory_space<semaphore_mem>>)
      %dma_wait3A = arith.constant 0 : i32
      %dma_wait3A_111 = arith.constant 0 : i32
      %dma_wait3A_112 = tpu.memref_slice %arg8[%run_scoped3A_14, %dma_wait3A, %dma_wait3A_111] : memref<2x128x128xf32, #tpu.memory_space<vmem>> -> memref<1x128x128xf32, #tpu.memory_space<vmem>>
      %dma_wait3A_113 = tpu.memref_squeeze %dma_wait3A_112 : memref<1x128x128xf32, #tpu.memory_space<vmem>> -> memref<128x128xf32, #tpu.memory_space<vmem>>
      %dma_wait3A_114 = arith.constant 0 : i32
      %dma_wait3A_115 = tpu.memref_slice %arg9[%add3A_13, %dma_wait3A_114] : memref<10240x128xf32, #tpu.memory_space<vmem_shared>> -> memref<128x128xf32, #tpu.memory_space<vmem_shared>>
      %dma_wait3A_116 = arith.constant 0 : i32
      %dma_wait3A_117 = tpu.memref_slice %arg9[%add3A_13, %dma_wait3A_116] : memref<10240x128xf32, #tpu.memory_space<vmem_shared>> -> memref<128x128xf32, #tpu.memory_space<vmem_shared>>
      %dma_wait3A_118 = arith.constant 0 : i32
      %dma_wait3A_119 = arith.constant 0 : i32
      %dma_wait3A_120 = tpu.memref_slice %arg8[%run_scoped3A_14, %dma_wait3A_118, %dma_wait3A_119] : memref<2x128x128xf32, #tpu.memory_space<vmem>> -> memref<1x128x128xf32, #tpu.memory_space<vmem>>
      %dma_wait3A_121 = tpu.memref_squeeze %dma_wait3A_120 : memref<1x128x128xf32, #tpu.memory_space<vmem>> -> memref<128x128xf32, #tpu.memory_space<vmem>>
      tpu.wait_dma2 semaphore(%run_scoped3A_99 : memref<!tpu.dma_semaphore, #tpu.memory_space<semaphore_mem>>) src(%dma_wait3A_121 : memref<128x128xf32, #tpu.memory_space<vmem>>) dst(%dma_wait3A_117 : memref<128x128xf32, #tpu.memory_space<vmem_shared>>)
      tpu.yield
    }) : () -> ()
    %mul3A_15 = arith.constant 640 : i32
    %mul3A_16 = arith.muli %arg1, %mul3A_15 : i32
    %add3A_17 = arith.constant 256 : i32
    %add3A_18 = arith.addi %mul3A_16, %add3A_17 : i32
    %run_scoped3A_19 = arith.constant 0 : i32
    "tpu.region"() ({
      %run_scoped3A_99 = tpu.sem_alloc : memref<!tpu.dma_semaphore, #tpu.memory_space<semaphore_mem>>
      %dma_start3A = arith.constant 0 : i32
      %dma_start3A_100 = arith.constant 0 : i32
      %dma_start3A_101 = tpu.memref_slice %arg8[%run_scoped3A_19, %dma_start3A, %dma_start3A_100] : memref<2x128x128xf32, #tpu.memory_space<vmem>> -> memref<1x128x128xf32, #tpu.memory_space<vmem>>
      %dma_start3A_102 = tpu.memref_squeeze %dma_start3A_101 : memref<1x128x128xf32, #tpu.memory_space<vmem>> -> memref<128x128xf32, #tpu.memory_space<vmem>>
      %dma_start3A_103 = arith.constant 0 : i32
      %dma_start3A_104 = tpu.memref_slice %arg9[%add3A_18, %dma_start3A_103] : memref<10240x128xf32, #tpu.memory_space<vmem_shared>> -> memref<128x128xf32, #tpu.memory_space<vmem_shared>>
      %dma_start3A_105 = arith.constant 0 : i32
      %dma_start3A_106 = tpu.memref_slice %arg9[%add3A_18, %dma_start3A_105] : memref<10240x128xf32, #tpu.memory_space<vmem_shared>> -> memref<128x128xf32, #tpu.memory_space<vmem_shared>>
      %dma_start3A_107 = arith.constant 0 : i32
      %dma_start3A_108 = arith.constant 0 : i32
      %dma_start3A_109 = tpu.memref_slice %arg8[%run_scoped3A_19, %dma_start3A_107, %dma_start3A_108] : memref<2x128x128xf32, #tpu.memory_space<vmem>> -> memref<1x128x128xf32, #tpu.memory_space<vmem>>
      %dma_start3A_110 = tpu.memref_squeeze %dma_start3A_109 : memref<1x128x128xf32, #tpu.memory_space<vmem>> -> memref<128x128xf32, #tpu.memory_space<vmem>>
      tpu.enqueue_dma source(%dma_start3A_110 : memref<128x128xf32, #tpu.memory_space<vmem>>) target(%dma_start3A_106 : memref<128x128xf32, #tpu.memory_space<vmem_shared>>) target_semaphore(%run_scoped3A_99 : memref<!tpu.dma_semaphore, #tpu.memory_space<semaphore_mem>>)
      %dma_wait3A = arith.constant 0 : i32
      %dma_wait3A_111 = arith.constant 0 : i32
      %dma_wait3A_112 = tpu.memref_slice %arg8[%run_scoped3A_19, %dma_wait3A, %dma_wait3A_111] : memref<2x128x128xf32, #tpu.memory_space<vmem>> -> memref<1x128x128xf32, #tpu.memory_space<vmem>>
      %dma_wait3A_113 = tpu.memref_squeeze %dma_wait3A_112 : memref<1x128x128xf32, #tpu.memory_space<vmem>> -> memref<128x128xf32, #tpu.memory_space<vmem>>
      %dma_wait3A_114 = arith.constant 0 : i32
      %dma_wait3A_115 = tpu.memref_slice %arg9[%add3A_18, %dma_wait3A_114] : memref<10240x128xf32, #tpu.memory_space<vmem_shared>> -> memref<128x128xf32, #tpu.memory_space<vmem_shared>>
      %dma_wait3A_116 = arith.constant 0 : i32
      %dma_wait3A_117 = tpu.memref_slice %arg9[%add3A_18, %dma_wait3A_116] : memref<10240x128xf32, #tpu.memory_space<vmem_shared>> -> memref<128x128xf32, #tpu.memory_space<vmem_shared>>
      %dma_wait3A_118 = arith.constant 0 : i32
      %dma_wait3A_119 = arith.constant 0 : i32
      %dma_wait3A_120 = tpu.memref_slice %arg8[%run_scoped3A_19, %dma_wait3A_118, %dma_wait3A_119] : memref<2x128x128xf32, #tpu.memory_space<vmem>> -> memref<1x128x128xf32, #tpu.memory_space<vmem>>
      %dma_wait3A_121 = tpu.memref_squeeze %dma_wait3A_120 : memref<1x128x128xf32, #tpu.memory_space<vmem>> -> memref<128x128xf32, #tpu.memory_space<vmem>>
      tpu.wait_dma2 semaphore(%run_scoped3A_99 : memref<!tpu.dma_semaphore, #tpu.memory_space<semaphore_mem>>) src(%dma_wait3A_121 : memref<128x128xf32, #tpu.memory_space<vmem>>) dst(%dma_wait3A_117 : memref<128x128xf32, #tpu.memory_space<vmem_shared>>)
      tpu.yield
    }) : () -> ()
    %mul3A_20 = arith.constant 640 : i32
    %mul3A_21 = arith.muli %arg1, %mul3A_20 : i32
    %add3A_22 = arith.constant 384 : i32
    %add3A_23 = arith.addi %mul3A_21, %add3A_22 : i32
    %run_scoped3A_24 = arith.constant 0 : i32
    "tpu.region"() ({
      %run_scoped3A_99 = tpu.sem_alloc : memref<!tpu.dma_semaphore, #tpu.memory_space<semaphore_mem>>
      %dma_start3A = arith.constant 0 : i32
      %dma_start3A_100 = arith.constant 0 : i32
      %dma_start3A_101 = tpu.memref_slice %arg8[%run_scoped3A_24, %dma_start3A, %dma_start3A_100] : memref<2x128x128xf32, #tpu.memory_space<vmem>> -> memref<1x128x128xf32, #tpu.memory_space<vmem>>
      %dma_start3A_102 = tpu.memref_squeeze %dma_start3A_101 : memref<1x128x128xf32, #tpu.memory_space<vmem>> -> memref<128x128xf32, #tpu.memory_space<vmem>>
      %dma_start3A_103 = arith.constant 0 : i32
      %dma_start3A_104 = tpu.memref_slice %arg9[%add3A_23, %dma_start3A_103] : memref<10240x128xf32, #tpu.memory_space<vmem_shared>> -> memref<128x128xf32, #tpu.memory_space<vmem_shared>>
      %dma_start3A_105 = arith.constant 0 : i32
      %dma_start3A_106 = tpu.memref_slice %arg9[%add3A_23, %dma_start3A_105] : memref<10240x128xf32, #tpu.memory_space<vmem_shared>> -> memref<128x128xf32, #tpu.memory_space<vmem_shared>>
      %dma_start3A_107 = arith.constant 0 : i32
      %dma_start3A_108 = arith.constant 0 : i32
      %dma_start3A_109 = tpu.memref_slice %arg8[%run_scoped3A_24, %dma_start3A_107, %dma_start3A_108] : memref<2x128x128xf32, #tpu.memory_space<vmem>> -> memref<1x128x128xf32, #tpu.memory_space<vmem>>
      %dma_start3A_110 = tpu.memref_squeeze %dma_start3A_109 : memref<1x128x128xf32, #tpu.memory_space<vmem>> -> memref<128x128xf32, #tpu.memory_space<vmem>>
      tpu.enqueue_dma source(%dma_start3A_110 : memref<128x128xf32, #tpu.memory_space<vmem>>) target(%dma_start3A_106 : memref<128x128xf32, #tpu.memory_space<vmem_shared>>) target_semaphore(%run_scoped3A_99 : memref<!tpu.dma_semaphore, #tpu.memory_space<semaphore_mem>>)
      %dma_wait3A = arith.constant 0 : i32
      %dma_wait3A_111 = arith.constant 0 : i32
      %dma_wait3A_112 = tpu.memref_slice %arg8[%run_scoped3A_24, %dma_wait3A, %dma_wait3A_111] : memref<2x128x128xf32, #tpu.memory_space<vmem>> -> memref<1x128x128xf32, #tpu.memory_space<vmem>>
      %dma_wait3A_113 = tpu.memref_squeeze %dma_wait3A_112 : memref<1x128x128xf32, #tpu.memory_space<vmem>> -> memref<128x128xf32, #tpu.memory_space<vmem>>
      %dma_wait3A_114 = arith.constant 0 : i32
      %dma_wait3A_115 = tpu.memref_slice %arg9[%add3A_23, %dma_wait3A_114] : memref<10240x128xf32, #tpu.memory_space<vmem_shared>> -> memref<128x128xf32, #tpu.memory_space<vmem_shared>>
      %dma_wait3A_116 = arith.constant 0 : i32
      %dma_wait3A_117 = tpu.memref_slice %arg9[%add3A_23, %dma_wait3A_116] : memref<10240x128xf32, #tpu.memory_space<vmem_shared>> -> memref<128x128xf32, #tpu.memory_space<vmem_shared>>
      %dma_wait3A_118 = arith.constant 0 : i32
      %dma_wait3A_119 = arith.constant 0 : i32
      %dma_wait3A_120 = tpu.memref_slice %arg8[%run_scoped3A_24, %dma_wait3A_118, %dma_wait3A_119] : memref<2x128x128xf32, #tpu.memory_space<vmem>> -> memref<1x128x128xf32, #tpu.memory_space<vmem>>
      %dma_wait3A_121 = tpu.memref_squeeze %dma_wait3A_120 : memref<1x128x128xf32, #tpu.memory_space<vmem>> -> memref<128x128xf32, #tpu.memory_space<vmem>>
      tpu.wait_dma2 semaphore(%run_scoped3A_99 : memref<!tpu.dma_semaphore, #tpu.memory_space<semaphore_mem>>) src(%dma_wait3A_121 : memref<128x128xf32, #tpu.memory_space<vmem>>) dst(%dma_wait3A_117 : memref<128x128xf32, #tpu.memory_space<vmem_shared>>)
      tpu.yield
    }) : () -> ()
    %mul3A_25 = arith.constant 640 : i32
    %mul3A_26 = arith.muli %arg1, %mul3A_25 : i32
    %add3A_27 = arith.constant 512 : i32
    %add3A_28 = arith.addi %mul3A_26, %add3A_27 : i32
    %run_scoped3A_29 = arith.constant 0 : i32
    "tpu.region"() ({
      %run_scoped3A_99 = tpu.sem_alloc : memref<!tpu.dma_semaphore, #tpu.memory_space<semaphore_mem>>
      %dma_start3A = arith.constant 0 : i32
      %dma_start3A_100 = arith.constant 0 : i32
      %dma_start3A_101 = tpu.memref_slice %arg8[%run_scoped3A_29, %dma_start3A, %dma_start3A_100] : memref<2x128x128xf32, #tpu.memory_space<vmem>> -> memref<1x128x128xf32, #tpu.memory_space<vmem>>
      %dma_start3A_102 = tpu.memref_squeeze %dma_start3A_101 : memref<1x128x128xf32, #tpu.memory_space<vmem>> -> memref<128x128xf32, #tpu.memory_space<vmem>>
      %dma_start3A_103 = arith.constant 0 : i32
      %dma_start3A_104 = tpu.memref_slice %arg9[%add3A_28, %dma_start3A_103] : memref<10240x128xf32, #tpu.memory_space<vmem_shared>> -> memref<128x128xf32, #tpu.memory_space<vmem_shared>>
      %dma_start3A_105 = arith.constant 0 : i32
      %dma_start3A_106 = tpu.memref_slice %arg9[%add3A_28, %dma_start3A_105] : memref<10240x128xf32, #tpu.memory_space<vmem_shared>> -> memref<128x128xf32, #tpu.memory_space<vmem_shared>>
      %dma_start3A_107 = arith.constant 0 : i32
      %dma_start3A_108 = arith.constant 0 : i32
      %dma_start3A_109 = tpu.memref_slice %arg8[%run_scoped3A_29, %dma_start3A_107, %dma_start3A_108] : memref<2x128x128xf32, #tpu.memory_space<vmem>> -> memref<1x128x128xf32, #tpu.memory_space<vmem>>
      %dma_start3A_110 = tpu.memref_squeeze %dma_start3A_109 : memref<1x128x128xf32, #tpu.memory_space<vmem>> -> memref<128x128xf32, #tpu.memory_space<vmem>>
      tpu.enqueue_dma source(%dma_start3A_110 : memref<128x128xf32, #tpu.memory_space<vmem>>) target(%dma_start3A_106 : memref<128x128xf32, #tpu.memory_space<vmem_shared>>) target_semaphore(%run_scoped3A_99 : memref<!tpu.dma_semaphore, #tpu.memory_space<semaphore_mem>>)
      %dma_wait3A = arith.constant 0 : i32
      %dma_wait3A_111 = arith.constant 0 : i32
      %dma_wait3A_112 = tpu.memref_slice %arg8[%run_scoped3A_29, %dma_wait3A, %dma_wait3A_111] : memref<2x128x128xf32, #tpu.memory_space<vmem>> -> memref<1x128x128xf32, #tpu.memory_space<vmem>>
      %dma_wait3A_113 = tpu.memref_squeeze %dma_wait3A_112 : memref<1x128x128xf32, #tpu.memory_space<vmem>> -> memref<128x128xf32, #tpu.memory_space<vmem>>
      %dma_wait3A_114 = arith.constant 0 : i32
      %dma_wait3A_115 = tpu.memref_slice %arg9[%add3A_28, %dma_wait3A_114] : memref<10240x128xf32, #tpu.memory_space<vmem_shared>> -> memref<128x128xf32, #tpu.memory_space<vmem_shared>>
      %dma_wait3A_116 = arith.constant 0 : i32
      %dma_wait3A_117 = tpu.memref_slice %arg9[%add3A_28, %dma_wait3A_116] : memref<10240x128xf32, #tpu.memory_space<vmem_shared>> -> memref<128x128xf32, #tpu.memory_space<vmem_shared>>
      %dma_wait3A_118 = arith.constant 0 : i32
      %dma_wait3A_119 = arith.constant 0 : i32
      %dma_wait3A_120 = tpu.memref_slice %arg8[%run_scoped3A_29, %dma_wait3A_118, %dma_wait3A_119] : memref<2x128x128xf32, #tpu.memory_space<vmem>> -> memref<1x128x128xf32, #tpu.memory_space<vmem>>
      %dma_wait3A_121 = tpu.memref_squeeze %dma_wait3A_120 : memref<1x128x128xf32, #tpu.memory_space<vmem>> -> memref<128x128xf32, #tpu.memory_space<vmem>>
      tpu.wait_dma2 semaphore(%run_scoped3A_99 : memref<!tpu.dma_semaphore, #tpu.memory_space<semaphore_mem>>) src(%dma_wait3A_121 : memref<128x128xf32, #tpu.memory_space<vmem>>) dst(%dma_wait3A_117 : memref<128x128xf32, #tpu.memory_space<vmem_shared>>)
      tpu.yield
    }) : () -> ()
    %barrier3A = arith.constant 0 : index
    tpu.barrier barrier_id(%barrier3A)
    "tpu.region"() ({
      %run_scoped3A_99 = tpu.sem_alloc : memref<!tpu.dma_semaphore, #tpu.memory_space<semaphore_mem>>
      %dma_start3A = arith.constant 0 : i32
      %dma_start3A_100 = arith.constant 0 : i32
      %dma_start3A_101 = tpu.memref_slice %arg6[%dma_start3A, %dma_start3A_100] : memref<32x128xi32, #tpu.memory_space<vmem>> -> memref<32x128xi32, #tpu.memory_space<vmem>>
      %dma_start3A_102 = arith.constant 0 : i32
      %dma_start3A_103 = arith.constant 0 : i32
      %dma_start3A_104 = tpu.memref_slice %arg3[%arg0, %arg1, %dma_start3A_102, %dma_start3A_103] : memref<2x16x128x128xi32, #tpu.memory_space<hbm>> -> memref<1x1x32x128xi32, #tpu.memory_space<hbm>>
      %dma_start3A_105 = tpu.memref_squeeze %dma_start3A_104 : memref<1x1x32x128xi32, #tpu.memory_space<hbm>> -> memref<32x128xi32, #tpu.memory_space<hbm>>
      %dma_start3A_106 = arith.constant 0 : i32
      %dma_start3A_107 = arith.constant 0 : i32
      %dma_start3A_108 = tpu.memref_slice %arg6[%dma_start3A_106, %dma_start3A_107] : memref<32x128xi32, #tpu.memory_space<vmem>> -> memref<32x128xi32, #tpu.memory_space<vmem>>
      %dma_start3A_109 = arith.constant 0 : i32
      %dma_start3A_110 = arith.constant 0 : i32
      %dma_start3A_111 = tpu.memref_slice %arg3[%arg0, %arg1, %dma_start3A_109, %dma_start3A_110] : memref<2x16x128x128xi32, #tpu.memory_space<hbm>> -> memref<1x1x32x128xi32, #tpu.memory_space<hbm>>
      %dma_start3A_112 = tpu.memref_squeeze %dma_start3A_111 : memref<1x1x32x128xi32, #tpu.memory_space<hbm>> -> memref<32x128xi32, #tpu.memory_space<hbm>>
      tpu.enqueue_dma source(%dma_start3A_112 : memref<32x128xi32, #tpu.memory_space<hbm>>) target(%dma_start3A_108 : memref<32x128xi32, #tpu.memory_space<vmem>>) target_semaphore(%run_scoped3A_99 : memref<!tpu.dma_semaphore, #tpu.memory_space<semaphore_mem>>)
      %dma_wait3A = arith.constant 0 : i32
      %dma_wait3A_113 = arith.constant 0 : i32
      %dma_wait3A_114 = tpu.memref_slice %arg6[%dma_wait3A, %dma_wait3A_113] : memref<32x128xi32, #tpu.memory_space<vmem>> -> memref<32x128xi32, #tpu.memory_space<vmem>>
      %dma_wait3A_115 = arith.constant 0 : i32
      %dma_wait3A_116 = arith.constant 0 : i32
      %dma_wait3A_117 = tpu.memref_slice %arg3[%arg0, %arg1, %dma_wait3A_115, %dma_wait3A_116] : memref<2x16x128x128xi32, #tpu.memory_space<hbm>> -> memref<1x1x32x128xi32, #tpu.memory_space<hbm>>
      %dma_wait3A_118 = tpu.memref_squeeze %dma_wait3A_117 : memref<1x1x32x128xi32, #tpu.memory_space<hbm>> -> memref<32x128xi32, #tpu.memory_space<hbm>>
      %dma_wait3A_119 = arith.constant 0 : i32
      %dma_wait3A_120 = arith.constant 0 : i32
      %dma_wait3A_121 = tpu.memref_slice %arg6[%dma_wait3A_119, %dma_wait3A_120] : memref<32x128xi32, #tpu.memory_space<vmem>> -> memref<32x128xi32, #tpu.memory_space<vmem>>
      %dma_wait3A_122 = arith.constant 0 : i32
      %dma_wait3A_123 = arith.constant 0 : i32
      %dma_wait3A_124 = tpu.memref_slice %arg3[%arg0, %arg1, %dma_wait3A_122, %dma_wait3A_123] : memref<2x16x128x128xi32, #tpu.memory_space<hbm>> -> memref<1x1x32x128xi32, #tpu.memory_space<hbm>>
      %dma_wait3A_125 = tpu.memref_squeeze %dma_wait3A_124 : memref<1x1x32x128xi32, #tpu.memory_space<hbm>> -> memref<32x128xi32, #tpu.memory_space<hbm>>
      tpu.wait_dma2 semaphore(%run_scoped3A_99 : memref<!tpu.dma_semaphore, #tpu.memory_space<semaphore_mem>>) src(%dma_wait3A_125 : memref<32x128xi32, #tpu.memory_space<hbm>>) dst(%dma_wait3A_121 : memref<32x128xi32, #tpu.memory_space<vmem>>)
      tpu.yield
    }) : () -> ()
    "tpu.region"() ({
      %run_scoped3A_99 = tpu.sem_alloc : memref<!tpu.dma_semaphore, #tpu.memory_space<semaphore_mem>>
      %dma_start3A = arith.constant 0 : i32
      %dma_start3A_100 = arith.constant 0 : i32
      %dma_start3A_101 = tpu.memref_slice %arg7[%dma_start3A, %dma_start3A_100] : memref<32x128xi32, #tpu.memory_space<vmem>> -> memref<32x128xi32, #tpu.memory_space<vmem>>
      %dma_start3A_102 = arith.constant 0 : i32
      %dma_start3A_103 = arith.constant 0 : i32
      %dma_start3A_104 = tpu.memref_slice %arg4[%arg0, %arg1, %dma_start3A_102, %dma_start3A_103] : memref<2x16x128x128xi32, #tpu.memory_space<hbm>> -> memref<1x1x32x128xi32, #tpu.memory_space<hbm>>
      %dma_start3A_105 = tpu.memref_squeeze %dma_start3A_104 : memref<1x1x32x128xi32, #tpu.memory_space<hbm>> -> memref<32x128xi32, #tpu.memory_space<hbm>>
      %dma_start3A_106 = arith.constant 0 : i32
      %dma_start3A_107 = arith.constant 0 : i32
      %dma_start3A_108 = tpu.memref_slice %arg7[%dma_start3A_106, %dma_start3A_107] : memref<32x128xi32, #tpu.memory_space<vmem>> -> memref<32x128xi32, #tpu.memory_space<vmem>>
      %dma_start3A_109 = arith.constant 0 : i32
      %dma_start3A_110 = arith.constant 0 : i32
      %dma_start3A_111 = tpu.memref_slice %arg4[%arg0, %arg1, %dma_start3A_109, %dma_start3A_110] : memref<2x16x128x128xi32, #tpu.memory_space<hbm>> -> memref<1x1x32x128xi32, #tpu.memory_space<hbm>>
      %dma_start3A_112 = tpu.memref_squeeze %dma_start3A_111 : memref<1x1x32x128xi32, #tpu.memory_space<hbm>> -> memref<32x128xi32, #tpu.memory_space<hbm>>
      tpu.enqueue_dma source(%dma_start3A_112 : memref<32x128xi32, #tpu.memory_space<hbm>>) target(%dma_start3A_108 : memref<32x128xi32, #tpu.memory_space<vmem>>) target_semaphore(%run_scoped3A_99 : memref<!tpu.dma_semaphore, #tpu.memory_space<semaphore_mem>>)
      %dma_wait3A = arith.constant 0 : i32
      %dma_wait3A_113 = arith.constant 0 : i32
      %dma_wait3A_114 = tpu.memref_slice %arg7[%dma_wait3A, %dma_wait3A_113] : memref<32x128xi32, #tpu.memory_space<vmem>> -> memref<32x128xi32, #tpu.memory_space<vmem>>
      %dma_wait3A_115 = arith.constant 0 : i32
      %dma_wait3A_116 = arith.constant 0 : i32
      %dma_wait3A_117 = tpu.memref_slice %arg4[%arg0, %arg1, %dma_wait3A_115, %dma_wait3A_116] : memref<2x16x128x128xi32, #tpu.memory_space<hbm>> -> memref<1x1x32x128xi32, #tpu.memory_space<hbm>>
      %dma_wait3A_118 = tpu.memref_squeeze %dma_wait3A_117 : memref<1x1x32x128xi32, #tpu.memory_space<hbm>> -> memref<32x128xi32, #tpu.memory_space<hbm>>
      %dma_wait3A_119 = arith.constant 0 : i32
      %dma_wait3A_120 = arith.constant 0 : i32
      %dma_wait3A_121 = tpu.memref_slice %arg7[%dma_wait3A_119, %dma_wait3A_120] : memref<32x128xi32, #tpu.memory_space<vmem>> -> memref<32x128xi32, #tpu.memory_space<vmem>>
      %dma_wait3A_122 = arith.constant 0 : i32
      %dma_wait3A_123 = arith.constant 0 : i32
      %dma_wait3A_124 = tpu.memref_slice %arg4[%arg0, %arg1, %dma_wait3A_122, %dma_wait3A_123] : memref<2x16x128x128xi32, #tpu.memory_space<hbm>> -> memref<1x1x32x128xi32, #tpu.memory_space<hbm>>
      %dma_wait3A_125 = tpu.memref_squeeze %dma_wait3A_124 : memref<1x1x32x128xi32, #tpu.memory_space<hbm>> -> memref<32x128xi32, #tpu.memory_space<hbm>>
      tpu.wait_dma2 semaphore(%run_scoped3A_99 : memref<!tpu.dma_semaphore, #tpu.memory_space<semaphore_mem>>) src(%dma_wait3A_125 : memref<32x128xi32, #tpu.memory_space<hbm>>) dst(%dma_wait3A_121 : memref<32x128xi32, #tpu.memory_space<vmem>>)
      tpu.yield
    }) : () -> ()
    %sub3A = arith.constant 0 : i32
    %sub3A_30 = arith.subi %select_n3A, %sub3A : i32
    %jit3A_31 = arith.constant 0 : i32
    %jit3A_32 = arith.constant 32 : i32
    %max3A = arith.maxsi %jit3A_31, %sub3A_30 : i32
    %min3A = arith.minsi %jit3A_32, %max3A : i32
    %while3A = arith.constant 0 : i32
    %while3A_33 = arith.constant 0 : i32
    %while3A_34 = arith.constant 0 : i32
    %while3A_35 = arith.subi %min3A, %while3A_34 : i32
    %while3A_36 = arith.addi %while3A_34, %while3A_35 : i32
    %while3A_37 = arith.constant 1 : i32
    %while3A_38 = arith.divsi %while3A_35, %while3A_37 : i32
    %while3A_39 = arith.muli %while3A_38, %while3A_37 : i32
    %while3A_40 = arith.addi %while3A_34, %while3A_39 : i32
    %while3A_41 = arith.constant 1 : i32
    scf.for %while3A_99 = %while3A_34 to %while3A_40 step %while3A_41  : i32 {
      %dma_start3A = arith.constant 0 : i32
      %dma_start3A_100 = arith.constant 0 : i32
      %dma_start3A_101 = tpu.memref_slice %arg8[%while3A_33, %dma_start3A, %dma_start3A_100] : memref<2x128x128xf32, #tpu.memory_space<vmem>> -> memref<1x128x128xf32, #tpu.memory_space<vmem>>
      %dma_start3A_102 = tpu.memref_squeeze %dma_start3A_101 : memref<1x128x128xf32, #tpu.memory_space<vmem>> -> memref<128x128xf32, #tpu.memory_space<vmem>>
      %dma_start3A_103 = arith.constant 0 : i32
      %dma_start3A_104 = tpu.memref_slice %arg6[%while3A_99, %dma_start3A_103] : memref<32x128xi32, #tpu.memory_space<vmem>> -> memref<1x128xi32, #tpu.memory_space<vmem>>
      %dma_start3A_105 = tpu.memref_squeeze %dma_start3A_104 : memref<1x128xi32, #tpu.memory_space<vmem>> -> memref<128xi32, #tpu.memory_space<vmem>>
      %dma_start3A_106 = arith.constant 0 : i32
      %dma_start3A_107 = arith.constant 0 : i32
      %dma_start3A_108 = tpu.memref_slice %arg2[%dma_start3A_106, %dma_start3A_107] : memref<10240x128xf32, #tpu.memory_space<hbm>> -> memref<10240x128xf32, #tpu.memory_space<hbm>>
      tpu.enqueue_indirect_dma source(%dma_start3A_108 : memref<10240x128xf32, #tpu.memory_space<hbm>>) target(%dma_start3A_102 : memref<128x128xf32, #tpu.memory_space<vmem>>) offsets(%dma_start3A_105 : memref<128xi32, #tpu.memory_space<vmem>>) semaphore(%arg10 : memref<!tpu.dma_semaphore, #tpu.memory_space<semaphore_mem>>)
      %dma_wait3A = arith.constant 0 : i32
      %dma_wait3A_109 = arith.constant 0 : i32
      %dma_wait3A_110 = tpu.memref_slice %arg8[%while3A_33, %dma_wait3A, %dma_wait3A_109] : memref<2x128x128xf32, #tpu.memory_space<vmem>> -> memref<1x128x128xf32, #tpu.memory_space<vmem>>
      %dma_wait3A_111 = tpu.memref_squeeze %dma_wait3A_110 : memref<1x128x128xf32, #tpu.memory_space<vmem>> -> memref<128x128xf32, #tpu.memory_space<vmem>>
      %dma_wait3A_112 = arith.constant 0 : i32
      %dma_wait3A_113 = tpu.memref_slice %arg6[%while3A_99, %dma_wait3A_112] : memref<32x128xi32, #tpu.memory_space<vmem>> -> memref<1x128xi32, #tpu.memory_space<vmem>>
      %dma_wait3A_114 = tpu.memref_squeeze %dma_wait3A_113 : memref<1x128xi32, #tpu.memory_space<vmem>> -> memref<128xi32, #tpu.memory_space<vmem>>
      %dma_wait3A_115 = arith.constant 0 : i32
      %dma_wait3A_116 = arith.constant 0 : i32
      %dma_wait3A_117 = tpu.memref_slice %arg2[%dma_wait3A_115, %dma_wait3A_116] : memref<10240x128xf32, #tpu.memory_space<hbm>> -> memref<10240x128xf32, #tpu.memory_space<hbm>>
      tpu.wait_indirect_dma semaphore(%arg10 : memref<!tpu.dma_semaphore, #tpu.memory_space<semaphore_mem>>) src(%dma_wait3A_117 : memref<10240x128xf32, #tpu.memory_space<hbm>>) dst(%dma_wait3A_111 : memref<128x128xf32, #tpu.memory_space<vmem>>)
      "tpu.region"() ({
        %run_scoped3A_118 = tpu.sem_alloc : memref<!tpu.dma_semaphore, #tpu.memory_space<semaphore_mem>>
        %dma_start3A_119 = arith.constant 0 : i32
        %dma_start3A_120 = arith.constant 0 : i32
        %dma_start3A_121 = tpu.memref_slice %arg8[%while3A_33, %dma_start3A_119, %dma_start3A_120] : memref<2x128x128xf32, #tpu.memory_space<vmem>> -> memref<1x128x128xf32, #tpu.memory_space<vmem>>
        %dma_start3A_122 = tpu.memref_squeeze %dma_start3A_121 : memref<1x128x128xf32, #tpu.memory_space<vmem>> -> memref<128x128xf32, #tpu.memory_space<vmem>>
        %dma_start3A_123 = arith.constant 0 : i32
        %dma_start3A_124 = tpu.memref_slice %arg7[%while3A_99, %dma_start3A_123] : memref<32x128xi32, #tpu.memory_space<vmem>> -> memref<1x128xi32, #tpu.memory_space<vmem>>
        %dma_start3A_125 = tpu.memref_squeeze %dma_start3A_124 : memref<1x128xi32, #tpu.memory_space<vmem>> -> memref<128xi32, #tpu.memory_space<vmem>>
        %dma_start3A_126 = arith.constant 0 : i32
        %dma_start3A_127 = arith.constant 0 : i32
        %dma_start3A_128 = tpu.memref_slice %arg9[%dma_start3A_126, %dma_start3A_127] : memref<10240x128xf32, #tpu.memory_space<vmem_shared>> -> memref<10240x128xf32, #tpu.memory_space<vmem_shared>>
        tpu.enqueue_indirect_dma source(%dma_start3A_122 : memref<128x128xf32, #tpu.memory_space<vmem>>) target(%dma_start3A_128 : memref<10240x128xf32, #tpu.memory_space<vmem_shared>>) offsets(%dma_start3A_125 : memref<128xi32, #tpu.memory_space<vmem>>) semaphore(%run_scoped3A_118 : memref<!tpu.dma_semaphore, #tpu.memory_space<semaphore_mem>>) {add = true}
        %dma_wait3A_129 = arith.constant 0 : i32
        %dma_wait3A_130 = arith.constant 0 : i32
        %dma_wait3A_131 = tpu.memref_slice %arg8[%while3A_33, %dma_wait3A_129, %dma_wait3A_130] : memref<2x128x128xf32, #tpu.memory_space<vmem>> -> memref<1x128x128xf32, #tpu.memory_space<vmem>>
        %dma_wait3A_132 = tpu.memref_squeeze %dma_wait3A_131 : memref<1x128x128xf32, #tpu.memory_space<vmem>> -> memref<128x128xf32, #tpu.memory_space<vmem>>
        %dma_wait3A_133 = arith.constant 0 : i32
        %dma_wait3A_134 = tpu.memref_slice %arg7[%while3A_99, %dma_wait3A_133] : memref<32x128xi32, #tpu.memory_space<vmem>> -> memref<1x128xi32, #tpu.memory_space<vmem>>
        %dma_wait3A_135 = tpu.memref_squeeze %dma_wait3A_134 : memref<1x128xi32, #tpu.memory_space<vmem>> -> memref<128xi32, #tpu.memory_space<vmem>>
        %dma_wait3A_136 = arith.constant 0 : i32
        %dma_wait3A_137 = arith.constant 0 : i32
        %dma_wait3A_138 = tpu.memref_slice %arg9[%dma_wait3A_136, %dma_wait3A_137] : memref<10240x128xf32, #tpu.memory_space<vmem_shared>> -> memref<10240x128xf32, #tpu.memory_space<vmem_shared>>
        tpu.wait_indirect_dma semaphore(%run_scoped3A_118 : memref<!tpu.dma_semaphore, #tpu.memory_space<semaphore_mem>>) src(%dma_wait3A_132 : memref<128x128xf32, #tpu.memory_space<vmem>>) dst(%dma_wait3A_138 : memref<10240x128xf32, #tpu.memory_space<vmem_shared>>)
        tpu.yield
      }) : () -> ()
    }
    %while3A_42 = arith.constant 1 : i32
    scf.for %while3A_99 = %while3A_40 to %while3A_36 step %while3A_42  : i32 {
      %dma_start3A = arith.constant 0 : i32
      %dma_start3A_100 = arith.constant 0 : i32
      %dma_start3A_101 = tpu.memref_slice %arg8[%while3A_33, %dma_start3A, %dma_start3A_100] : memref<2x128x128xf32, #tpu.memory_space<vmem>> -> memref<1x128x128xf32, #tpu.memory_space<vmem>>
      %dma_start3A_102 = tpu.memref_squeeze %dma_start3A_101 : memref<1x128x128xf32, #tpu.memory_space<vmem>> -> memref<128x128xf32, #tpu.memory_space<vmem>>
      %dma_start3A_103 = arith.constant 0 : i32
      %dma_start3A_104 = tpu.memref_slice %arg6[%while3A_99, %dma_start3A_103] : memref<32x128xi32, #tpu.memory_space<vmem>> -> memref<1x128xi32, #tpu.memory_space<vmem>>
      %dma_start3A_105 = tpu.memref_squeeze %dma_start3A_104 : memref<1x128xi32, #tpu.memory_space<vmem>> -> memref<128xi32, #tpu.memory_space<vmem>>
      %dma_start3A_106 = arith.constant 0 : i32
      %dma_start3A_107 = arith.constant 0 : i32
      %dma_start3A_108 = tpu.memref_slice %arg2[%dma_start3A_106, %dma_start3A_107] : memref<10240x128xf32, #tpu.memory_space<hbm>> -> memref<10240x128xf32, #tpu.memory_space<hbm>>
      tpu.enqueue_indirect_dma source(%dma_start3A_108 : memref<10240x128xf32, #tpu.memory_space<hbm>>) target(%dma_start3A_102 : memref<128x128xf32, #tpu.memory_space<vmem>>) offsets(%dma_start3A_105 : memref<128xi32, #tpu.memory_space<vmem>>) semaphore(%arg10 : memref<!tpu.dma_semaphore, #tpu.memory_space<semaphore_mem>>)
      %dma_wait3A = arith.constant 0 : i32
      %dma_wait3A_109 = arith.constant 0 : i32
      %dma_wait3A_110 = tpu.memref_slice %arg8[%while3A_33, %dma_wait3A, %dma_wait3A_109] : memref<2x128x128xf32, #tpu.memory_space<vmem>> -> memref<1x128x128xf32, #tpu.memory_space<vmem>>
      %dma_wait3A_111 = tpu.memref_squeeze %dma_wait3A_110 : memref<1x128x128xf32, #tpu.memory_space<vmem>> -> memref<128x128xf32, #tpu.memory_space<vmem>>
      %dma_wait3A_112 = arith.constant 0 : i32
      %dma_wait3A_113 = tpu.memref_slice %arg6[%while3A_99, %dma_wait3A_112] : memref<32x128xi32, #tpu.memory_space<vmem>> -> memref<1x128xi32, #tpu.memory_space<vmem>>
      %dma_wait3A_114 = tpu.memref_squeeze %dma_wait3A_113 : memref<1x128xi32, #tpu.memory_space<vmem>> -> memref<128xi32, #tpu.memory_space<vmem>>
      %dma_wait3A_115 = arith.constant 0 : i32
      %dma_wait3A_116 = arith.constant 0 : i32
      %dma_wait3A_117 = tpu.memref_slice %arg2[%dma_wait3A_115, %dma_wait3A_116] : memref<10240x128xf32, #tpu.memory_space<hbm>> -> memref<10240x128xf32, #tpu.memory_space<hbm>>
      tpu.wait_indirect_dma semaphore(%arg10 : memref<!tpu.dma_semaphore, #tpu.memory_space<semaphore_mem>>) src(%dma_wait3A_117 : memref<10240x128xf32, #tpu.memory_space<hbm>>) dst(%dma_wait3A_111 : memref<128x128xf32, #tpu.memory_space<vmem>>)
      "tpu.region"() ({
        %run_scoped3A_118 = tpu.sem_alloc : memref<!tpu.dma_semaphore, #tpu.memory_space<semaphore_mem>>
        %dma_start3A_119 = arith.constant 0 : i32
        %dma_start3A_120 = arith.constant 0 : i32
        %dma_start3A_121 = tpu.memref_slice %arg8[%while3A_33, %dma_start3A_119, %dma_start3A_120] : memref<2x128x128xf32, #tpu.memory_space<vmem>> -> memref<1x128x128xf32, #tpu.memory_space<vmem>>
        %dma_start3A_122 = tpu.memref_squeeze %dma_start3A_121 : memref<1x128x128xf32, #tpu.memory_space<vmem>> -> memref<128x128xf32, #tpu.memory_space<vmem>>
        %dma_start3A_123 = arith.constant 0 : i32
        %dma_start3A_124 = tpu.memref_slice %arg7[%while3A_99, %dma_start3A_123] : memref<32x128xi32, #tpu.memory_space<vmem>> -> memref<1x128xi32, #tpu.memory_space<vmem>>
        %dma_start3A_125 = tpu.memref_squeeze %dma_start3A_124 : memref<1x128xi32, #tpu.memory_space<vmem>> -> memref<128xi32, #tpu.memory_space<vmem>>
        %dma_start3A_126 = arith.constant 0 : i32
        %dma_start3A_127 = arith.constant 0 : i32
        %dma_start3A_128 = tpu.memref_slice %arg9[%dma_start3A_126, %dma_start3A_127] : memref<10240x128xf32, #tpu.memory_space<vmem_shared>> -> memref<10240x128xf32, #tpu.memory_space<vmem_shared>>
        tpu.enqueue_indirect_dma source(%dma_start3A_122 : memref<128x128xf32, #tpu.memory_space<vmem>>) target(%dma_start3A_128 : memref<10240x128xf32, #tpu.memory_space<vmem_shared>>) offsets(%dma_start3A_125 : memref<128xi32, #tpu.memory_space<vmem>>) semaphore(%run_scoped3A_118 : memref<!tpu.dma_semaphore, #tpu.memory_space<semaphore_mem>>) {add = true}
        %dma_wait3A_129 = arith.constant 0 : i32
        %dma_wait3A_130 = arith.constant 0 : i32
        %dma_wait3A_131 = tpu.memref_slice %arg8[%while3A_33, %dma_wait3A_129, %dma_wait3A_130] : memref<2x128x128xf32, #tpu.memory_space<vmem>> -> memref<1x128x128xf32, #tpu.memory_space<vmem>>
        %dma_wait3A_132 = tpu.memref_squeeze %dma_wait3A_131 : memref<1x128x128xf32, #tpu.memory_space<vmem>> -> memref<128x128xf32, #tpu.memory_space<vmem>>
        %dma_wait3A_133 = arith.constant 0 : i32
        %dma_wait3A_134 = tpu.memref_slice %arg7[%while3A_99, %dma_wait3A_133] : memref<32x128xi32, #tpu.memory_space<vmem>> -> memref<1x128xi32, #tpu.memory_space<vmem>>
        %dma_wait3A_135 = tpu.memref_squeeze %dma_wait3A_134 : memref<1x128xi32, #tpu.memory_space<vmem>> -> memref<128xi32, #tpu.memory_space<vmem>>
        %dma_wait3A_136 = arith.constant 0 : i32
        %dma_wait3A_137 = arith.constant 0 : i32
        %dma_wait3A_138 = tpu.memref_slice %arg9[%dma_wait3A_136, %dma_wait3A_137] : memref<10240x128xf32, #tpu.memory_space<vmem_shared>> -> memref<10240x128xf32, #tpu.memory_space<vmem_shared>>
        tpu.wait_indirect_dma semaphore(%run_scoped3A_118 : memref<!tpu.dma_semaphore, #tpu.memory_space<semaphore_mem>>) src(%dma_wait3A_132 : memref<128x128xf32, #tpu.memory_space<vmem>>) dst(%dma_wait3A_138 : memref<10240x128xf32, #tpu.memory_space<vmem_shared>>)
        tpu.yield
      }) : () -> ()
    }
    "tpu.region"() ({
      %run_scoped3A_99 = tpu.sem_alloc : memref<!tpu.dma_semaphore, #tpu.memory_space<semaphore_mem>>
      %dma_start3A = arith.constant 0 : i32
      %dma_start3A_100 = arith.constant 0 : i32
      %dma_start3A_101 = tpu.memref_slice %arg6[%dma_start3A, %dma_start3A_100] : memref<32x128xi32, #tpu.memory_space<vmem>> -> memref<32x128xi32, #tpu.memory_space<vmem>>
      %dma_start3A_102 = arith.constant 32 : i32
      %dma_start3A_103 = arith.constant 0 : i32
      %dma_start3A_104 = tpu.memref_slice %arg3[%arg0, %arg1, %dma_start3A_102, %dma_start3A_103] : memref<2x16x128x128xi32, #tpu.memory_space<hbm>> -> memref<1x1x32x128xi32, #tpu.memory_space<hbm>>
      %dma_start3A_105 = tpu.memref_squeeze %dma_start3A_104 : memref<1x1x32x128xi32, #tpu.memory_space<hbm>> -> memref<32x128xi32, #tpu.memory_space<hbm>>
      %dma_start3A_106 = arith.constant 0 : i32
      %dma_start3A_107 = arith.constant 0 : i32
      %dma_start3A_108 = tpu.memref_slice %arg6[%dma_start3A_106, %dma_start3A_107] : memref<32x128xi32, #tpu.memory_space<vmem>> -> memref<32x128xi32, #tpu.memory_space<vmem>>
      %dma_start3A_109 = arith.constant 32 : i32
      %dma_start3A_110 = arith.constant 0 : i32
      %dma_start3A_111 = tpu.memref_slice %arg3[%arg0, %arg1, %dma_start3A_109, %dma_start3A_110] : memref<2x16x128x128xi32, #tpu.memory_space<hbm>> -> memref<1x1x32x128xi32, #tpu.memory_space<hbm>>
      %dma_start3A_112 = tpu.memref_squeeze %dma_start3A_111 : memref<1x1x32x128xi32, #tpu.memory_space<hbm>> -> memref<32x128xi32, #tpu.memory_space<hbm>>
      tpu.enqueue_dma source(%dma_start3A_112 : memref<32x128xi32, #tpu.memory_space<hbm>>) target(%dma_start3A_108 : memref<32x128xi32, #tpu.memory_space<vmem>>) target_semaphore(%run_scoped3A_99 : memref<!tpu.dma_semaphore, #tpu.memory_space<semaphore_mem>>)
      %dma_wait3A = arith.constant 0 : i32
      %dma_wait3A_113 = arith.constant 0 : i32
      %dma_wait3A_114 = tpu.memref_slice %arg6[%dma_wait3A, %dma_wait3A_113] : memref<32x128xi32, #tpu.memory_space<vmem>> -> memref<32x128xi32, #tpu.memory_space<vmem>>
      %dma_wait3A_115 = arith.constant 32 : i32
      %dma_wait3A_116 = arith.constant 0 : i32
      %dma_wait3A_117 = tpu.memref_slice %arg3[%arg0, %arg1, %dma_wait3A_115, %dma_wait3A_116] : memref<2x16x128x128xi32, #tpu.memory_space<hbm>> -> memref<1x1x32x128xi32, #tpu.memory_space<hbm>>
      %dma_wait3A_118 = tpu.memref_squeeze %dma_wait3A_117 : memref<1x1x32x128xi32, #tpu.memory_space<hbm>> -> memref<32x128xi32, #tpu.memory_space<hbm>>
      %dma_wait3A_119 = arith.constant 0 : i32
      %dma_wait3A_120 = arith.constant 0 : i32
      %dma_wait3A_121 = tpu.memref_slice %arg6[%dma_wait3A_119, %dma_wait3A_120] : memref<32x128xi32, #tpu.memory_space<vmem>> -> memref<32x128xi32, #tpu.memory_space<vmem>>
      %dma_wait3A_122 = arith.constant 32 : i32
      %dma_wait3A_123 = arith.constant 0 : i32
      %dma_wait3A_124 = tpu.memref_slice %arg3[%arg0, %arg1, %dma_wait3A_122, %dma_wait3A_123] : memref<2x16x128x128xi32, #tpu.memory_space<hbm>> -> memref<1x1x32x128xi32, #tpu.memory_space<hbm>>
      %dma_wait3A_125 = tpu.memref_squeeze %dma_wait3A_124 : memref<1x1x32x128xi32, #tpu.memory_space<hbm>> -> memref<32x128xi32, #tpu.memory_space<hbm>>
      tpu.wait_dma2 semaphore(%run_scoped3A_99 : memref<!tpu.dma_semaphore, #tpu.memory_space<semaphore_mem>>) src(%dma_wait3A_125 : memref<32x128xi32, #tpu.memory_space<hbm>>) dst(%dma_wait3A_121 : memref<32x128xi32, #tpu.memory_space<vmem>>)
      tpu.yield
    }) : () -> ()
    "tpu.region"() ({
      %run_scoped3A_99 = tpu.sem_alloc : memref<!tpu.dma_semaphore, #tpu.memory_space<semaphore_mem>>
      %dma_start3A = arith.constant 0 : i32
      %dma_start3A_100 = arith.constant 0 : i32
      %dma_start3A_101 = tpu.memref_slice %arg7[%dma_start3A, %dma_start3A_100] : memref<32x128xi32, #tpu.memory_space<vmem>> -> memref<32x128xi32, #tpu.memory_space<vmem>>
      %dma_start3A_102 = arith.constant 32 : i32
      %dma_start3A_103 = arith.constant 0 : i32
      %dma_start3A_104 = tpu.memref_slice %arg4[%arg0, %arg1, %dma_start3A_102, %dma_start3A_103] : memref<2x16x128x128xi32, #tpu.memory_space<hbm>> -> memref<1x1x32x128xi32, #tpu.memory_space<hbm>>
      %dma_start3A_105 = tpu.memref_squeeze %dma_start3A_104 : memref<1x1x32x128xi32, #tpu.memory_space<hbm>> -> memref<32x128xi32, #tpu.memory_space<hbm>>
      %dma_start3A_106 = arith.constant 0 : i32
      %dma_start3A_107 = arith.constant 0 : i32
      %dma_start3A_108 = tpu.memref_slice %arg7[%dma_start3A_106, %dma_start3A_107] : memref<32x128xi32, #tpu.memory_space<vmem>> -> memref<32x128xi32, #tpu.memory_space<vmem>>
      %dma_start3A_109 = arith.constant 32 : i32
      %dma_start3A_110 = arith.constant 0 : i32
      %dma_start3A_111 = tpu.memref_slice %arg4[%arg0, %arg1, %dma_start3A_109, %dma_start3A_110] : memref<2x16x128x128xi32, #tpu.memory_space<hbm>> -> memref<1x1x32x128xi32, #tpu.memory_space<hbm>>
      %dma_start3A_112 = tpu.memref_squeeze %dma_start3A_111 : memref<1x1x32x128xi32, #tpu.memory_space<hbm>> -> memref<32x128xi32, #tpu.memory_space<hbm>>
      tpu.enqueue_dma source(%dma_start3A_112 : memref<32x128xi32, #tpu.memory_space<hbm>>) target(%dma_start3A_108 : memref<32x128xi32, #tpu.memory_space<vmem>>) target_semaphore(%run_scoped3A_99 : memref<!tpu.dma_semaphore, #tpu.memory_space<semaphore_mem>>)
      %dma_wait3A = arith.constant 0 : i32
      %dma_wait3A_113 = arith.constant 0 : i32
      %dma_wait3A_114 = tpu.memref_slice %arg7[%dma_wait3A, %dma_wait3A_113] : memref<32x128xi32, #tpu.memory_space<vmem>> -> memref<32x128xi32, #tpu.memory_space<vmem>>
      %dma_wait3A_115 = arith.constant 32 : i32
      %dma_wait3A_116 = arith.constant 0 : i32
      %dma_wait3A_117 = tpu.memref_slice %arg4[%arg0, %arg1, %dma_wait3A_115, %dma_wait3A_116] : memref<2x16x128x128xi32, #tpu.memory_space<hbm>> -> memref<1x1x32x128xi32, #tpu.memory_space<hbm>>
      %dma_wait3A_118 = tpu.memref_squeeze %dma_wait3A_117 : memref<1x1x32x128xi32, #tpu.memory_space<hbm>> -> memref<32x128xi32, #tpu.memory_space<hbm>>
      %dma_wait3A_119 = arith.constant 0 : i32
      %dma_wait3A_120 = arith.constant 0 : i32
      %dma_wait3A_121 = tpu.memref_slice %arg7[%dma_wait3A_119, %dma_wait3A_120] : memref<32x128xi32, #tpu.memory_space<vmem>> -> memref<32x128xi32, #tpu.memory_space<vmem>>
      %dma_wait3A_122 = arith.constant 32 : i32
      %dma_wait3A_123 = arith.constant 0 : i32
      %dma_wait3A_124 = tpu.memref_slice %arg4[%arg0, %arg1, %dma_wait3A_122, %dma_wait3A_123] : memref<2x16x128x128xi32, #tpu.memory_space<hbm>> -> memref<1x1x32x128xi32, #tpu.memory_space<hbm>>
      %dma_wait3A_125 = tpu.memref_squeeze %dma_wait3A_124 : memref<1x1x32x128xi32, #tpu.memory_space<hbm>> -> memref<32x128xi32, #tpu.memory_space<hbm>>
      tpu.wait_dma2 semaphore(%run_scoped3A_99 : memref<!tpu.dma_semaphore, #tpu.memory_space<semaphore_mem>>) src(%dma_wait3A_125 : memref<32x128xi32, #tpu.memory_space<hbm>>) dst(%dma_wait3A_121 : memref<32x128xi32, #tpu.memory_space<vmem>>)
      tpu.yield
    }) : () -> ()
    %sub3A_43 = arith.constant 32 : i32
    %sub3A_44 = arith.subi %select_n3A, %sub3A_43 : i32
    %jit3A_45 = arith.constant 0 : i32
    %jit3A_46 = arith.constant 32 : i32
    %max3A_47 = arith.maxsi %jit3A_45, %sub3A_44 : i32
    %min3A_48 = arith.minsi %jit3A_46, %max3A_47 : i32
    %while3A_49 = arith.constant 0 : i32
    %while3A_50 = arith.constant 0 : i32
    %while3A_51 = arith.constant 0 : i32
    %while3A_52 = arith.subi %min3A_48, %while3A_51 : i32
    %while3A_53 = arith.addi %while3A_51, %while3A_52 : i32
    %while3A_54 = arith.constant 1 : i32
    %while3A_55 = arith.divsi %while3A_52, %while3A_54 : i32
    %while3A_56 = arith.muli %while3A_55, %while3A_54 : i32
    %while3A_57 = arith.addi %while3A_51, %while3A_56 : i32
    %while3A_58 = arith.constant 1 : i32
    scf.for %while3A_99 = %while3A_51 to %while3A_57 step %while3A_58  : i32 {
      %dma_start3A = arith.constant 0 : i32
      %dma_start3A_100 = arith.constant 0 : i32
      %dma_start3A_101 = tpu.memref_slice %arg8[%while3A_50, %dma_start3A, %dma_start3A_100] : memref<2x128x128xf32, #tpu.memory_space<vmem>> -> memref<1x128x128xf32, #tpu.memory_space<vmem>>
      %dma_start3A_102 = tpu.memref_squeeze %dma_start3A_101 : memref<1x128x128xf32, #tpu.memory_space<vmem>> -> memref<128x128xf32, #tpu.memory_space<vmem>>
      %dma_start3A_103 = arith.constant 0 : i32
      %dma_start3A_104 = tpu.memref_slice %arg6[%while3A_99, %dma_start3A_103] : memref<32x128xi32, #tpu.memory_space<vmem>> -> memref<1x128xi32, #tpu.memory_space<vmem>>
      %dma_start3A_105 = tpu.memref_squeeze %dma_start3A_104 : memref<1x128xi32, #tpu.memory_space<vmem>> -> memref<128xi32, #tpu.memory_space<vmem>>
      %dma_start3A_106 = arith.constant 0 : i32
      %dma_start3A_107 = arith.constant 0 : i32
      %dma_start3A_108 = tpu.memref_slice %arg2[%dma_start3A_106, %dma_start3A_107] : memref<10240x128xf32, #tpu.memory_space<hbm>> -> memref<10240x128xf32, #tpu.memory_space<hbm>>
      tpu.enqueue_indirect_dma source(%dma_start3A_108 : memref<10240x128xf32, #tpu.memory_space<hbm>>) target(%dma_start3A_102 : memref<128x128xf32, #tpu.memory_space<vmem>>) offsets(%dma_start3A_105 : memref<128xi32, #tpu.memory_space<vmem>>) semaphore(%arg10 : memref<!tpu.dma_semaphore, #tpu.memory_space<semaphore_mem>>)
      %dma_wait3A = arith.constant 0 : i32
      %dma_wait3A_109 = arith.constant 0 : i32
      %dma_wait3A_110 = tpu.memref_slice %arg8[%while3A_50, %dma_wait3A, %dma_wait3A_109] : memref<2x128x128xf32, #tpu.memory_space<vmem>> -> memref<1x128x128xf32, #tpu.memory_space<vmem>>
      %dma_wait3A_111 = tpu.memref_squeeze %dma_wait3A_110 : memref<1x128x128xf32, #tpu.memory_space<vmem>> -> memref<128x128xf32, #tpu.memory_space<vmem>>
      %dma_wait3A_112 = arith.constant 0 : i32
      %dma_wait3A_113 = tpu.memref_slice %arg6[%while3A_99, %dma_wait3A_112] : memref<32x128xi32, #tpu.memory_space<vmem>> -> memref<1x128xi32, #tpu.memory_space<vmem>>
      %dma_wait3A_114 = tpu.memref_squeeze %dma_wait3A_113 : memref<1x128xi32, #tpu.memory_space<vmem>> -> memref<128xi32, #tpu.memory_space<vmem>>
      %dma_wait3A_115 = arith.constant 0 : i32
      %dma_wait3A_116 = arith.constant 0 : i32
      %dma_wait3A_117 = tpu.memref_slice %arg2[%dma_wait3A_115, %dma_wait3A_116] : memref<10240x128xf32, #tpu.memory_space<hbm>> -> memref<10240x128xf32, #tpu.memory_space<hbm>>
      tpu.wait_indirect_dma semaphore(%arg10 : memref<!tpu.dma_semaphore, #tpu.memory_space<semaphore_mem>>) src(%dma_wait3A_117 : memref<10240x128xf32, #tpu.memory_space<hbm>>) dst(%dma_wait3A_111 : memref<128x128xf32, #tpu.memory_space<vmem>>)
      "tpu.region"() ({
        %run_scoped3A_118 = tpu.sem_alloc : memref<!tpu.dma_semaphore, #tpu.memory_space<semaphore_mem>>
        %dma_start3A_119 = arith.constant 0 : i32
        %dma_start3A_120 = arith.constant 0 : i32
        %dma_start3A_121 = tpu.memref_slice %arg8[%while3A_50, %dma_start3A_119, %dma_start3A_120] : memref<2x128x128xf32, #tpu.memory_space<vmem>> -> memref<1x128x128xf32, #tpu.memory_space<vmem>>
        %dma_start3A_122 = tpu.memref_squeeze %dma_start3A_121 : memref<1x128x128xf32, #tpu.memory_space<vmem>> -> memref<128x128xf32, #tpu.memory_space<vmem>>
        %dma_start3A_123 = arith.constant 0 : i32
        %dma_start3A_124 = tpu.memref_slice %arg7[%while3A_99, %dma_start3A_123] : memref<32x128xi32, #tpu.memory_space<vmem>> -> memref<1x128xi32, #tpu.memory_space<vmem>>
        %dma_start3A_125 = tpu.memref_squeeze %dma_start3A_124 : memref<1x128xi32, #tpu.memory_space<vmem>> -> memref<128xi32, #tpu.memory_space<vmem>>
        %dma_start3A_126 = arith.constant 0 : i32
        %dma_start3A_127 = arith.constant 0 : i32
        %dma_start3A_128 = tpu.memref_slice %arg9[%dma_start3A_126, %dma_start3A_127] : memref<10240x128xf32, #tpu.memory_space<vmem_shared>> -> memref<10240x128xf32, #tpu.memory_space<vmem_shared>>
        tpu.enqueue_indirect_dma source(%dma_start3A_122 : memref<128x128xf32, #tpu.memory_space<vmem>>) target(%dma_start3A_128 : memref<10240x128xf32, #tpu.memory_space<vmem_shared>>) offsets(%dma_start3A_125 : memref<128xi32, #tpu.memory_space<vmem>>) semaphore(%run_scoped3A_118 : memref<!tpu.dma_semaphore, #tpu.memory_space<semaphore_mem>>) {add = true}
        %dma_wait3A_129 = arith.constant 0 : i32
        %dma_wait3A_130 = arith.constant 0 : i32
        %dma_wait3A_131 = tpu.memref_slice %arg8[%while3A_50, %dma_wait3A_129, %dma_wait3A_130] : memref<2x128x128xf32, #tpu.memory_space<vmem>> -> memref<1x128x128xf32, #tpu.memory_space<vmem>>
        %dma_wait3A_132 = tpu.memref_squeeze %dma_wait3A_131 : memref<1x128x128xf32, #tpu.memory_space<vmem>> -> memref<128x128xf32, #tpu.memory_space<vmem>>
        %dma_wait3A_133 = arith.constant 0 : i32
        %dma_wait3A_134 = tpu.memref_slice %arg7[%while3A_99, %dma_wait3A_133] : memref<32x128xi32, #tpu.memory_space<vmem>> -> memref<1x128xi32, #tpu.memory_space<vmem>>
        %dma_wait3A_135 = tpu.memref_squeeze %dma_wait3A_134 : memref<1x128xi32, #tpu.memory_space<vmem>> -> memref<128xi32, #tpu.memory_space<vmem>>
        %dma_wait3A_136 = arith.constant 0 : i32
        %dma_wait3A_137 = arith.constant 0 : i32
        %dma_wait3A_138 = tpu.memref_slice %arg9[%dma_wait3A_136, %dma_wait3A_137] : memref<10240x128xf32, #tpu.memory_space<vmem_shared>> -> memref<10240x128xf32, #tpu.memory_space<vmem_shared>>
        tpu.wait_indirect_dma semaphore(%run_scoped3A_118 : memref<!tpu.dma_semaphore, #tpu.memory_space<semaphore_mem>>) src(%dma_wait3A_132 : memref<128x128xf32, #tpu.memory_space<vmem>>) dst(%dma_wait3A_138 : memref<10240x128xf32, #tpu.memory_space<vmem_shared>>)
        tpu.yield
      }) : () -> ()
    }
    %while3A_59 = arith.constant 1 : i32
    scf.for %while3A_99 = %while3A_57 to %while3A_53 step %while3A_59  : i32 {
      %dma_start3A = arith.constant 0 : i32
      %dma_start3A_100 = arith.constant 0 : i32
      %dma_start3A_101 = tpu.memref_slice %arg8[%while3A_50, %dma_start3A, %dma_start3A_100] : memref<2x128x128xf32, #tpu.memory_space<vmem>> -> memref<1x128x128xf32, #tpu.memory_space<vmem>>
      %dma_start3A_102 = tpu.memref_squeeze %dma_start3A_101 : memref<1x128x128xf32, #tpu.memory_space<vmem>> -> memref<128x128xf32, #tpu.memory_space<vmem>>
      %dma_start3A_103 = arith.constant 0 : i32
      %dma_start3A_104 = tpu.memref_slice %arg6[%while3A_99, %dma_start3A_103] : memref<32x128xi32, #tpu.memory_space<vmem>> -> memref<1x128xi32, #tpu.memory_space<vmem>>
      %dma_start3A_105 = tpu.memref_squeeze %dma_start3A_104 : memref<1x128xi32, #tpu.memory_space<vmem>> -> memref<128xi32, #tpu.memory_space<vmem>>
      %dma_start3A_106 = arith.constant 0 : i32
      %dma_start3A_107 = arith.constant 0 : i32
      %dma_start3A_108 = tpu.memref_slice %arg2[%dma_start3A_106, %dma_start3A_107] : memref<10240x128xf32, #tpu.memory_space<hbm>> -> memref<10240x128xf32, #tpu.memory_space<hbm>>
      tpu.enqueue_indirect_dma source(%dma_start3A_108 : memref<10240x128xf32, #tpu.memory_space<hbm>>) target(%dma_start3A_102 : memref<128x128xf32, #tpu.memory_space<vmem>>) offsets(%dma_start3A_105 : memref<128xi32, #tpu.memory_space<vmem>>) semaphore(%arg10 : memref<!tpu.dma_semaphore, #tpu.memory_space<semaphore_mem>>)
      %dma_wait3A = arith.constant 0 : i32
      %dma_wait3A_109 = arith.constant 0 : i32
      %dma_wait3A_110 = tpu.memref_slice %arg8[%while3A_50, %dma_wait3A, %dma_wait3A_109] : memref<2x128x128xf32, #tpu.memory_space<vmem>> -> memref<1x128x128xf32, #tpu.memory_space<vmem>>
      %dma_wait3A_111 = tpu.memref_squeeze %dma_wait3A_110 : memref<1x128x128xf32, #tpu.memory_space<vmem>> -> memref<128x128xf32, #tpu.memory_space<vmem>>
      %dma_wait3A_112 = arith.constant 0 : i32
      %dma_wait3A_113 = tpu.memref_slice %arg6[%while3A_99, %dma_wait3A_112] : memref<32x128xi32, #tpu.memory_space<vmem>> -> memref<1x128xi32, #tpu.memory_space<vmem>>
      %dma_wait3A_114 = tpu.memref_squeeze %dma_wait3A_113 : memref<1x128xi32, #tpu.memory_space<vmem>> -> memref<128xi32, #tpu.memory_space<vmem>>
      %dma_wait3A_115 = arith.constant 0 : i32
      %dma_wait3A_116 = arith.constant 0 : i32
      %dma_wait3A_117 = tpu.memref_slice %arg2[%dma_wait3A_115, %dma_wait3A_116] : memref<10240x128xf32, #tpu.memory_space<hbm>> -> memref<10240x128xf32, #tpu.memory_space<hbm>>
      tpu.wait_indirect_dma semaphore(%arg10 : memref<!tpu.dma_semaphore, #tpu.memory_space<semaphore_mem>>) src(%dma_wait3A_117 : memref<10240x128xf32, #tpu.memory_space<hbm>>) dst(%dma_wait3A_111 : memref<128x128xf32, #tpu.memory_space<vmem>>)
      "tpu.region"() ({
        %run_scoped3A_118 = tpu.sem_alloc : memref<!tpu.dma_semaphore, #tpu.memory_space<semaphore_mem>>
        %dma_start3A_119 = arith.constant 0 : i32
        %dma_start3A_120 = arith.constant 0 : i32
        %dma_start3A_121 = tpu.memref_slice %arg8[%while3A_50, %dma_start3A_119, %dma_start3A_120] : memref<2x128x128xf32, #tpu.memory_space<vmem>> -> memref<1x128x128xf32, #tpu.memory_space<vmem>>
        %dma_start3A_122 = tpu.memref_squeeze %dma_start3A_121 : memref<1x128x128xf32, #tpu.memory_space<vmem>> -> memref<128x128xf32, #tpu.memory_space<vmem>>
        %dma_start3A_123 = arith.constant 0 : i32
        %dma_start3A_124 = tpu.memref_slice %arg7[%while3A_99, %dma_start3A_123] : memref<32x128xi32, #tpu.memory_space<vmem>> -> memref<1x128xi32, #tpu.memory_space<vmem>>
        %dma_start3A_125 = tpu.memref_squeeze %dma_start3A_124 : memref<1x128xi32, #tpu.memory_space<vmem>> -> memref<128xi32, #tpu.memory_space<vmem>>
        %dma_start3A_126 = arith.constant 0 : i32
        %dma_start3A_127 = arith.constant 0 : i32
        %dma_start3A_128 = tpu.memref_slice %arg9[%dma_start3A_126, %dma_start3A_127] : memref<10240x128xf32, #tpu.memory_space<vmem_shared>> -> memref<10240x128xf32, #tpu.memory_space<vmem_shared>>
        tpu.enqueue_indirect_dma source(%dma_start3A_122 : memref<128x128xf32, #tpu.memory_space<vmem>>) target(%dma_start3A_128 : memref<10240x128xf32, #tpu.memory_space<vmem_shared>>) offsets(%dma_start3A_125 : memref<128xi32, #tpu.memory_space<vmem>>) semaphore(%run_scoped3A_118 : memref<!tpu.dma_semaphore, #tpu.memory_space<semaphore_mem>>) {add = true}
        %dma_wait3A_129 = arith.constant 0 : i32
        %dma_wait3A_130 = arith.constant 0 : i32
        %dma_wait3A_131 = tpu.memref_slice %arg8[%while3A_50, %dma_wait3A_129, %dma_wait3A_130] : memref<2x128x128xf32, #tpu.memory_space<vmem>> -> memref<1x128x128xf32, #tpu.memory_space<vmem>>
        %dma_wait3A_132 = tpu.memref_squeeze %dma_wait3A_131 : memref<1x128x128xf32, #tpu.memory_space<vmem>> -> memref<128x128xf32, #tpu.memory_space<vmem>>
        %dma_wait3A_133 = arith.constant 0 : i32
        %dma_wait3A_134 = tpu.memref_slice %arg7[%while3A_99, %dma_wait3A_133] : memref<32x128xi32, #tpu.memory_space<vmem>> -> memref<1x128xi32, #tpu.memory_space<vmem>>
        %dma_wait3A_135 = tpu.memref_squeeze %dma_wait3A_134 : memref<1x128xi32, #tpu.memory_space<vmem>> -> memref<128xi32, #tpu.memory_space<vmem>>
        %dma_wait3A_136 = arith.constant 0 : i32
        %dma_wait3A_137 = arith.constant 0 : i32
        %dma_wait3A_138 = tpu.memref_slice %arg9[%dma_wait3A_136, %dma_wait3A_137] : memref<10240x128xf32, #tpu.memory_space<vmem_shared>> -> memref<10240x128xf32, #tpu.memory_space<vmem_shared>>
        tpu.wait_indirect_dma semaphore(%run_scoped3A_118 : memref<!tpu.dma_semaphore, #tpu.memory_space<semaphore_mem>>) src(%dma_wait3A_132 : memref<128x128xf32, #tpu.memory_space<vmem>>) dst(%dma_wait3A_138 : memref<10240x128xf32, #tpu.memory_space<vmem_shared>>)
        tpu.yield
      }) : () -> ()
    }
    "tpu.region"() ({
      %run_scoped3A_99 = tpu.sem_alloc : memref<!tpu.dma_semaphore, #tpu.memory_space<semaphore_mem>>
      %dma_start3A = arith.constant 0 : i32
      %dma_start3A_100 = arith.constant 0 : i32
      %dma_start3A_101 = tpu.memref_slice %arg6[%dma_start3A, %dma_start3A_100] : memref<32x128xi32, #tpu.memory_space<vmem>> -> memref<32x128xi32, #tpu.memory_space<vmem>>
      %dma_start3A_102 = arith.constant 64 : i32
      %dma_start3A_103 = arith.constant 0 : i32
      %dma_start3A_104 = tpu.memref_slice %arg3[%arg0, %arg1, %dma_start3A_102, %dma_start3A_103] : memref<2x16x128x128xi32, #tpu.memory_space<hbm>> -> memref<1x1x32x128xi32, #tpu.memory_space<hbm>>
      %dma_start3A_105 = tpu.memref_squeeze %dma_start3A_104 : memref<1x1x32x128xi32, #tpu.memory_space<hbm>> -> memref<32x128xi32, #tpu.memory_space<hbm>>
      %dma_start3A_106 = arith.constant 0 : i32
      %dma_start3A_107 = arith.constant 0 : i32
      %dma_start3A_108 = tpu.memref_slice %arg6[%dma_start3A_106, %dma_start3A_107] : memref<32x128xi32, #tpu.memory_space<vmem>> -> memref<32x128xi32, #tpu.memory_space<vmem>>
      %dma_start3A_109 = arith.constant 64 : i32
      %dma_start3A_110 = arith.constant 0 : i32
      %dma_start3A_111 = tpu.memref_slice %arg3[%arg0, %arg1, %dma_start3A_109, %dma_start3A_110] : memref<2x16x128x128xi32, #tpu.memory_space<hbm>> -> memref<1x1x32x128xi32, #tpu.memory_space<hbm>>
      %dma_start3A_112 = tpu.memref_squeeze %dma_start3A_111 : memref<1x1x32x128xi32, #tpu.memory_space<hbm>> -> memref<32x128xi32, #tpu.memory_space<hbm>>
      tpu.enqueue_dma source(%dma_start3A_112 : memref<32x128xi32, #tpu.memory_space<hbm>>) target(%dma_start3A_108 : memref<32x128xi32, #tpu.memory_space<vmem>>) target_semaphore(%run_scoped3A_99 : memref<!tpu.dma_semaphore, #tpu.memory_space<semaphore_mem>>)
      %dma_wait3A = arith.constant 0 : i32
      %dma_wait3A_113 = arith.constant 0 : i32
      %dma_wait3A_114 = tpu.memref_slice %arg6[%dma_wait3A, %dma_wait3A_113] : memref<32x128xi32, #tpu.memory_space<vmem>> -> memref<32x128xi32, #tpu.memory_space<vmem>>
      %dma_wait3A_115 = arith.constant 64 : i32
      %dma_wait3A_116 = arith.constant 0 : i32
      %dma_wait3A_117 = tpu.memref_slice %arg3[%arg0, %arg1, %dma_wait3A_115, %dma_wait3A_116] : memref<2x16x128x128xi32, #tpu.memory_space<hbm>> -> memref<1x1x32x128xi32, #tpu.memory_space<hbm>>
      %dma_wait3A_118 = tpu.memref_squeeze %dma_wait3A_117 : memref<1x1x32x128xi32, #tpu.memory_space<hbm>> -> memref<32x128xi32, #tpu.memory_space<hbm>>
      %dma_wait3A_119 = arith.constant 0 : i32
      %dma_wait3A_120 = arith.constant 0 : i32
      %dma_wait3A_121 = tpu.memref_slice %arg6[%dma_wait3A_119, %dma_wait3A_120] : memref<32x128xi32, #tpu.memory_space<vmem>> -> memref<32x128xi32, #tpu.memory_space<vmem>>
      %dma_wait3A_122 = arith.constant 64 : i32
      %dma_wait3A_123 = arith.constant 0 : i32
      %dma_wait3A_124 = tpu.memref_slice %arg3[%arg0, %arg1, %dma_wait3A_122, %dma_wait3A_123] : memref<2x16x128x128xi32, #tpu.memory_space<hbm>> -> memref<1x1x32x128xi32, #tpu.memory_space<hbm>>
      %dma_wait3A_125 = tpu.memref_squeeze %dma_wait3A_124 : memref<1x1x32x128xi32, #tpu.memory_space<hbm>> -> memref<32x128xi32, #tpu.memory_space<hbm>>
      tpu.wait_dma2 semaphore(%run_scoped3A_99 : memref<!tpu.dma_semaphore, #tpu.memory_space<semaphore_mem>>) src(%dma_wait3A_125 : memref<32x128xi32, #tpu.memory_space<hbm>>) dst(%dma_wait3A_121 : memref<32x128xi32, #tpu.memory_space<vmem>>)
      tpu.yield
    }) : () -> ()
    "tpu.region"() ({
      %run_scoped3A_99 = tpu.sem_alloc : memref<!tpu.dma_semaphore, #tpu.memory_space<semaphore_mem>>
      %dma_start3A = arith.constant 0 : i32
      %dma_start3A_100 = arith.constant 0 : i32
      %dma_start3A_101 = tpu.memref_slice %arg7[%dma_start3A, %dma_start3A_100] : memref<32x128xi32, #tpu.memory_space<vmem>> -> memref<32x128xi32, #tpu.memory_space<vmem>>
      %dma_start3A_102 = arith.constant 64 : i32
      %dma_start3A_103 = arith.constant 0 : i32
      %dma_start3A_104 = tpu.memref_slice %arg4[%arg0, %arg1, %dma_start3A_102, %dma_start3A_103] : memref<2x16x128x128xi32, #tpu.memory_space<hbm>> -> memref<1x1x32x128xi32, #tpu.memory_space<hbm>>
      %dma_start3A_105 = tpu.memref_squeeze %dma_start3A_104 : memref<1x1x32x128xi32, #tpu.memory_space<hbm>> -> memref<32x128xi32, #tpu.memory_space<hbm>>
      %dma_start3A_106 = arith.constant 0 : i32
      %dma_start3A_107 = arith.constant 0 : i32
      %dma_start3A_108 = tpu.memref_slice %arg7[%dma_start3A_106, %dma_start3A_107] : memref<32x128xi32, #tpu.memory_space<vmem>> -> memref<32x128xi32, #tpu.memory_space<vmem>>
      %dma_start3A_109 = arith.constant 64 : i32
      %dma_start3A_110 = arith.constant 0 : i32
      %dma_start3A_111 = tpu.memref_slice %arg4[%arg0, %arg1, %dma_start3A_109, %dma_start3A_110] : memref<2x16x128x128xi32, #tpu.memory_space<hbm>> -> memref<1x1x32x128xi32, #tpu.memory_space<hbm>>
      %dma_start3A_112 = tpu.memref_squeeze %dma_start3A_111 : memref<1x1x32x128xi32, #tpu.memory_space<hbm>> -> memref<32x128xi32, #tpu.memory_space<hbm>>
      tpu.enqueue_dma source(%dma_start3A_112 : memref<32x128xi32, #tpu.memory_space<hbm>>) target(%dma_start3A_108 : memref<32x128xi32, #tpu.memory_space<vmem>>) target_semaphore(%run_scoped3A_99 : memref<!tpu.dma_semaphore, #tpu.memory_space<semaphore_mem>>)
      %dma_wait3A = arith.constant 0 : i32
      %dma_wait3A_113 = arith.constant 0 : i32
      %dma_wait3A_114 = tpu.memref_slice %arg7[%dma_wait3A, %dma_wait3A_113] : memref<32x128xi32, #tpu.memory_space<vmem>> -> memref<32x128xi32, #tpu.memory_space<vmem>>
      %dma_wait3A_115 = arith.constant 64 : i32
      %dma_wait3A_116 = arith.constant 0 : i32
      %dma_wait3A_117 = tpu.memref_slice %arg4[%arg0, %arg1, %dma_wait3A_115, %dma_wait3A_116] : memref<2x16x128x128xi32, #tpu.memory_space<hbm>> -> memref<1x1x32x128xi32, #tpu.memory_space<hbm>>
      %dma_wait3A_118 = tpu.memref_squeeze %dma_wait3A_117 : memref<1x1x32x128xi32, #tpu.memory_space<hbm>> -> memref<32x128xi32, #tpu.memory_space<hbm>>
      %dma_wait3A_119 = arith.constant 0 : i32
      %dma_wait3A_120 = arith.constant 0 : i32
      %dma_wait3A_121 = tpu.memref_slice %arg7[%dma_wait3A_119, %dma_wait3A_120] : memref<32x128xi32, #tpu.memory_space<vmem>> -> memref<32x128xi32, #tpu.memory_space<vmem>>
      %dma_wait3A_122 = arith.constant 64 : i32
      %dma_wait3A_123 = arith.constant 0 : i32
      %dma_wait3A_124 = tpu.memref_slice %arg4[%arg0, %arg1, %dma_wait3A_122, %dma_wait3A_123] : memref<2x16x128x128xi32, #tpu.memory_space<hbm>> -> memref<1x1x32x128xi32, #tpu.memory_space<hbm>>
      %dma_wait3A_125 = tpu.memref_squeeze %dma_wait3A_124 : memref<1x1x32x128xi32, #tpu.memory_space<hbm>> -> memref<32x128xi32, #tpu.memory_space<hbm>>
      tpu.wait_dma2 semaphore(%run_scoped3A_99 : memref<!tpu.dma_semaphore, #tpu.memory_space<semaphore_mem>>) src(%dma_wait3A_125 : memref<32x128xi32, #tpu.memory_space<hbm>>) dst(%dma_wait3A_121 : memref<32x128xi32, #tpu.memory_space<vmem>>)
      tpu.yield
    }) : () -> ()
    %sub3A_60 = arith.constant 64 : i32
    %sub3A_61 = arith.subi %select_n3A, %sub3A_60 : i32
    %jit3A_62 = arith.constant 0 : i32
    %jit3A_63 = arith.constant 32 : i32
    %max3A_64 = arith.maxsi %jit3A_62, %sub3A_61 : i32
    %min3A_65 = arith.minsi %jit3A_63, %max3A_64 : i32
    %while3A_66 = arith.constant 0 : i32
    %while3A_67 = arith.constant 0 : i32
    %while3A_68 = arith.constant 0 : i32
    %while3A_69 = arith.subi %min3A_65, %while3A_68 : i32
    %while3A_70 = arith.addi %while3A_68, %while3A_69 : i32
    %while3A_71 = arith.constant 1 : i32
    %while3A_72 = arith.divsi %while3A_69, %while3A_71 : i32
    %while3A_73 = arith.muli %while3A_72, %while3A_71 : i32
    %while3A_74 = arith.addi %while3A_68, %while3A_73 : i32
    %while3A_75 = arith.constant 1 : i32
    scf.for %while3A_99 = %while3A_68 to %while3A_74 step %while3A_75  : i32 {
      %dma_start3A = arith.constant 0 : i32
      %dma_start3A_100 = arith.constant 0 : i32
      %dma_start3A_101 = tpu.memref_slice %arg8[%while3A_67, %dma_start3A, %dma_start3A_100] : memref<2x128x128xf32, #tpu.memory_space<vmem>> -> memref<1x128x128xf32, #tpu.memory_space<vmem>>
      %dma_start3A_102 = tpu.memref_squeeze %dma_start3A_101 : memref<1x128x128xf32, #tpu.memory_space<vmem>> -> memref<128x128xf32, #tpu.memory_space<vmem>>
      %dma_start3A_103 = arith.constant 0 : i32
      %dma_start3A_104 = tpu.memref_slice %arg6[%while3A_99, %dma_start3A_103] : memref<32x128xi32, #tpu.memory_space<vmem>> -> memref<1x128xi32, #tpu.memory_space<vmem>>
      %dma_start3A_105 = tpu.memref_squeeze %dma_start3A_104 : memref<1x128xi32, #tpu.memory_space<vmem>> -> memref<128xi32, #tpu.memory_space<vmem>>
      %dma_start3A_106 = arith.constant 0 : i32
      %dma_start3A_107 = arith.constant 0 : i32
      %dma_start3A_108 = tpu.memref_slice %arg2[%dma_start3A_106, %dma_start3A_107] : memref<10240x128xf32, #tpu.memory_space<hbm>> -> memref<10240x128xf32, #tpu.memory_space<hbm>>
      tpu.enqueue_indirect_dma source(%dma_start3A_108 : memref<10240x128xf32, #tpu.memory_space<hbm>>) target(%dma_start3A_102 : memref<128x128xf32, #tpu.memory_space<vmem>>) offsets(%dma_start3A_105 : memref<128xi32, #tpu.memory_space<vmem>>) semaphore(%arg10 : memref<!tpu.dma_semaphore, #tpu.memory_space<semaphore_mem>>)
      %dma_wait3A = arith.constant 0 : i32
      %dma_wait3A_109 = arith.constant 0 : i32
      %dma_wait3A_110 = tpu.memref_slice %arg8[%while3A_67, %dma_wait3A, %dma_wait3A_109] : memref<2x128x128xf32, #tpu.memory_space<vmem>> -> memref<1x128x128xf32, #tpu.memory_space<vmem>>
      %dma_wait3A_111 = tpu.memref_squeeze %dma_wait3A_110 : memref<1x128x128xf32, #tpu.memory_space<vmem>> -> memref<128x128xf32, #tpu.memory_space<vmem>>
      %dma_wait3A_112 = arith.constant 0 : i32
      %dma_wait3A_113 = tpu.memref_slice %arg6[%while3A_99, %dma_wait3A_112] : memref<32x128xi32, #tpu.memory_space<vmem>> -> memref<1x128xi32, #tpu.memory_space<vmem>>
      %dma_wait3A_114 = tpu.memref_squeeze %dma_wait3A_113 : memref<1x128xi32, #tpu.memory_space<vmem>> -> memref<128xi32, #tpu.memory_space<vmem>>
      %dma_wait3A_115 = arith.constant 0 : i32
      %dma_wait3A_116 = arith.constant 0 : i32
      %dma_wait3A_117 = tpu.memref_slice %arg2[%dma_wait3A_115, %dma_wait3A_116] : memref<10240x128xf32, #tpu.memory_space<hbm>> -> memref<10240x128xf32, #tpu.memory_space<hbm>>
      tpu.wait_indirect_dma semaphore(%arg10 : memref<!tpu.dma_semaphore, #tpu.memory_space<semaphore_mem>>) src(%dma_wait3A_117 : memref<10240x128xf32, #tpu.memory_space<hbm>>) dst(%dma_wait3A_111 : memref<128x128xf32, #tpu.memory_space<vmem>>)
      "tpu.region"() ({
        %run_scoped3A_118 = tpu.sem_alloc : memref<!tpu.dma_semaphore, #tpu.memory_space<semaphore_mem>>
        %dma_start3A_119 = arith.constant 0 : i32
        %dma_start3A_120 = arith.constant 0 : i32
        %dma_start3A_121 = tpu.memref_slice %arg8[%while3A_67, %dma_start3A_119, %dma_start3A_120] : memref<2x128x128xf32, #tpu.memory_space<vmem>> -> memref<1x128x128xf32, #tpu.memory_space<vmem>>
        %dma_start3A_122 = tpu.memref_squeeze %dma_start3A_121 : memref<1x128x128xf32, #tpu.memory_space<vmem>> -> memref<128x128xf32, #tpu.memory_space<vmem>>
        %dma_start3A_123 = arith.constant 0 : i32
        %dma_start3A_124 = tpu.memref_slice %arg7[%while3A_99, %dma_start3A_123] : memref<32x128xi32, #tpu.memory_space<vmem>> -> memref<1x128xi32, #tpu.memory_space<vmem>>
        %dma_start3A_125 = tpu.memref_squeeze %dma_start3A_124 : memref<1x128xi32, #tpu.memory_space<vmem>> -> memref<128xi32, #tpu.memory_space<vmem>>
        %dma_start3A_126 = arith.constant 0 : i32
        %dma_start3A_127 = arith.constant 0 : i32
        %dma_start3A_128 = tpu.memref_slice %arg9[%dma_start3A_126, %dma_start3A_127] : memref<10240x128xf32, #tpu.memory_space<vmem_shared>> -> memref<10240x128xf32, #tpu.memory_space<vmem_shared>>
        tpu.enqueue_indirect_dma source(%dma_start3A_122 : memref<128x128xf32, #tpu.memory_space<vmem>>) target(%dma_start3A_128 : memref<10240x128xf32, #tpu.memory_space<vmem_shared>>) offsets(%dma_start3A_125 : memref<128xi32, #tpu.memory_space<vmem>>) semaphore(%run_scoped3A_118 : memref<!tpu.dma_semaphore, #tpu.memory_space<semaphore_mem>>) {add = true}
        %dma_wait3A_129 = arith.constant 0 : i32
        %dma_wait3A_130 = arith.constant 0 : i32
        %dma_wait3A_131 = tpu.memref_slice %arg8[%while3A_67, %dma_wait3A_129, %dma_wait3A_130] : memref<2x128x128xf32, #tpu.memory_space<vmem>> -> memref<1x128x128xf32, #tpu.memory_space<vmem>>
        %dma_wait3A_132 = tpu.memref_squeeze %dma_wait3A_131 : memref<1x128x128xf32, #tpu.memory_space<vmem>> -> memref<128x128xf32, #tpu.memory_space<vmem>>
        %dma_wait3A_133 = arith.constant 0 : i32
        %dma_wait3A_134 = tpu.memref_slice %arg7[%while3A_99, %dma_wait3A_133] : memref<32x128xi32, #tpu.memory_space<vmem>> -> memref<1x128xi32, #tpu.memory_space<vmem>>
        %dma_wait3A_135 = tpu.memref_squeeze %dma_wait3A_134 : memref<1x128xi32, #tpu.memory_space<vmem>> -> memref<128xi32, #tpu.memory_space<vmem>>
        %dma_wait3A_136 = arith.constant 0 : i32
        %dma_wait3A_137 = arith.constant 0 : i32
        %dma_wait3A_138 = tpu.memref_slice %arg9[%dma_wait3A_136, %dma_wait3A_137] : memref<10240x128xf32, #tpu.memory_space<vmem_shared>> -> memref<10240x128xf32, #tpu.memory_space<vmem_shared>>
        tpu.wait_indirect_dma semaphore(%run_scoped3A_118 : memref<!tpu.dma_semaphore, #tpu.memory_space<semaphore_mem>>) src(%dma_wait3A_132 : memref<128x128xf32, #tpu.memory_space<vmem>>) dst(%dma_wait3A_138 : memref<10240x128xf32, #tpu.memory_space<vmem_shared>>)
        tpu.yield
      }) : () -> ()
    }
    %while3A_76 = arith.constant 1 : i32
    scf.for %while3A_99 = %while3A_74 to %while3A_70 step %while3A_76  : i32 {
      %dma_start3A = arith.constant 0 : i32
      %dma_start3A_100 = arith.constant 0 : i32
      %dma_start3A_101 = tpu.memref_slice %arg8[%while3A_67, %dma_start3A, %dma_start3A_100] : memref<2x128x128xf32, #tpu.memory_space<vmem>> -> memref<1x128x128xf32, #tpu.memory_space<vmem>>
      %dma_start3A_102 = tpu.memref_squeeze %dma_start3A_101 : memref<1x128x128xf32, #tpu.memory_space<vmem>> -> memref<128x128xf32, #tpu.memory_space<vmem>>
      %dma_start3A_103 = arith.constant 0 : i32
      %dma_start3A_104 = tpu.memref_slice %arg6[%while3A_99, %dma_start3A_103] : memref<32x128xi32, #tpu.memory_space<vmem>> -> memref<1x128xi32, #tpu.memory_space<vmem>>
      %dma_start3A_105 = tpu.memref_squeeze %dma_start3A_104 : memref<1x128xi32, #tpu.memory_space<vmem>> -> memref<128xi32, #tpu.memory_space<vmem>>
      %dma_start3A_106 = arith.constant 0 : i32
      %dma_start3A_107 = arith.constant 0 : i32
      %dma_start3A_108 = tpu.memref_slice %arg2[%dma_start3A_106, %dma_start3A_107] : memref<10240x128xf32, #tpu.memory_space<hbm>> -> memref<10240x128xf32, #tpu.memory_space<hbm>>
      tpu.enqueue_indirect_dma source(%dma_start3A_108 : memref<10240x128xf32, #tpu.memory_space<hbm>>) target(%dma_start3A_102 : memref<128x128xf32, #tpu.memory_space<vmem>>) offsets(%dma_start3A_105 : memref<128xi32, #tpu.memory_space<vmem>>) semaphore(%arg10 : memref<!tpu.dma_semaphore, #tpu.memory_space<semaphore_mem>>)
      %dma_wait3A = arith.constant 0 : i32
      %dma_wait3A_109 = arith.constant 0 : i32
      %dma_wait3A_110 = tpu.memref_slice %arg8[%while3A_67, %dma_wait3A, %dma_wait3A_109] : memref<2x128x128xf32, #tpu.memory_space<vmem>> -> memref<1x128x128xf32, #tpu.memory_space<vmem>>
      %dma_wait3A_111 = tpu.memref_squeeze %dma_wait3A_110 : memref<1x128x128xf32, #tpu.memory_space<vmem>> -> memref<128x128xf32, #tpu.memory_space<vmem>>
      %dma_wait3A_112 = arith.constant 0 : i32
      %dma_wait3A_113 = tpu.memref_slice %arg6[%while3A_99, %dma_wait3A_112] : memref<32x128xi32, #tpu.memory_space<vmem>> -> memref<1x128xi32, #tpu.memory_space<vmem>>
      %dma_wait3A_114 = tpu.memref_squeeze %dma_wait3A_113 : memref<1x128xi32, #tpu.memory_space<vmem>> -> memref<128xi32, #tpu.memory_space<vmem>>
      %dma_wait3A_115 = arith.constant 0 : i32
      %dma_wait3A_116 = arith.constant 0 : i32
      %dma_wait3A_117 = tpu.memref_slice %arg2[%dma_wait3A_115, %dma_wait3A_116] : memref<10240x128xf32, #tpu.memory_space<hbm>> -> memref<10240x128xf32, #tpu.memory_space<hbm>>
      tpu.wait_indirect_dma semaphore(%arg10 : memref<!tpu.dma_semaphore, #tpu.memory_space<semaphore_mem>>) src(%dma_wait3A_117 : memref<10240x128xf32, #tpu.memory_space<hbm>>) dst(%dma_wait3A_111 : memref<128x128xf32, #tpu.memory_space<vmem>>)
      "tpu.region"() ({
        %run_scoped3A_118 = tpu.sem_alloc : memref<!tpu.dma_semaphore, #tpu.memory_space<semaphore_mem>>
        %dma_start3A_119 = arith.constant 0 : i32
        %dma_start3A_120 = arith.constant 0 : i32
        %dma_start3A_121 = tpu.memref_slice %arg8[%while3A_67, %dma_start3A_119, %dma_start3A_120] : memref<2x128x128xf32, #tpu.memory_space<vmem>> -> memref<1x128x128xf32, #tpu.memory_space<vmem>>
        %dma_start3A_122 = tpu.memref_squeeze %dma_start3A_121 : memref<1x128x128xf32, #tpu.memory_space<vmem>> -> memref<128x128xf32, #tpu.memory_space<vmem>>
        %dma_start3A_123 = arith.constant 0 : i32
        %dma_start3A_124 = tpu.memref_slice %arg7[%while3A_99, %dma_start3A_123] : memref<32x128xi32, #tpu.memory_space<vmem>> -> memref<1x128xi32, #tpu.memory_space<vmem>>
        %dma_start3A_125 = tpu.memref_squeeze %dma_start3A_124 : memref<1x128xi32, #tpu.memory_space<vmem>> -> memref<128xi32, #tpu.memory_space<vmem>>
        %dma_start3A_126 = arith.constant 0 : i32
        %dma_start3A_127 = arith.constant 0 : i32
        %dma_start3A_128 = tpu.memref_slice %arg9[%dma_start3A_126, %dma_start3A_127] : memref<10240x128xf32, #tpu.memory_space<vmem_shared>> -> memref<10240x128xf32, #tpu.memory_space<vmem_shared>>
        tpu.enqueue_indirect_dma source(%dma_start3A_122 : memref<128x128xf32, #tpu.memory_space<vmem>>) target(%dma_start3A_128 : memref<10240x128xf32, #tpu.memory_space<vmem_shared>>) offsets(%dma_start3A_125 : memref<128xi32, #tpu.memory_space<vmem>>) semaphore(%run_scoped3A_118 : memref<!tpu.dma_semaphore, #tpu.memory_space<semaphore_mem>>) {add = true}
        %dma_wait3A_129 = arith.constant 0 : i32
        %dma_wait3A_130 = arith.constant 0 : i32
        %dma_wait3A_131 = tpu.memref_slice %arg8[%while3A_67, %dma_wait3A_129, %dma_wait3A_130] : memref<2x128x128xf32, #tpu.memory_space<vmem>> -> memref<1x128x128xf32, #tpu.memory_space<vmem>>
        %dma_wait3A_132 = tpu.memref_squeeze %dma_wait3A_131 : memref<1x128x128xf32, #tpu.memory_space<vmem>> -> memref<128x128xf32, #tpu.memory_space<vmem>>
        %dma_wait3A_133 = arith.constant 0 : i32
        %dma_wait3A_134 = tpu.memref_slice %arg7[%while3A_99, %dma_wait3A_133] : memref<32x128xi32, #tpu.memory_space<vmem>> -> memref<1x128xi32, #tpu.memory_space<vmem>>
        %dma_wait3A_135 = tpu.memref_squeeze %dma_wait3A_134 : memref<1x128xi32, #tpu.memory_space<vmem>> -> memref<128xi32, #tpu.memory_space<vmem>>
        %dma_wait3A_136 = arith.constant 0 : i32
        %dma_wait3A_137 = arith.constant 0 : i32
        %dma_wait3A_138 = tpu.memref_slice %arg9[%dma_wait3A_136, %dma_wait3A_137] : memref<10240x128xf32, #tpu.memory_space<vmem_shared>> -> memref<10240x128xf32, #tpu.memory_space<vmem_shared>>
        tpu.wait_indirect_dma semaphore(%run_scoped3A_118 : memref<!tpu.dma_semaphore, #tpu.memory_space<semaphore_mem>>) src(%dma_wait3A_132 : memref<128x128xf32, #tpu.memory_space<vmem>>) dst(%dma_wait3A_138 : memref<10240x128xf32, #tpu.memory_space<vmem_shared>>)
        tpu.yield
      }) : () -> ()
    }
    "tpu.region"() ({
      %run_scoped3A_99 = tpu.sem_alloc : memref<!tpu.dma_semaphore, #tpu.memory_space<semaphore_mem>>
      %dma_start3A = arith.constant 0 : i32
      %dma_start3A_100 = arith.constant 0 : i32
      %dma_start3A_101 = tpu.memref_slice %arg6[%dma_start3A, %dma_start3A_100] : memref<32x128xi32, #tpu.memory_space<vmem>> -> memref<32x128xi32, #tpu.memory_space<vmem>>
      %dma_start3A_102 = arith.constant 96 : i32
      %dma_start3A_103 = arith.constant 0 : i32
      %dma_start3A_104 = tpu.memref_slice %arg3[%arg0, %arg1, %dma_start3A_102, %dma_start3A_103] : memref<2x16x128x128xi32, #tpu.memory_space<hbm>> -> memref<1x1x32x128xi32, #tpu.memory_space<hbm>>
      %dma_start3A_105 = tpu.memref_squeeze %dma_start3A_104 : memref<1x1x32x128xi32, #tpu.memory_space<hbm>> -> memref<32x128xi32, #tpu.memory_space<hbm>>
      %dma_start3A_106 = arith.constant 0 : i32
      %dma_start3A_107 = arith.constant 0 : i32
      %dma_start3A_108 = tpu.memref_slice %arg6[%dma_start3A_106, %dma_start3A_107] : memref<32x128xi32, #tpu.memory_space<vmem>> -> memref<32x128xi32, #tpu.memory_space<vmem>>
      %dma_start3A_109 = arith.constant 96 : i32
      %dma_start3A_110 = arith.constant 0 : i32
      %dma_start3A_111 = tpu.memref_slice %arg3[%arg0, %arg1, %dma_start3A_109, %dma_start3A_110] : memref<2x16x128x128xi32, #tpu.memory_space<hbm>> -> memref<1x1x32x128xi32, #tpu.memory_space<hbm>>
      %dma_start3A_112 = tpu.memref_squeeze %dma_start3A_111 : memref<1x1x32x128xi32, #tpu.memory_space<hbm>> -> memref<32x128xi32, #tpu.memory_space<hbm>>
      tpu.enqueue_dma source(%dma_start3A_112 : memref<32x128xi32, #tpu.memory_space<hbm>>) target(%dma_start3A_108 : memref<32x128xi32, #tpu.memory_space<vmem>>) target_semaphore(%run_scoped3A_99 : memref<!tpu.dma_semaphore, #tpu.memory_space<semaphore_mem>>)
      %dma_wait3A = arith.constant 0 : i32
      %dma_wait3A_113 = arith.constant 0 : i32
      %dma_wait3A_114 = tpu.memref_slice %arg6[%dma_wait3A, %dma_wait3A_113] : memref<32x128xi32, #tpu.memory_space<vmem>> -> memref<32x128xi32, #tpu.memory_space<vmem>>
      %dma_wait3A_115 = arith.constant 96 : i32
      %dma_wait3A_116 = arith.constant 0 : i32
      %dma_wait3A_117 = tpu.memref_slice %arg3[%arg0, %arg1, %dma_wait3A_115, %dma_wait3A_116] : memref<2x16x128x128xi32, #tpu.memory_space<hbm>> -> memref<1x1x32x128xi32, #tpu.memory_space<hbm>>
      %dma_wait3A_118 = tpu.memref_squeeze %dma_wait3A_117 : memref<1x1x32x128xi32, #tpu.memory_space<hbm>> -> memref<32x128xi32, #tpu.memory_space<hbm>>
      %dma_wait3A_119 = arith.constant 0 : i32
      %dma_wait3A_120 = arith.constant 0 : i32
      %dma_wait3A_121 = tpu.memref_slice %arg6[%dma_wait3A_119, %dma_wait3A_120] : memref<32x128xi32, #tpu.memory_space<vmem>> -> memref<32x128xi32, #tpu.memory_space<vmem>>
      %dma_wait3A_122 = arith.constant 96 : i32
      %dma_wait3A_123 = arith.constant 0 : i32
      %dma_wait3A_124 = tpu.memref_slice %arg3[%arg0, %arg1, %dma_wait3A_122, %dma_wait3A_123] : memref<2x16x128x128xi32, #tpu.memory_space<hbm>> -> memref<1x1x32x128xi32, #tpu.memory_space<hbm>>
      %dma_wait3A_125 = tpu.memref_squeeze %dma_wait3A_124 : memref<1x1x32x128xi32, #tpu.memory_space<hbm>> -> memref<32x128xi32, #tpu.memory_space<hbm>>
      tpu.wait_dma2 semaphore(%run_scoped3A_99 : memref<!tpu.dma_semaphore, #tpu.memory_space<semaphore_mem>>) src(%dma_wait3A_125 : memref<32x128xi32, #tpu.memory_space<hbm>>) dst(%dma_wait3A_121 : memref<32x128xi32, #tpu.memory_space<vmem>>)
      tpu.yield
    }) : () -> ()
    "tpu.region"() ({
      %run_scoped3A_99 = tpu.sem_alloc : memref<!tpu.dma_semaphore, #tpu.memory_space<semaphore_mem>>
      %dma_start3A = arith.constant 0 : i32
      %dma_start3A_100 = arith.constant 0 : i32
      %dma_start3A_101 = tpu.memref_slice %arg7[%dma_start3A, %dma_start3A_100] : memref<32x128xi32, #tpu.memory_space<vmem>> -> memref<32x128xi32, #tpu.memory_space<vmem>>
      %dma_start3A_102 = arith.constant 96 : i32
      %dma_start3A_103 = arith.constant 0 : i32
      %dma_start3A_104 = tpu.memref_slice %arg4[%arg0, %arg1, %dma_start3A_102, %dma_start3A_103] : memref<2x16x128x128xi32, #tpu.memory_space<hbm>> -> memref<1x1x32x128xi32, #tpu.memory_space<hbm>>
      %dma_start3A_105 = tpu.memref_squeeze %dma_start3A_104 : memref<1x1x32x128xi32, #tpu.memory_space<hbm>> -> memref<32x128xi32, #tpu.memory_space<hbm>>
      %dma_start3A_106 = arith.constant 0 : i32
      %dma_start3A_107 = arith.constant 0 : i32
      %dma_start3A_108 = tpu.memref_slice %arg7[%dma_start3A_106, %dma_start3A_107] : memref<32x128xi32, #tpu.memory_space<vmem>> -> memref<32x128xi32, #tpu.memory_space<vmem>>
      %dma_start3A_109 = arith.constant 96 : i32
      %dma_start3A_110 = arith.constant 0 : i32
      %dma_start3A_111 = tpu.memref_slice %arg4[%arg0, %arg1, %dma_start3A_109, %dma_start3A_110] : memref<2x16x128x128xi32, #tpu.memory_space<hbm>> -> memref<1x1x32x128xi32, #tpu.memory_space<hbm>>
      %dma_start3A_112 = tpu.memref_squeeze %dma_start3A_111 : memref<1x1x32x128xi32, #tpu.memory_space<hbm>> -> memref<32x128xi32, #tpu.memory_space<hbm>>
      tpu.enqueue_dma source(%dma_start3A_112 : memref<32x128xi32, #tpu.memory_space<hbm>>) target(%dma_start3A_108 : memref<32x128xi32, #tpu.memory_space<vmem>>) target_semaphore(%run_scoped3A_99 : memref<!tpu.dma_semaphore, #tpu.memory_space<semaphore_mem>>)
      %dma_wait3A = arith.constant 0 : i32
      %dma_wait3A_113 = arith.constant 0 : i32
      %dma_wait3A_114 = tpu.memref_slice %arg7[%dma_wait3A, %dma_wait3A_113] : memref<32x128xi32, #tpu.memory_space<vmem>> -> memref<32x128xi32, #tpu.memory_space<vmem>>
      %dma_wait3A_115 = arith.constant 96 : i32
      %dma_wait3A_116 = arith.constant 0 : i32
      %dma_wait3A_117 = tpu.memref_slice %arg4[%arg0, %arg1, %dma_wait3A_115, %dma_wait3A_116] : memref<2x16x128x128xi32, #tpu.memory_space<hbm>> -> memref<1x1x32x128xi32, #tpu.memory_space<hbm>>
      %dma_wait3A_118 = tpu.memref_squeeze %dma_wait3A_117 : memref<1x1x32x128xi32, #tpu.memory_space<hbm>> -> memref<32x128xi32, #tpu.memory_space<hbm>>
      %dma_wait3A_119 = arith.constant 0 : i32
      %dma_wait3A_120 = arith.constant 0 : i32
      %dma_wait3A_121 = tpu.memref_slice %arg7[%dma_wait3A_119, %dma_wait3A_120] : memref<32x128xi32, #tpu.memory_space<vmem>> -> memref<32x128xi32, #tpu.memory_space<vmem>>
      %dma_wait3A_122 = arith.constant 96 : i32
      %dma_wait3A_123 = arith.constant 0 : i32
      %dma_wait3A_124 = tpu.memref_slice %arg4[%arg0, %arg1, %dma_wait3A_122, %dma_wait3A_123] : memref<2x16x128x128xi32, #tpu.memory_space<hbm>> -> memref<1x1x32x128xi32, #tpu.memory_space<hbm>>
      %dma_wait3A_125 = tpu.memref_squeeze %dma_wait3A_124 : memref<1x1x32x128xi32, #tpu.memory_space<hbm>> -> memref<32x128xi32, #tpu.memory_space<hbm>>
      tpu.wait_dma2 semaphore(%run_scoped3A_99 : memref<!tpu.dma_semaphore, #tpu.memory_space<semaphore_mem>>) src(%dma_wait3A_125 : memref<32x128xi32, #tpu.memory_space<hbm>>) dst(%dma_wait3A_121 : memref<32x128xi32, #tpu.memory_space<vmem>>)
      tpu.yield
    }) : () -> ()
    %sub3A_77 = arith.constant 96 : i32
    %sub3A_78 = arith.subi %select_n3A, %sub3A_77 : i32
    %jit3A_79 = arith.constant 0 : i32
    %jit3A_80 = arith.constant 32 : i32
    %max3A_81 = arith.maxsi %jit3A_79, %sub3A_78 : i32
    %min3A_82 = arith.minsi %jit3A_80, %max3A_81 : i32
    %while3A_83 = arith.constant 0 : i32
    %while3A_84 = arith.constant 0 : i32
    %while3A_85 = arith.constant 0 : i32
    %while3A_86 = arith.subi %min3A_82, %while3A_85 : i32
    %while3A_87 = arith.addi %while3A_85, %while3A_86 : i32
    %while3A_88 = arith.constant 1 : i32
    %while3A_89 = arith.divsi %while3A_86, %while3A_88 : i32
    %while3A_90 = arith.muli %while3A_89, %while3A_88 : i32
    %while3A_91 = arith.addi %while3A_85, %while3A_90 : i32
    %while3A_92 = arith.constant 1 : i32
    scf.for %while3A_99 = %while3A_85 to %while3A_91 step %while3A_92  : i32 {
      %dma_start3A = arith.constant 0 : i32
      %dma_start3A_100 = arith.constant 0 : i32
      %dma_start3A_101 = tpu.memref_slice %arg8[%while3A_84, %dma_start3A, %dma_start3A_100] : memref<2x128x128xf32, #tpu.memory_space<vmem>> -> memref<1x128x128xf32, #tpu.memory_space<vmem>>
      %dma_start3A_102 = tpu.memref_squeeze %dma_start3A_101 : memref<1x128x128xf32, #tpu.memory_space<vmem>> -> memref<128x128xf32, #tpu.memory_space<vmem>>
      %dma_start3A_103 = arith.constant 0 : i32
      %dma_start3A_104 = tpu.memref_slice %arg6[%while3A_99, %dma_start3A_103] : memref<32x128xi32, #tpu.memory_space<vmem>> -> memref<1x128xi32, #tpu.memory_space<vmem>>
      %dma_start3A_105 = tpu.memref_squeeze %dma_start3A_104 : memref<1x128xi32, #tpu.memory_space<vmem>> -> memref<128xi32, #tpu.memory_space<vmem>>
      %dma_start3A_106 = arith.constant 0 : i32
      %dma_start3A_107 = arith.constant 0 : i32
      %dma_start3A_108 = tpu.memref_slice %arg2[%dma_start3A_106, %dma_start3A_107] : memref<10240x128xf32, #tpu.memory_space<hbm>> -> memref<10240x128xf32, #tpu.memory_space<hbm>>
      tpu.enqueue_indirect_dma source(%dma_start3A_108 : memref<10240x128xf32, #tpu.memory_space<hbm>>) target(%dma_start3A_102 : memref<128x128xf32, #tpu.memory_space<vmem>>) offsets(%dma_start3A_105 : memref<128xi32, #tpu.memory_space<vmem>>) semaphore(%arg10 : memref<!tpu.dma_semaphore, #tpu.memory_space<semaphore_mem>>)
      %dma_wait3A = arith.constant 0 : i32
      %dma_wait3A_109 = arith.constant 0 : i32
      %dma_wait3A_110 = tpu.memref_slice %arg8[%while3A_84, %dma_wait3A, %dma_wait3A_109] : memref<2x128x128xf32, #tpu.memory_space<vmem>> -> memref<1x128x128xf32, #tpu.memory_space<vmem>>
      %dma_wait3A_111 = tpu.memref_squeeze %dma_wait3A_110 : memref<1x128x128xf32, #tpu.memory_space<vmem>> -> memref<128x128xf32, #tpu.memory_space<vmem>>
      %dma_wait3A_112 = arith.constant 0 : i32
      %dma_wait3A_113 = tpu.memref_slice %arg6[%while3A_99, %dma_wait3A_112] : memref<32x128xi32, #tpu.memory_space<vmem>> -> memref<1x128xi32, #tpu.memory_space<vmem>>
      %dma_wait3A_114 = tpu.memref_squeeze %dma_wait3A_113 : memref<1x128xi32, #tpu.memory_space<vmem>> -> memref<128xi32, #tpu.memory_space<vmem>>
      %dma_wait3A_115 = arith.constant 0 : i32
      %dma_wait3A_116 = arith.constant 0 : i32
      %dma_wait3A_117 = tpu.memref_slice %arg2[%dma_wait3A_115, %dma_wait3A_116] : memref<10240x128xf32, #tpu.memory_space<hbm>> -> memref<10240x128xf32, #tpu.memory_space<hbm>>
      tpu.wait_indirect_dma semaphore(%arg10 : memref<!tpu.dma_semaphore, #tpu.memory_space<semaphore_mem>>) src(%dma_wait3A_117 : memref<10240x128xf32, #tpu.memory_space<hbm>>) dst(%dma_wait3A_111 : memref<128x128xf32, #tpu.memory_space<vmem>>)
      "tpu.region"() ({
        %run_scoped3A_118 = tpu.sem_alloc : memref<!tpu.dma_semaphore, #tpu.memory_space<semaphore_mem>>
        %dma_start3A_119 = arith.constant 0 : i32
        %dma_start3A_120 = arith.constant 0 : i32
        %dma_start3A_121 = tpu.memref_slice %arg8[%while3A_84, %dma_start3A_119, %dma_start3A_120] : memref<2x128x128xf32, #tpu.memory_space<vmem>> -> memref<1x128x128xf32, #tpu.memory_space<vmem>>
        %dma_start3A_122 = tpu.memref_squeeze %dma_start3A_121 : memref<1x128x128xf32, #tpu.memory_space<vmem>> -> memref<128x128xf32, #tpu.memory_space<vmem>>
        %dma_start3A_123 = arith.constant 0 : i32
        %dma_start3A_124 = tpu.memref_slice %arg7[%while3A_99, %dma_start3A_123] : memref<32x128xi32, #tpu.memory_space<vmem>> -> memref<1x128xi32, #tpu.memory_space<vmem>>
        %dma_start3A_125 = tpu.memref_squeeze %dma_start3A_124 : memref<1x128xi32, #tpu.memory_space<vmem>> -> memref<128xi32, #tpu.memory_space<vmem>>
        %dma_start3A_126 = arith.constant 0 : i32
        %dma_start3A_127 = arith.constant 0 : i32
        %dma_start3A_128 = tpu.memref_slice %arg9[%dma_start3A_126, %dma_start3A_127] : memref<10240x128xf32, #tpu.memory_space<vmem_shared>> -> memref<10240x128xf32, #tpu.memory_space<vmem_shared>>
        tpu.enqueue_indirect_dma source(%dma_start3A_122 : memref<128x128xf32, #tpu.memory_space<vmem>>) target(%dma_start3A_128 : memref<10240x128xf32, #tpu.memory_space<vmem_shared>>) offsets(%dma_start3A_125 : memref<128xi32, #tpu.memory_space<vmem>>) semaphore(%run_scoped3A_118 : memref<!tpu.dma_semaphore, #tpu.memory_space<semaphore_mem>>) {add = true}
        %dma_wait3A_129 = arith.constant 0 : i32
        %dma_wait3A_130 = arith.constant 0 : i32
        %dma_wait3A_131 = tpu.memref_slice %arg8[%while3A_84, %dma_wait3A_129, %dma_wait3A_130] : memref<2x128x128xf32, #tpu.memory_space<vmem>> -> memref<1x128x128xf32, #tpu.memory_space<vmem>>
        %dma_wait3A_132 = tpu.memref_squeeze %dma_wait3A_131 : memref<1x128x128xf32, #tpu.memory_space<vmem>> -> memref<128x128xf32, #tpu.memory_space<vmem>>
        %dma_wait3A_133 = arith.constant 0 : i32
        %dma_wait3A_134 = tpu.memref_slice %arg7[%while3A_99, %dma_wait3A_133] : memref<32x128xi32, #tpu.memory_space<vmem>> -> memref<1x128xi32, #tpu.memory_space<vmem>>
        %dma_wait3A_135 = tpu.memref_squeeze %dma_wait3A_134 : memref<1x128xi32, #tpu.memory_space<vmem>> -> memref<128xi32, #tpu.memory_space<vmem>>
        %dma_wait3A_136 = arith.constant 0 : i32
        %dma_wait3A_137 = arith.constant 0 : i32
        %dma_wait3A_138 = tpu.memref_slice %arg9[%dma_wait3A_136, %dma_wait3A_137] : memref<10240x128xf32, #tpu.memory_space<vmem_shared>> -> memref<10240x128xf32, #tpu.memory_space<vmem_shared>>
        tpu.wait_indirect_dma semaphore(%run_scoped3A_118 : memref<!tpu.dma_semaphore, #tpu.memory_space<semaphore_mem>>) src(%dma_wait3A_132 : memref<128x128xf32, #tpu.memory_space<vmem>>) dst(%dma_wait3A_138 : memref<10240x128xf32, #tpu.memory_space<vmem_shared>>)
        tpu.yield
      }) : () -> ()
    }
    %while3A_93 = arith.constant 1 : i32
    scf.for %while3A_99 = %while3A_91 to %while3A_87 step %while3A_93  : i32 {
      %dma_start3A = arith.constant 0 : i32
      %dma_start3A_100 = arith.constant 0 : i32
      %dma_start3A_101 = tpu.memref_slice %arg8[%while3A_84, %dma_start3A, %dma_start3A_100] : memref<2x128x128xf32, #tpu.memory_space<vmem>> -> memref<1x128x128xf32, #tpu.memory_space<vmem>>
      %dma_start3A_102 = tpu.memref_squeeze %dma_start3A_101 : memref<1x128x128xf32, #tpu.memory_space<vmem>> -> memref<128x128xf32, #tpu.memory_space<vmem>>
      %dma_start3A_103 = arith.constant 0 : i32
      %dma_start3A_104 = tpu.memref_slice %arg6[%while3A_99, %dma_start3A_103] : memref<32x128xi32, #tpu.memory_space<vmem>> -> memref<1x128xi32, #tpu.memory_space<vmem>>
      %dma_start3A_105 = tpu.memref_squeeze %dma_start3A_104 : memref<1x128xi32, #tpu.memory_space<vmem>> -> memref<128xi32, #tpu.memory_space<vmem>>
      %dma_start3A_106 = arith.constant 0 : i32
      %dma_start3A_107 = arith.constant 0 : i32
      %dma_start3A_108 = tpu.memref_slice %arg2[%dma_start3A_106, %dma_start3A_107] : memref<10240x128xf32, #tpu.memory_space<hbm>> -> memref<10240x128xf32, #tpu.memory_space<hbm>>
      tpu.enqueue_indirect_dma source(%dma_start3A_108 : memref<10240x128xf32, #tpu.memory_space<hbm>>) target(%dma_start3A_102 : memref<128x128xf32, #tpu.memory_space<vmem>>) offsets(%dma_start3A_105 : memref<128xi32, #tpu.memory_space<vmem>>) semaphore(%arg10 : memref<!tpu.dma_semaphore, #tpu.memory_space<semaphore_mem>>)
      %dma_wait3A = arith.constant 0 : i32
      %dma_wait3A_109 = arith.constant 0 : i32
      %dma_wait3A_110 = tpu.memref_slice %arg8[%while3A_84, %dma_wait3A, %dma_wait3A_109] : memref<2x128x128xf32, #tpu.memory_space<vmem>> -> memref<1x128x128xf32, #tpu.memory_space<vmem>>
      %dma_wait3A_111 = tpu.memref_squeeze %dma_wait3A_110 : memref<1x128x128xf32, #tpu.memory_space<vmem>> -> memref<128x128xf32, #tpu.memory_space<vmem>>
      %dma_wait3A_112 = arith.constant 0 : i32
      %dma_wait3A_113 = tpu.memref_slice %arg6[%while3A_99, %dma_wait3A_112] : memref<32x128xi32, #tpu.memory_space<vmem>> -> memref<1x128xi32, #tpu.memory_space<vmem>>
      %dma_wait3A_114 = tpu.memref_squeeze %dma_wait3A_113 : memref<1x128xi32, #tpu.memory_space<vmem>> -> memref<128xi32, #tpu.memory_space<vmem>>
      %dma_wait3A_115 = arith.constant 0 : i32
      %dma_wait3A_116 = arith.constant 0 : i32
      %dma_wait3A_117 = tpu.memref_slice %arg2[%dma_wait3A_115, %dma_wait3A_116] : memref<10240x128xf32, #tpu.memory_space<hbm>> -> memref<10240x128xf32, #tpu.memory_space<hbm>>
      tpu.wait_indirect_dma semaphore(%arg10 : memref<!tpu.dma_semaphore, #tpu.memory_space<semaphore_mem>>) src(%dma_wait3A_117 : memref<10240x128xf32, #tpu.memory_space<hbm>>) dst(%dma_wait3A_111 : memref<128x128xf32, #tpu.memory_space<vmem>>)
      "tpu.region"() ({
        %run_scoped3A_118 = tpu.sem_alloc : memref<!tpu.dma_semaphore, #tpu.memory_space<semaphore_mem>>
        %dma_start3A_119 = arith.constant 0 : i32
        %dma_start3A_120 = arith.constant 0 : i32
        %dma_start3A_121 = tpu.memref_slice %arg8[%while3A_84, %dma_start3A_119, %dma_start3A_120] : memref<2x128x128xf32, #tpu.memory_space<vmem>> -> memref<1x128x128xf32, #tpu.memory_space<vmem>>
        %dma_start3A_122 = tpu.memref_squeeze %dma_start3A_121 : memref<1x128x128xf32, #tpu.memory_space<vmem>> -> memref<128x128xf32, #tpu.memory_space<vmem>>
        %dma_start3A_123 = arith.constant 0 : i32
        %dma_start3A_124 = tpu.memref_slice %arg7[%while3A_99, %dma_start3A_123] : memref<32x128xi32, #tpu.memory_space<vmem>> -> memref<1x128xi32, #tpu.memory_space<vmem>>
        %dma_start3A_125 = tpu.memref_squeeze %dma_start3A_124 : memref<1x128xi32, #tpu.memory_space<vmem>> -> memref<128xi32, #tpu.memory_space<vmem>>
        %dma_start3A_126 = arith.constant 0 : i32
        %dma_start3A_127 = arith.constant 0 : i32
        %dma_start3A_128 = tpu.memref_slice %arg9[%dma_start3A_126, %dma_start3A_127] : memref<10240x128xf32, #tpu.memory_space<vmem_shared>> -> memref<10240x128xf32, #tpu.memory_space<vmem_shared>>
        tpu.enqueue_indirect_dma source(%dma_start3A_122 : memref<128x128xf32, #tpu.memory_space<vmem>>) target(%dma_start3A_128 : memref<10240x128xf32, #tpu.memory_space<vmem_shared>>) offsets(%dma_start3A_125 : memref<128xi32, #tpu.memory_space<vmem>>) semaphore(%run_scoped3A_118 : memref<!tpu.dma_semaphore, #tpu.memory_space<semaphore_mem>>) {add = true}
        %dma_wait3A_129 = arith.constant 0 : i32
        %dma_wait3A_130 = arith.constant 0 : i32
        %dma_wait3A_131 = tpu.memref_slice %arg8[%while3A_84, %dma_wait3A_129, %dma_wait3A_130] : memref<2x128x128xf32, #tpu.memory_space<vmem>> -> memref<1x128x128xf32, #tpu.memory_space<vmem>>
        %dma_wait3A_132 = tpu.memref_squeeze %dma_wait3A_131 : memref<1x128x128xf32, #tpu.memory_space<vmem>> -> memref<128x128xf32, #tpu.memory_space<vmem>>
        %dma_wait3A_133 = arith.constant 0 : i32
        %dma_wait3A_134 = tpu.memref_slice %arg7[%while3A_99, %dma_wait3A_133] : memref<32x128xi32, #tpu.memory_space<vmem>> -> memref<1x128xi32, #tpu.memory_space<vmem>>
        %dma_wait3A_135 = tpu.memref_squeeze %dma_wait3A_134 : memref<1x128xi32, #tpu.memory_space<vmem>> -> memref<128xi32, #tpu.memory_space<vmem>>
        %dma_wait3A_136 = arith.constant 0 : i32
        %dma_wait3A_137 = arith.constant 0 : i32
        %dma_wait3A_138 = tpu.memref_slice %arg9[%dma_wait3A_136, %dma_wait3A_137] : memref<10240x128xf32, #tpu.memory_space<vmem_shared>> -> memref<10240x128xf32, #tpu.memory_space<vmem_shared>>
        tpu.wait_indirect_dma semaphore(%run_scoped3A_118 : memref<!tpu.dma_semaphore, #tpu.memory_space<semaphore_mem>>) src(%dma_wait3A_132 : memref<128x128xf32, #tpu.memory_space<vmem>>) dst(%dma_wait3A_138 : memref<10240x128xf32, #tpu.memory_space<vmem_shared>>)
        tpu.yield
      }) : () -> ()
    }
    %barrier3A_94 = arith.constant 0 : index
    tpu.barrier barrier_id(%barrier3A_94)
    %mul3A_95 = arith.constant 640 : i32
    %mul3A_96 = arith.muli %arg1, %mul3A_95 : i32
    %mul3A_97 = arith.constant 640 : i32
    %mul3A_98 = arith.muli %arg1, %mul3A_97 : i32
    "tpu.region"() ({
      %run_scoped3A_99 = tpu.sem_alloc : memref<!tpu.dma_semaphore, #tpu.memory_space<semaphore_mem>>
      %dma_start3A = arith.constant 0 : i32
      %dma_start3A_100 = tpu.memref_slice %arg5[%arg0, %mul3A_98, %dma_start3A] : memref<2x10240x128xf32, #tpu.memory_space<hbm>> -> memref<1x640x128xf32, #tpu.memory_space<hbm>>
      %dma_start3A_101 = tpu.memref_squeeze %dma_start3A_100 : memref<1x640x128xf32, #tpu.memory_space<hbm>> -> memref<640x128xf32, #tpu.memory_space<hbm>>
      %dma_start3A_102 = arith.constant 0 : i32
      %dma_start3A_103 = tpu.memref_slice %arg9[%mul3A_96, %dma_start3A_102] : memref<10240x128xf32, #tpu.memory_space<vmem_shared>> -> memref<640x128xf32, #tpu.memory_space<vmem_shared>>
      tpu.enqueue_dma source(%dma_start3A_103 : memref<640x128xf32, #tpu.memory_space<vmem_shared>>) target(%dma_start3A_101 : memref<640x128xf32, #tpu.memory_space<hbm>>) target_semaphore(%run_scoped3A_99 : memref<!tpu.dma_semaphore, #tpu.memory_space<semaphore_mem>>)
      %dma_wait3A = arith.constant 0 : i32
      %dma_wait3A_104 = tpu.memref_slice %arg5[%arg0, %mul3A_98, %dma_wait3A] : memref<2x10240x128xf32, #tpu.memory_space<hbm>> -> memref<1x640x128xf32, #tpu.memory_space<hbm>>
      %dma_wait3A_105 = tpu.memref_squeeze %dma_wait3A_104 : memref<1x640x128xf32, #tpu.memory_space<hbm>> -> memref<640x128xf32, #tpu.memory_space<hbm>>
      %dma_wait3A_106 = arith.constant 0 : i32
      %dma_wait3A_107 = tpu.memref_slice %arg9[%mul3A_96, %dma_wait3A_106] : memref<10240x128xf32, #tpu.memory_space<vmem_shared>> -> memref<640x128xf32, #tpu.memory_space<vmem_shared>>
      tpu.wait_dma2 semaphore(%run_scoped3A_99 : memref<!tpu.dma_semaphore, #tpu.memory_space<semaphore_mem>>) src(%dma_wait3A_107 : memref<640x128xf32, #tpu.memory_space<vmem_shared>>) dst(%dma_wait3A_105 : memref<640x128xf32, #tpu.memory_space<hbm>>)
      tpu.yield
    }) : () -> ()
    return
  }
}

#map = affine_map<(d0, d1) -> (0, 0)>
#map1 = affine_map<(d0, d1) -> (0, 0, 0, 0)>
#map2 = affine_map<(d0, d1) -> (0, 0, 0)>
module attributes {stable_mosaic.version = 14 : i64} {
  func.func @body(%arg0: i32, %arg1: i32, %arg2: memref<10240x128xf32, #tpu.memory_space<hbm>>, %arg3: memref<2x16x128x128xi32, #tpu.memory_space<hbm>>, %arg4: memref<2x16x128x128xi32, #tpu.memory_space<hbm>>, %arg5: memref<2x10240x128xf32, #tpu.memory_space<hbm>>, %arg6: memref<32x128xi32, #tpu.memory_space<vmem>>, %arg7: memref<32x128xi32, #tpu.memory_space<vmem>>, %arg8: memref<2x128x128xf32, #tpu.memory_space<vmem>>, %arg9: memref<10240x128xf32, #tpu.memory_space<vmem_shared>>, %arg10: memref<!tpu.dma_semaphore, #tpu.memory_space<semaphore_mem>>, %arg11: memref<!tpu.dma_semaphore, #tpu.memory_space<semaphore_mem>>) attributes {dimension_semantics = [#tpu.dimension_semantics<core_parallel>, #tpu.dimension_semantics<subcore_parallel>], iteration_bounds = array<i64: 2, 16>, scalar_prefetch = 0 : i64, scratch_operands = 6 : i64, tpu.core_type = #tpu.core_type<sc_vector_subcore>, window_params = [{transform_indices = #map}, {transform_indices = #map1}, {transform_indices = #map1}, {transform_indices = #map2}]} {
    %eq3A = arith.constant 0 : i32
    %eq3A_0 = arith.cmpi eq, %arg0, %eq3A : i32
    %jit3A = arith.constant 79 : i32
    %jit3A_1 = arith.constant 78 : i32
    %select_n3A = arith.select %eq3A_0, %jit3A, %jit3A_1 : i32
    %broadcast_in_dim3A = arith.constant 0.000000e+00 : f32
    %broadcast_in_dim3A_2 = vector.broadcast %broadcast_in_dim3A : f32 to vector<16xf32>
    %scan3A = arith.constant 0 : i32
    %scan3A_3 = arith.constant 0 : i32
    %scan3A_4 = arith.constant 128 : i32
    %scan3A_5 = arith.addi %scan3A_3, %scan3A_4 : i32
    %scan3A_6 = arith.constant 1 : i32
    scf.for %scan3A_99 = %scan3A_3 to %scan3A_5 step %scan3A_6  : i32 {
      %swap3A = arith.constant 0 : i32
      %swap3A_100 = arith.index_cast %swap3A : i32 to index
      %swap3A_101 = arith.index_cast %scan3A_99 : i32 to index
      %swap3A_102 = arith.constant 0 : index
      %swap3A_103 = tpu.vector_load %arg8[%swap3A_100, %swap3A_101, %swap3A_102] {strides = array<i32>} : memref<2x128x128xf32, #tpu.memory_space<vmem>>, vector<1x1x16xf32>,
      %swap3A_104 = vector.shape_cast %swap3A_103 : vector<1x1x16xf32> to vector<16xf32>
      %swap3A_105 = vector.shape_cast %broadcast_in_dim3A_2 : vector<16xf32> to vector<1x1x16xf32>
      tpu.vector_store %arg8[%swap3A_100, %swap3A_101, %swap3A_102], %swap3A_105 {strides = array<i32>} : memref<2x128x128xf32, #tpu.memory_space<vmem>>, vector<1x1x16xf32>,
      %swap3A_106 = arith.constant 0 : i32
      %swap3A_107 = arith.index_cast %swap3A_106 : i32 to index
      %swap3A_108 = arith.index_cast %scan3A_99 : i32 to index
      %swap3A_109 = arith.constant 16 : index
      %swap3A_110 = tpu.vector_load %arg8[%swap3A_107, %swap3A_108, %swap3A_109] {strides = array<i32>} : memref<2x128x128xf32, #tpu.memory_space<vmem>>, vector<1x1x16xf32>,
      %swap3A_111 = vector.shape_cast %swap3A_110 : vector<1x1x16xf32> to vector<16xf32>
      %swap3A_112 = vector.shape_cast %broadcast_in_dim3A_2 : vector<16xf32> to vector<1x1x16xf32>
      tpu.vector_store %arg8[%swap3A_107, %swap3A_108, %swap3A_109], %swap3A_112 {strides = array<i32>} : memref<2x128x128xf32, #tpu.memory_space<vmem>>, vector<1x1x16xf32>,
      %swap3A_113 = arith.constant 0 : i32
      %swap3A_114 = arith.index_cast %swap3A_113 : i32 to index
      %swap3A_115 = arith.index_cast %scan3A_99 : i32 to index
      %swap3A_116 = arith.constant 32 : index
      %swap3A_117 = tpu.vector_load %arg8[%swap3A_114, %swap3A_115, %swap3A_116] {strides = array<i32>} : memref<2x128x128xf32, #tpu.memory_space<vmem>>, vector<1x1x16xf32>,
      %swap3A_118 = vector.shape_cast %swap3A_117 : vector<1x1x16xf32> to vector<16xf32>
      %swap3A_119 = vector.shape_cast %broadcast_in_dim3A_2 : vector<16xf32> to vector<1x1x16xf32>
      tpu.vector_store %arg8[%swap3A_114, %swap3A_115, %swap3A_116], %swap3A_119 {strides = array<i32>} : memref<2x128x128xf32, #tpu.memory_space<vmem>>, vector<1x1x16xf32>,
      %swap3A_120 = arith.constant 0 : i32
      %swap3A_121 = arith.index_cast %swap3A_120 : i32 to index
      %swap3A_122 = arith.index_cast %scan3A_99 : i32 to index
      %swap3A_123 = arith.constant 48 : index
      %swap3A_124 = tpu.vector_load %arg8[%swap3A_121, %swap3A_122, %swap3A_123] {strides = array<i32>} : memref<2x128x128xf32, #tpu.memory_space<vmem>>, vector<1x1x16xf32>,
      %swap3A_125 = vector.shape_cast %swap3A_124 : vector<1x1x16xf32> to vector<16xf32>
      %swap3A_126 = vector.shape_cast %broadcast_in_dim3A_2 : vector<16xf32> to vector<1x1x16xf32>
      tpu.vector_store %arg8[%swap3A_121, %swap3A_122, %swap3A_123], %swap3A_126 {strides = array<i32>} : memref<2x128x128xf32, #tpu.memory_space<vmem>>, vector<1x1x16xf32>,
      %swap3A_127 = arith.constant 0 : i32
      %swap3A_128 = arith.index_cast %swap3A_127 : i32 to index
      %swap3A_129 = arith.index_cast %scan3A_99 : i32 to index
      %swap3A_130 = arith.constant 64 : index
      %swap3A_131 = tpu.vector_load %arg8[%swap3A_128, %swap3A_129, %swap3A_130] {strides = array<i32>} : memref<2x128x128xf32, #tpu.memory_space<vmem>>, vector<1x1x16xf32>,
      %swap3A_132 = vector.shape_cast %swap3A_131 : vector<1x1x16xf32> to vector<16xf32>
      %swap3A_133 = vector.shape_cast %broadcast_in_dim3A_2 : vector<16xf32> to vector<1x1x16xf32>
      tpu.vector_store %arg8[%swap3A_128, %swap3A_129, %swap3A_130], %swap3A_133 {strides = array<i32>} : memref<2x128x128xf32, #tpu.memory_space<vmem>>, vector<1x1x16xf32>,
      %swap3A_134 = arith.constant 0 : i32
      %swap3A_135 = arith.index_cast %swap3A_134 : i32 to index
      %swap3A_136 = arith.index_cast %scan3A_99 : i32 to index
      %swap3A_137 = arith.constant 80 : index
      %swap3A_138 = tpu.vector_load %arg8[%swap3A_135, %swap3A_136, %swap3A_137] {strides = array<i32>} : memref<2x128x128xf32, #tpu.memory_space<vmem>>, vector<1x1x16xf32>,
      %swap3A_139 = vector.shape_cast %swap3A_138 : vector<1x1x16xf32> to vector<16xf32>
      %swap3A_140 = vector.shape_cast %broadcast_in_dim3A_2 : vector<16xf32> to vector<1x1x16xf32>
      tpu.vector_store %arg8[%swap3A_135, %swap3A_136, %swap3A_137], %swap3A_140 {strides = array<i32>} : memref<2x128x128xf32, #tpu.memory_space<vmem>>, vector<1x1x16xf32>,
      %swap3A_141 = arith.constant 0 : i32
      %swap3A_142 = arith.index_cast %swap3A_141 : i32 to index
      %swap3A_143 = arith.index_cast %scan3A_99 : i32 to index
      %swap3A_144 = arith.constant 96 : index
      %swap3A_145 = tpu.vector_load %arg8[%swap3A_142, %swap3A_143, %swap3A_144] {strides = array<i32>} : memref<2x128x128xf32, #tpu.memory_space<vmem>>, vector<1x1x16xf32>,
      %swap3A_146 = vector.shape_cast %swap3A_145 : vector<1x1x16xf32> to vector<16xf32>
      %swap3A_147 = vector.shape_cast %broadcast_in_dim3A_2 : vector<16xf32> to vector<1x1x16xf32>
      tpu.vector_store %arg8[%swap3A_142, %swap3A_143, %swap3A_144], %swap3A_147 {strides = array<i32>} : memref<2x128x128xf32, #tpu.memory_space<vmem>>, vector<1x1x16xf32>,
      %swap3A_148 = arith.constant 0 : i32
      %swap3A_149 = arith.index_cast %swap3A_148 : i32 to index
      %swap3A_150 = arith.index_cast %scan3A_99 : i32 to index
      %swap3A_151 = arith.constant 112 : index
      %swap3A_152 = tpu.vector_load %arg8[%swap3A_149, %swap3A_150, %swap3A_151] {strides = array<i32>} : memref<2x128x128xf32, #tpu.memory_space<vmem>>, vector<1x1x16xf32>,
      %swap3A_153 = vector.shape_cast %swap3A_152 : vector<1x1x16xf32> to vector<16xf32>
      %swap3A_154 = vector.shape_cast %broadcast_in_dim3A_2 : vector<16xf32> to vector<1x1x16xf32>
      tpu.vector_store %arg8[%swap3A_149, %swap3A_150, %swap3A_151], %swap3A_154 {strides = array<i32>} : memref<2x128x128xf32, #tpu.memory_space<vmem>>, vector<1x1x16xf32>,
    }
    %scan3A_7 = arith.constant 128 : i32
    %mul3A = arith.constant 640 : i32
    %mul3A_8 = arith.muli %arg1, %mul3A : i32
    %add3A = arith.constant 0 : i32
    %add3A_9 = arith.addi %mul3A_8, %add3A : i32
    %run_scoped3A = arith.constant 0 : i32
    "tpu.region"() ({
      %run_scoped3A_99 = tpu.sem_alloc : memref<!tpu.dma_semaphore, #tpu.memory_space<semaphore_mem>>
      %dma_start3A = arith.constant 0 : i32
      %dma_start3A_100 = arith.constant 0 : i32
      %dma_start3A_101 = tpu.memref_slice %arg8[%run_scoped3A, %dma_start3A, %dma_start3A_100] : memref<2x128x128xf32, #tpu.memory_space<vmem>> -> memref<1x128x128xf32, #tpu.memory_space<vmem>>
      %dma_start3A_102 = tpu.memref_squeeze %dma_start3A_101 : memref<1x128x128xf32, #tpu.memory_space<vmem>> -> memref<128x128xf32, #tpu.memory_space<vmem>>
      %dma_start3A_103 = arith.constant 0 : i32
      %dma_start3A_104 = tpu.memref_slice %arg9[%add3A_9, %dma_start3A_103] : memref<10240x128xf32, #tpu.memory_space<vmem_shared>> -> memref<128x128xf32, #tpu.memory_space<vmem_shared>>
      %dma_start3A_105 = arith.constant 0 : i32
      %dma_start3A_106 = tpu.memref_slice %arg9[%add3A_9, %dma_start3A_105] : memref<10240x128xf32, #tpu.memory_space<vmem_shared>> -> memref<128x128xf32, #tpu.memory_space<vmem_shared>>
      %dma_start3A_107 = arith.constant 0 : i32
      %dma_start3A_108 = arith.constant 0 : i32
      %dma_start3A_109 = tpu.memref_slice %arg8[%run_scoped3A, %dma_start3A_107, %dma_start3A_108] : memref<2x128x128xf32, #tpu.memory_space<vmem>> -> memref<1x128x128xf32, #tpu.memory_space<vmem>>
      %dma_start3A_110 = tpu.memref_squeeze %dma_start3A_109 : memref<1x128x128xf32, #tpu.memory_space<vmem>> -> memref<128x128xf32, #tpu.memory_space<vmem>>
      tpu.enqueue_dma source(%dma_start3A_110 : memref<128x128xf32, #tpu.memory_space<vmem>>) target(%dma_start3A_106 : memref<128x128xf32, #tpu.memory_space<vmem_shared>>) target_semaphore(%run_scoped3A_99 : memref<!tpu.dma_semaphore, #tpu.memory_space<semaphore_mem>>)
      %dma_wait3A = arith.constant 0 : i32
      %dma_wait3A_111 = arith.constant 0 : i32
      %dma_wait3A_112 = tpu.memref_slice %arg8[%run_scoped3A, %dma_wait3A, %dma_wait3A_111] : memref<2x128x128xf32, #tpu.memory_space<vmem>> -> memref<1x128x128xf32, #tpu.memory_space<vmem>>
      %dma_wait3A_113 = tpu.memref_squeeze %dma_wait3A_112 : memref<1x128x128xf32, #tpu.memory_space<vmem>> -> memref<128x128xf32, #tpu.memory_space<vmem>>
      %dma_wait3A_114 = arith.constant 0 : i32
      %dma_wait3A_115 = tpu.memref_slice %arg9[%add3A_9, %dma_wait3A_114] : memref<10240x128xf32, #tpu.memory_space<vmem_shared>> -> memref<128x128xf32, #tpu.memory_space<vmem_shared>>
      %dma_wait3A_116 = arith.constant 0 : i32
      %dma_wait3A_117 = tpu.memref_slice %arg9[%add3A_9, %dma_wait3A_116] : memref<10240x128xf32, #tpu.memory_space<vmem_shared>> -> memref<128x128xf32, #tpu.memory_space<vmem_shared>>
      %dma_wait3A_118 = arith.constant 0 : i32
      %dma_wait3A_119 = arith.constant 0 : i32
      %dma_wait3A_120 = tpu.memref_slice %arg8[%run_scoped3A, %dma_wait3A_118, %dma_wait3A_119] : memref<2x128x128xf32, #tpu.memory_space<vmem>> -> memref<1x128x128xf32, #tpu.memory_space<vmem>>
      %dma_wait3A_121 = tpu.memref_squeeze %dma_wait3A_120 : memref<1x128x128xf32, #tpu.memory_space<vmem>> -> memref<128x128xf32, #tpu.memory_space<vmem>>
      tpu.wait_dma2 semaphore(%run_scoped3A_99 : memref<!tpu.dma_semaphore, #tpu.memory_space<semaphore_mem>>) src(%dma_wait3A_121 : memref<128x128xf32, #tpu.memory_space<vmem>>) dst(%dma_wait3A_117 : memref<128x128xf32, #tpu.memory_space<vmem_shared>>)
      tpu.yield
    }) : () -> ()
    %mul3A_10 = arith.constant 640 : i32
    %mul3A_11 = arith.muli %arg1, %mul3A_10 : i32
    %add3A_12 = arith.constant 128 : i32
    %add3A_13 = arith.addi %mul3A_11, %add3A_12 : i32
    %run_scoped3A_14 = arith.constant 0 : i32
    "tpu.region"() ({
      %run_scoped3A_99 = tpu.sem_alloc : memref<!tpu.dma_semaphore, #tpu.memory_space<semaphore_mem>>
      %dma_start3A = arith.constant 0 : i32
      %dma_start3A_100 = arith.constant 0 : i32
      %dma_start3A_101 = tpu.memref_slice %arg8[%run_scoped3A_14, %dma_start3A, %dma_start3A_100] : memref<2x128x128xf32, #tpu.memory_space<vmem>> -> memref<1x128x128xf32, #tpu.memory_space<vmem>>
      %dma_start3A_102 = tpu.memref_squeeze %dma_start3A_101 : memref<1x128x128xf32, #tpu.memory_space<vmem>> -> memref<128x128xf32, #tpu.memory_space<vmem>>
      %dma_start3A_103 = arith.constant 0 : i32
      %dma_start3A_104 = tpu.memref_slice %arg9[%add3A_13, %dma_start3A_103] : memref<10240x128xf32, #tpu.memory_space<vmem_shared>> -> memref<128x128xf32, #tpu.memory_space<vmem_shared>>
      %dma_start3A_105 = arith.constant 0 : i32
      %dma_start3A_106 = tpu.memref_slice %arg9[%add3A_13, %dma_start3A_105] : memref<10240x128xf32, #tpu.memory_space<vmem_shared>> -> memref<128x128xf32, #tpu.memory_space<vmem_shared>>
      %dma_start3A_107 = arith.constant 0 : i32
      %dma_start3A_108 = arith.constant 0 : i32
      %dma_start3A_109 = tpu.memref_slice %arg8[%run_scoped3A_14, %dma_start3A_107, %dma_start3A_108] : memref<2x128x128xf32, #tpu.memory_space<vmem>> -> memref<1x128x128xf32, #tpu.memory_space<vmem>>
      %dma_start3A_110 = tpu.memref_squeeze %dma_start3A_109 : memref<1x128x128xf32, #tpu.memory_space<vmem>> -> memref<128x128xf32, #tpu.memory_space<vmem>>
      tpu.enqueue_dma source(%dma_start3A_110 : memref<128x128xf32, #tpu.memory_space<vmem>>) target(%dma_start3A_106 : memref<128x128xf32, #tpu.memory_space<vmem_shared>>) target_semaphore(%run_scoped3A_99 : memref<!tpu.dma_semaphore, #tpu.memory_space<semaphore_mem>>)
      %dma_wait3A = arith.constant 0 : i32
      %dma_wait3A_111 = arith.constant 0 : i32
      %dma_wait3A_112 = tpu.memref_slice %arg8[%run_scoped3A_14, %dma_wait3A, %dma_wait3A_111] : memref<2x128x128xf32, #tpu.memory_space<vmem>> -> memref<1x128x128xf32, #tpu.memory_space<vmem>>
      %dma_wait3A_113 = tpu.memref_squeeze %dma_wait3A_112 : memref<1x128x128xf32, #tpu.memory_space<vmem>> -> memref<128x128xf32, #tpu.memory_space<vmem>>
      %dma_wait3A_114 = arith.constant 0 : i32
      %dma_wait3A_115 = tpu.memref_slice %arg9[%add3A_13, %dma_wait3A_114] : memref<10240x128xf32, #tpu.memory_space<vmem_shared>> -> memref<128x128xf32, #tpu.memory_space<vmem_shared>>
      %dma_wait3A_116 = arith.constant 0 : i32
      %dma_wait3A_117 = tpu.memref_slice %arg9[%add3A_13, %dma_wait3A_116] : memref<10240x128xf32, #tpu.memory_space<vmem_shared>> -> memref<128x128xf32, #tpu.memory_space<vmem_shared>>
      %dma_wait3A_118 = arith.constant 0 : i32
      %dma_wait3A_119 = arith.constant 0 : i32
      %dma_wait3A_120 = tpu.memref_slice %arg8[%run_scoped3A_14, %dma_wait3A_118, %dma_wait3A_119] : memref<2x128x128xf32, #tpu.memory_space<vmem>> -> memref<1x128x128xf32, #tpu.memory_space<vmem>>
      %dma_wait3A_121 = tpu.memref_squeeze %dma_wait3A_120 : memref<1x128x128xf32, #tpu.memory_space<vmem>> -> memref<128x128xf32, #tpu.memory_space<vmem>>
      tpu.wait_dma2 semaphore(%run_scoped3A_99 : memref<!tpu.dma_semaphore, #tpu.memory_space<semaphore_mem>>) src(%dma_wait3A_121 : memref<128x128xf32, #tpu.memory_space<vmem>>) dst(%dma_wait3A_117 : memref<128x128xf32, #tpu.memory_space<vmem_shared>>)
      tpu.yield
    }) : () -> ()
    %mul3A_15 = arith.constant 640 : i32
    %mul3A_16 = arith.muli %arg1, %mul3A_15 : i32
    %add3A_17 = arith.constant 256 : i32
    %add3A_18 = arith.addi %mul3A_16, %add3A_17 : i32
    %run_scoped3A_19 = arith.constant 0 : i32
    "tpu.region"() ({
      %run_scoped3A_99 = tpu.sem_alloc : memref<!tpu.dma_semaphore, #tpu.memory_space<semaphore_mem>>
      %dma_start3A = arith.constant 0 : i32
      %dma_start3A_100 = arith.constant 0 : i32
      %dma_start3A_101 = tpu.memref_slice %arg8[%run_scoped3A_19, %dma_start3A, %dma_start3A_100] : memref<2x128x128xf32, #tpu.memory_space<vmem>> -> memref<1x128x128xf32, #tpu.memory_space<vmem>>
      %dma_start3A_102 = tpu.memref_squeeze %dma_start3A_101 : memref<1x128x128xf32, #tpu.memory_space<vmem>> -> memref<128x128xf32, #tpu.memory_space<vmem>>
      %dma_start3A_103 = arith.constant 0 : i32
      %dma_start3A_104 = tpu.memref_slice %arg9[%add3A_18, %dma_start3A_103] : memref<10240x128xf32, #tpu.memory_space<vmem_shared>> -> memref<128x128xf32, #tpu.memory_space<vmem_shared>>
      %dma_start3A_105 = arith.constant 0 : i32
      %dma_start3A_106 = tpu.memref_slice %arg9[%add3A_18, %dma_start3A_105] : memref<10240x128xf32, #tpu.memory_space<vmem_shared>> -> memref<128x128xf32, #tpu.memory_space<vmem_shared>>
      %dma_start3A_107 = arith.constant 0 : i32
      %dma_start3A_108 = arith.constant 0 : i32
      %dma_start3A_109 = tpu.memref_slice %arg8[%run_scoped3A_19, %dma_start3A_107, %dma_start3A_108] : memref<2x128x128xf32, #tpu.memory_space<vmem>> -> memref<1x128x128xf32, #tpu.memory_space<vmem>>
      %dma_start3A_110 = tpu.memref_squeeze %dma_start3A_109 : memref<1x128x128xf32, #tpu.memory_space<vmem>> -> memref<128x128xf32, #tpu.memory_space<vmem>>
      tpu.enqueue_dma source(%dma_start3A_110 : memref<128x128xf32, #tpu.memory_space<vmem>>) target(%dma_start3A_106 : memref<128x128xf32, #tpu.memory_space<vmem_shared>>) target_semaphore(%run_scoped3A_99 : memref<!tpu.dma_semaphore, #tpu.memory_space<semaphore_mem>>)
      %dma_wait3A = arith.constant 0 : i32
      %dma_wait3A_111 = arith.constant 0 : i32
      %dma_wait3A_112 = tpu.memref_slice %arg8[%run_scoped3A_19, %dma_wait3A, %dma_wait3A_111] : memref<2x128x128xf32, #tpu.memory_space<vmem>> -> memref<1x128x128xf32, #tpu.memory_space<vmem>>
      %dma_wait3A_113 = tpu.memref_squeeze %dma_wait3A_112 : memref<1x128x128xf32, #tpu.memory_space<vmem>> -> memref<128x128xf32, #tpu.memory_space<vmem>>
      %dma_wait3A_114 = arith.constant 0 : i32
      %dma_wait3A_115 = tpu.memref_slice %arg9[%add3A_18, %dma_wait3A_114] : memref<10240x128xf32, #tpu.memory_space<vmem_shared>> -> memref<128x128xf32, #tpu.memory_space<vmem_shared>>
      %dma_wait3A_116 = arith.constant 0 : i32
      %dma_wait3A_117 = tpu.memref_slice %arg9[%add3A_18, %dma_wait3A_116] : memref<10240x128xf32, #tpu.memory_space<vmem_shared>> -> memref<128x128xf32, #tpu.memory_space<vmem_shared>>
      %dma_wait3A_118 = arith.constant 0 : i32
      %dma_wait3A_119 = arith.constant 0 : i32
      %dma_wait3A_120 = tpu.memref_slice %arg8[%run_scoped3A_19, %dma_wait3A_118, %dma_wait3A_119] : memref<2x128x128xf32, #tpu.memory_space<vmem>> -> memref<1x128x128xf32, #tpu.memory_space<vmem>>
      %dma_wait3A_121 = tpu.memref_squeeze %dma_wait3A_120 : memref<1x128x128xf32, #tpu.memory_space<vmem>> -> memref<128x128xf32, #tpu.memory_space<vmem>>
      tpu.wait_dma2 semaphore(%run_scoped3A_99 : memref<!tpu.dma_semaphore, #tpu.memory_space<semaphore_mem>>) src(%dma_wait3A_121 : memref<128x128xf32, #tpu.memory_space<vmem>>) dst(%dma_wait3A_117 : memref<128x128xf32, #tpu.memory_space<vmem_shared>>)
      tpu.yield
    }) : () -> ()
    %mul3A_20 = arith.constant 640 : i32
    %mul3A_21 = arith.muli %arg1, %mul3A_20 : i32
    %add3A_22 = arith.constant 384 : i32
    %add3A_23 = arith.addi %mul3A_21, %add3A_22 : i32
    %run_scoped3A_24 = arith.constant 0 : i32
    "tpu.region"() ({
      %run_scoped3A_99 = tpu.sem_alloc : memref<!tpu.dma_semaphore, #tpu.memory_space<semaphore_mem>>
      %dma_start3A = arith.constant 0 : i32
      %dma_start3A_100 = arith.constant 0 : i32
      %dma_start3A_101 = tpu.memref_slice %arg8[%run_scoped3A_24, %dma_start3A, %dma_start3A_100] : memref<2x128x128xf32, #tpu.memory_space<vmem>> -> memref<1x128x128xf32, #tpu.memory_space<vmem>>
      %dma_start3A_102 = tpu.memref_squeeze %dma_start3A_101 : memref<1x128x128xf32, #tpu.memory_space<vmem>> -> memref<128x128xf32, #tpu.memory_space<vmem>>
      %dma_start3A_103 = arith.constant 0 : i32
      %dma_start3A_104 = tpu.memref_slice %arg9[%add3A_23, %dma_start3A_103] : memref<10240x128xf32, #tpu.memory_space<vmem_shared>> -> memref<128x128xf32, #tpu.memory_space<vmem_shared>>
      %dma_start3A_105 = arith.constant 0 : i32
      %dma_start3A_106 = tpu.memref_slice %arg9[%add3A_23, %dma_start3A_105] : memref<10240x128xf32, #tpu.memory_space<vmem_shared>> -> memref<128x128xf32, #tpu.memory_space<vmem_shared>>
      %dma_start3A_107 = arith.constant 0 : i32
      %dma_start3A_108 = arith.constant 0 : i32
      %dma_start3A_109 = tpu.memref_slice %arg8[%run_scoped3A_24, %dma_start3A_107, %dma_start3A_108] : memref<2x128x128xf32, #tpu.memory_space<vmem>> -> memref<1x128x128xf32, #tpu.memory_space<vmem>>
      %dma_start3A_110 = tpu.memref_squeeze %dma_start3A_109 : memref<1x128x128xf32, #tpu.memory_space<vmem>> -> memref<128x128xf32, #tpu.memory_space<vmem>>
      tpu.enqueue_dma source(%dma_start3A_110 : memref<128x128xf32, #tpu.memory_space<vmem>>) target(%dma_start3A_106 : memref<128x128xf32, #tpu.memory_space<vmem_shared>>) target_semaphore(%run_scoped3A_99 : memref<!tpu.dma_semaphore, #tpu.memory_space<semaphore_mem>>)
      %dma_wait3A = arith.constant 0 : i32
      %dma_wait3A_111 = arith.constant 0 : i32
      %dma_wait3A_112 = tpu.memref_slice %arg8[%run_scoped3A_24, %dma_wait3A, %dma_wait3A_111] : memref<2x128x128xf32, #tpu.memory_space<vmem>> -> memref<1x128x128xf32, #tpu.memory_space<vmem>>
      %dma_wait3A_113 = tpu.memref_squeeze %dma_wait3A_112 : memref<1x128x128xf32, #tpu.memory_space<vmem>> -> memref<128x128xf32, #tpu.memory_space<vmem>>
      %dma_wait3A_114 = arith.constant 0 : i32
      %dma_wait3A_115 = tpu.memref_slice %arg9[%add3A_23, %dma_wait3A_114] : memref<10240x128xf32, #tpu.memory_space<vmem_shared>> -> memref<128x128xf32, #tpu.memory_space<vmem_shared>>
      %dma_wait3A_116 = arith.constant 0 : i32
      %dma_wait3A_117 = tpu.memref_slice %arg9[%add3A_23, %dma_wait3A_116] : memref<10240x128xf32, #tpu.memory_space<vmem_shared>> -> memref<128x128xf32, #tpu.memory_space<vmem_shared>>
      %dma_wait3A_118 = arith.constant 0 : i32
      %dma_wait3A_119 = arith.constant 0 : i32
      %dma_wait3A_120 = tpu.memref_slice %arg8[%run_scoped3A_24, %dma_wait3A_118, %dma_wait3A_119] : memref<2x128x128xf32, #tpu.memory_space<vmem>> -> memref<1x128x128xf32, #tpu.memory_space<vmem>>
      %dma_wait3A_121 = tpu.memref_squeeze %dma_wait3A_120 : memref<1x128x128xf32, #tpu.memory_space<vmem>> -> memref<128x128xf32, #tpu.memory_space<vmem>>
      tpu.wait_dma2 semaphore(%run_scoped3A_99 : memref<!tpu.dma_semaphore, #tpu.memory_space<semaphore_mem>>) src(%dma_wait3A_121 : memref<128x128xf32, #tpu.memory_space<vmem>>) dst(%dma_wait3A_117 : memref<128x128xf32, #tpu.memory_space<vmem_shared>>)
      tpu.yield
    }) : () -> ()
    %mul3A_25 = arith.constant 640 : i32
    %mul3A_26 = arith.muli %arg1, %mul3A_25 : i32
    %add3A_27 = arith.constant 512 : i32
    %add3A_28 = arith.addi %mul3A_26, %add3A_27 : i32
    %run_scoped3A_29 = arith.constant 0 : i32
    "tpu.region"() ({
      %run_scoped3A_99 = tpu.sem_alloc : memref<!tpu.dma_semaphore, #tpu.memory_space<semaphore_mem>>
      %dma_start3A = arith.constant 0 : i32
      %dma_start3A_100 = arith.constant 0 : i32
      %dma_start3A_101 = tpu.memref_slice %arg8[%run_scoped3A_29, %dma_start3A, %dma_start3A_100] : memref<2x128x128xf32, #tpu.memory_space<vmem>> -> memref<1x128x128xf32, #tpu.memory_space<vmem>>
      %dma_start3A_102 = tpu.memref_squeeze %dma_start3A_101 : memref<1x128x128xf32, #tpu.memory_space<vmem>> -> memref<128x128xf32, #tpu.memory_space<vmem>>
      %dma_start3A_103 = arith.constant 0 : i32
      %dma_start3A_104 = tpu.memref_slice %arg9[%add3A_28, %dma_start3A_103] : memref<10240x128xf32, #tpu.memory_space<vmem_shared>> -> memref<128x128xf32, #tpu.memory_space<vmem_shared>>
      %dma_start3A_105 = arith.constant 0 : i32
      %dma_start3A_106 = tpu.memref_slice %arg9[%add3A_28, %dma_start3A_105] : memref<10240x128xf32, #tpu.memory_space<vmem_shared>> -> memref<128x128xf32, #tpu.memory_space<vmem_shared>>
      %dma_start3A_107 = arith.constant 0 : i32
      %dma_start3A_108 = arith.constant 0 : i32
      %dma_start3A_109 = tpu.memref_slice %arg8[%run_scoped3A_29, %dma_start3A_107, %dma_start3A_108] : memref<2x128x128xf32, #tpu.memory_space<vmem>> -> memref<1x128x128xf32, #tpu.memory_space<vmem>>
      %dma_start3A_110 = tpu.memref_squeeze %dma_start3A_109 : memref<1x128x128xf32, #tpu.memory_space<vmem>> -> memref<128x128xf32, #tpu.memory_space<vmem>>
      tpu.enqueue_dma source(%dma_start3A_110 : memref<128x128xf32, #tpu.memory_space<vmem>>) target(%dma_start3A_106 : memref<128x128xf32, #tpu.memory_space<vmem_shared>>) target_semaphore(%run_scoped3A_99 : memref<!tpu.dma_semaphore, #tpu.memory_space<semaphore_mem>>)
      %dma_wait3A = arith.constant 0 : i32
      %dma_wait3A_111 = arith.constant 0 : i32
      %dma_wait3A_112 = tpu.memref_slice %arg8[%run_scoped3A_29, %dma_wait3A, %dma_wait3A_111] : memref<2x128x128xf32, #tpu.memory_space<vmem>> -> memref<1x128x128xf32, #tpu.memory_space<vmem>>
      %dma_wait3A_113 = tpu.memref_squeeze %dma_wait3A_112 : memref<1x128x128xf32, #tpu.memory_space<vmem>> -> memref<128x128xf32, #tpu.memory_space<vmem>>
      %dma_wait3A_114 = arith.constant 0 : i32
      %dma_wait3A_115 = tpu.memref_slice %arg9[%add3A_28, %dma_wait3A_114] : memref<10240x128xf32, #tpu.memory_space<vmem_shared>> -> memref<128x128xf32, #tpu.memory_space<vmem_shared>>
      %dma_wait3A_116 = arith.constant 0 : i32
      %dma_wait3A_117 = tpu.memref_slice %arg9[%add3A_28, %dma_wait3A_116] : memref<10240x128xf32, #tpu.memory_space<vmem_shared>> -> memref<128x128xf32, #tpu.memory_space<vmem_shared>>
      %dma_wait3A_118 = arith.constant 0 : i32
      %dma_wait3A_119 = arith.constant 0 : i32
      %dma_wait3A_120 = tpu.memref_slice %arg8[%run_scoped3A_29, %dma_wait3A_118, %dma_wait3A_119] : memref<2x128x128xf32, #tpu.memory_space<vmem>> -> memref<1x128x128xf32, #tpu.memory_space<vmem>>
      %dma_wait3A_121 = tpu.memref_squeeze %dma_wait3A_120 : memref<1x128x128xf32, #tpu.memory_space<vmem>> -> memref<128x128xf32, #tpu.memory_space<vmem>>
      tpu.wait_dma2 semaphore(%run_scoped3A_99 : memref<!tpu.dma_semaphore, #tpu.memory_space<semaphore_mem>>) src(%dma_wait3A_121 : memref<128x128xf32, #tpu.memory_space<vmem>>) dst(%dma_wait3A_117 : memref<128x128xf32, #tpu.memory_space<vmem_shared>>)
      tpu.yield
    }) : () -> ()
    %barrier3A = arith.constant 0 : index
    tpu.barrier barrier_id(%barrier3A)
    "tpu.region"() ({
      %run_scoped3A_99 = tpu.sem_alloc : memref<!tpu.dma_semaphore, #tpu.memory_space<semaphore_mem>>
      %dma_start3A = arith.constant 0 : i32
      %dma_start3A_100 = arith.constant 0 : i32
      %dma_start3A_101 = tpu.memref_slice %arg6[%dma_start3A, %dma_start3A_100] : memref<32x128xi32, #tpu.memory_space<vmem>> -> memref<32x128xi32, #tpu.memory_space<vmem>>
      %dma_start3A_102 = arith.constant 0 : i32
      %dma_start3A_103 = arith.constant 0 : i32
      %dma_start3A_104 = tpu.memref_slice %arg3[%arg0, %arg1, %dma_start3A_102, %dma_start3A_103] : memref<2x16x128x128xi32, #tpu.memory_space<hbm>> -> memref<1x1x32x128xi32, #tpu.memory_space<hbm>>
      %dma_start3A_105 = tpu.memref_squeeze %dma_start3A_104 : memref<1x1x32x128xi32, #tpu.memory_space<hbm>> -> memref<32x128xi32, #tpu.memory_space<hbm>>
      %dma_start3A_106 = arith.constant 0 : i32
      %dma_start3A_107 = arith.constant 0 : i32
      %dma_start3A_108 = tpu.memref_slice %arg6[%dma_start3A_106, %dma_start3A_107] : memref<32x128xi32, #tpu.memory_space<vmem>> -> memref<32x128xi32, #tpu.memory_space<vmem>>
      %dma_start3A_109 = arith.constant 0 : i32
      %dma_start3A_110 = arith.constant 0 : i32
      %dma_start3A_111 = tpu.memref_slice %arg3[%arg0, %arg1, %dma_start3A_109, %dma_start3A_110] : memref<2x16x128x128xi32, #tpu.memory_space<hbm>> -> memref<1x1x32x128xi32, #tpu.memory_space<hbm>>
      %dma_start3A_112 = tpu.memref_squeeze %dma_start3A_111 : memref<1x1x32x128xi32, #tpu.memory_space<hbm>> -> memref<32x128xi32, #tpu.memory_space<hbm>>
      tpu.enqueue_dma source(%dma_start3A_112 : memref<32x128xi32, #tpu.memory_space<hbm>>) target(%dma_start3A_108 : memref<32x128xi32, #tpu.memory_space<vmem>>) target_semaphore(%run_scoped3A_99 : memref<!tpu.dma_semaphore, #tpu.memory_space<semaphore_mem>>)
      %dma_wait3A = arith.constant 0 : i32
      %dma_wait3A_113 = arith.constant 0 : i32
      %dma_wait3A_114 = tpu.memref_slice %arg6[%dma_wait3A, %dma_wait3A_113] : memref<32x128xi32, #tpu.memory_space<vmem>> -> memref<32x128xi32, #tpu.memory_space<vmem>>
      %dma_wait3A_115 = arith.constant 0 : i32
      %dma_wait3A_116 = arith.constant 0 : i32
      %dma_wait3A_117 = tpu.memref_slice %arg3[%arg0, %arg1, %dma_wait3A_115, %dma_wait3A_116] : memref<2x16x128x128xi32, #tpu.memory_space<hbm>> -> memref<1x1x32x128xi32, #tpu.memory_space<hbm>>
      %dma_wait3A_118 = tpu.memref_squeeze %dma_wait3A_117 : memref<1x1x32x128xi32, #tpu.memory_space<hbm>> -> memref<32x128xi32, #tpu.memory_space<hbm>>
      %dma_wait3A_119 = arith.constant 0 : i32
      %dma_wait3A_120 = arith.constant 0 : i32
      %dma_wait3A_121 = tpu.memref_slice %arg6[%dma_wait3A_119, %dma_wait3A_120] : memref<32x128xi32, #tpu.memory_space<vmem>> -> memref<32x128xi32, #tpu.memory_space<vmem>>
      %dma_wait3A_122 = arith.constant 0 : i32
      %dma_wait3A_123 = arith.constant 0 : i32
      %dma_wait3A_124 = tpu.memref_slice %arg3[%arg0, %arg1, %dma_wait3A_122, %dma_wait3A_123] : memref<2x16x128x128xi32, #tpu.memory_space<hbm>> -> memref<1x1x32x128xi32, #tpu.memory_space<hbm>>
      %dma_wait3A_125 = tpu.memref_squeeze %dma_wait3A_124 : memref<1x1x32x128xi32, #tpu.memory_space<hbm>> -> memref<32x128xi32, #tpu.memory_space<hbm>>
      tpu.wait_dma2 semaphore(%run_scoped3A_99 : memref<!tpu.dma_semaphore, #tpu.memory_space<semaphore_mem>>) src(%dma_wait3A_125 : memref<32x128xi32, #tpu.memory_space<hbm>>) dst(%dma_wait3A_121 : memref<32x128xi32, #tpu.memory_space<vmem>>)
      tpu.yield
    }) : () -> ()
    "tpu.region"() ({
      %run_scoped3A_99 = tpu.sem_alloc : memref<!tpu.dma_semaphore, #tpu.memory_space<semaphore_mem>>
      %dma_start3A = arith.constant 0 : i32
      %dma_start3A_100 = arith.constant 0 : i32
      %dma_start3A_101 = tpu.memref_slice %arg7[%dma_start3A, %dma_start3A_100] : memref<32x128xi32, #tpu.memory_space<vmem>> -> memref<32x128xi32, #tpu.memory_space<vmem>>
      %dma_start3A_102 = arith.constant 0 : i32
      %dma_start3A_103 = arith.constant 0 : i32
      %dma_start3A_104 = tpu.memref_slice %arg4[%arg0, %arg1, %dma_start3A_102, %dma_start3A_103] : memref<2x16x128x128xi32, #tpu.memory_space<hbm>> -> memref<1x1x32x128xi32, #tpu.memory_space<hbm>>
      %dma_start3A_105 = tpu.memref_squeeze %dma_start3A_104 : memref<1x1x32x128xi32, #tpu.memory_space<hbm>> -> memref<32x128xi32, #tpu.memory_space<hbm>>
      %dma_start3A_106 = arith.constant 0 : i32
      %dma_start3A_107 = arith.constant 0 : i32
      %dma_start3A_108 = tpu.memref_slice %arg7[%dma_start3A_106, %dma_start3A_107] : memref<32x128xi32, #tpu.memory_space<vmem>> -> memref<32x128xi32, #tpu.memory_space<vmem>>
      %dma_start3A_109 = arith.constant 0 : i32
      %dma_start3A_110 = arith.constant 0 : i32
      %dma_start3A_111 = tpu.memref_slice %arg4[%arg0, %arg1, %dma_start3A_109, %dma_start3A_110] : memref<2x16x128x128xi32, #tpu.memory_space<hbm>> -> memref<1x1x32x128xi32, #tpu.memory_space<hbm>>
      %dma_start3A_112 = tpu.memref_squeeze %dma_start3A_111 : memref<1x1x32x128xi32, #tpu.memory_space<hbm>> -> memref<32x128xi32, #tpu.memory_space<hbm>>
      tpu.enqueue_dma source(%dma_start3A_112 : memref<32x128xi32, #tpu.memory_space<hbm>>) target(%dma_start3A_108 : memref<32x128xi32, #tpu.memory_space<vmem>>) target_semaphore(%run_scoped3A_99 : memref<!tpu.dma_semaphore, #tpu.memory_space<semaphore_mem>>)
      %dma_wait3A = arith.constant 0 : i32
      %dma_wait3A_113 = arith.constant 0 : i32
      %dma_wait3A_114 = tpu.memref_slice %arg7[%dma_wait3A, %dma_wait3A_113] : memref<32x128xi32, #tpu.memory_space<vmem>> -> memref<32x128xi32, #tpu.memory_space<vmem>>
      %dma_wait3A_115 = arith.constant 0 : i32
      %dma_wait3A_116 = arith.constant 0 : i32
      %dma_wait3A_117 = tpu.memref_slice %arg4[%arg0, %arg1, %dma_wait3A_115, %dma_wait3A_116] : memref<2x16x128x128xi32, #tpu.memory_space<hbm>> -> memref<1x1x32x128xi32, #tpu.memory_space<hbm>>
      %dma_wait3A_118 = tpu.memref_squeeze %dma_wait3A_117 : memref<1x1x32x128xi32, #tpu.memory_space<hbm>> -> memref<32x128xi32, #tpu.memory_space<hbm>>
      %dma_wait3A_119 = arith.constant 0 : i32
      %dma_wait3A_120 = arith.constant 0 : i32
      %dma_wait3A_121 = tpu.memref_slice %arg7[%dma_wait3A_119, %dma_wait3A_120] : memref<32x128xi32, #tpu.memory_space<vmem>> -> memref<32x128xi32, #tpu.memory_space<vmem>>
      %dma_wait3A_122 = arith.constant 0 : i32
      %dma_wait3A_123 = arith.constant 0 : i32
      %dma_wait3A_124 = tpu.memref_slice %arg4[%arg0, %arg1, %dma_wait3A_122, %dma_wait3A_123] : memref<2x16x128x128xi32, #tpu.memory_space<hbm>> -> memref<1x1x32x128xi32, #tpu.memory_space<hbm>>
      %dma_wait3A_125 = tpu.memref_squeeze %dma_wait3A_124 : memref<1x1x32x128xi32, #tpu.memory_space<hbm>> -> memref<32x128xi32, #tpu.memory_space<hbm>>
      tpu.wait_dma2 semaphore(%run_scoped3A_99 : memref<!tpu.dma_semaphore, #tpu.memory_space<semaphore_mem>>) src(%dma_wait3A_125 : memref<32x128xi32, #tpu.memory_space<hbm>>) dst(%dma_wait3A_121 : memref<32x128xi32, #tpu.memory_space<vmem>>)
      tpu.yield
    }) : () -> ()
    %sub3A = arith.constant 0 : i32
    %sub3A_30 = arith.subi %select_n3A, %sub3A : i32
    %jit3A_31 = arith.constant 0 : i32
    %jit3A_32 = arith.constant 32 : i32
    %max3A = arith.maxsi %jit3A_31, %sub3A_30 : i32
    %min3A = arith.minsi %jit3A_32, %max3A : i32
    %while3A = arith.constant 0 : i32
    %while3A_33 = arith.constant 0 : i32
    %while3A_34 = arith.constant 0 : i32
    %while3A_35 = arith.subi %min3A, %while3A_34 : i32
    %while3A_36 = arith.addi %while3A_34, %while3A_35 : i32
    %while3A_37 = arith.constant 1 : i32
    %while3A_38 = arith.divsi %while3A_35, %while3A_37 : i32
    %while3A_39 = arith.muli %while3A_38, %while3A_37 : i32
    %while3A_40 = arith.addi %while3A_34, %while3A_39 : i32
    %while3A_41 = arith.constant 1 : i32
    scf.for %while3A_99 = %while3A_34 to %while3A_40 step %while3A_41  : i32 {
      %dma_start3A = arith.constant 0 : i32
      %dma_start3A_100 = arith.constant 0 : i32
      %dma_start3A_101 = tpu.memref_slice %arg8[%while3A_33, %dma_start3A, %dma_start3A_100] : memref<2x128x128xf32, #tpu.memory_space<vmem>> -> memref<1x128x128xf32, #tpu.memory_space<vmem>>
      %dma_start3A_102 = tpu.memref_squeeze %dma_start3A_101 : memref<1x128x128xf32, #tpu.memory_space<vmem>> -> memref<128x128xf32, #tpu.memory_space<vmem>>
      %dma_start3A_103 = arith.constant 0 : i32
      %dma_start3A_104 = tpu.memref_slice %arg6[%while3A_99, %dma_start3A_103] : memref<32x128xi32, #tpu.memory_space<vmem>> -> memref<1x128xi32, #tpu.memory_space<vmem>>
      %dma_start3A_105 = tpu.memref_squeeze %dma_start3A_104 : memref<1x128xi32, #tpu.memory_space<vmem>> -> memref<128xi32, #tpu.memory_space<vmem>>
      %dma_start3A_106 = arith.constant 0 : i32
      %dma_start3A_107 = arith.constant 0 : i32
      %dma_start3A_108 = tpu.memref_slice %arg2[%dma_start3A_106, %dma_start3A_107] : memref<10240x128xf32, #tpu.memory_space<hbm>> -> memref<10240x128xf32, #tpu.memory_space<hbm>>
      tpu.enqueue_indirect_dma source(%dma_start3A_108 : memref<10240x128xf32, #tpu.memory_space<hbm>>) target(%dma_start3A_102 : memref<128x128xf32, #tpu.memory_space<vmem>>) offsets(%dma_start3A_105 : memref<128xi32, #tpu.memory_space<vmem>>) semaphore(%arg10 : memref<!tpu.dma_semaphore, #tpu.memory_space<semaphore_mem>>)
      %dma_wait3A = arith.constant 0 : i32
      %dma_wait3A_109 = arith.constant 0 : i32
      %dma_wait3A_110 = tpu.memref_slice %arg8[%while3A_33, %dma_wait3A, %dma_wait3A_109] : memref<2x128x128xf32, #tpu.memory_space<vmem>> -> memref<1x128x128xf32, #tpu.memory_space<vmem>>
      %dma_wait3A_111 = tpu.memref_squeeze %dma_wait3A_110 : memref<1x128x128xf32, #tpu.memory_space<vmem>> -> memref<128x128xf32, #tpu.memory_space<vmem>>
      %dma_wait3A_112 = arith.constant 0 : i32
      %dma_wait3A_113 = tpu.memref_slice %arg6[%while3A_99, %dma_wait3A_112] : memref<32x128xi32, #tpu.memory_space<vmem>> -> memref<1x128xi32, #tpu.memory_space<vmem>>
      %dma_wait3A_114 = tpu.memref_squeeze %dma_wait3A_113 : memref<1x128xi32, #tpu.memory_space<vmem>> -> memref<128xi32, #tpu.memory_space<vmem>>
      %dma_wait3A_115 = arith.constant 0 : i32
      %dma_wait3A_116 = arith.constant 0 : i32
      %dma_wait3A_117 = tpu.memref_slice %arg2[%dma_wait3A_115, %dma_wait3A_116] : memref<10240x128xf32, #tpu.memory_space<hbm>> -> memref<10240x128xf32, #tpu.memory_space<hbm>>
      tpu.wait_indirect_dma semaphore(%arg10 : memref<!tpu.dma_semaphore, #tpu.memory_space<semaphore_mem>>) src(%dma_wait3A_117 : memref<10240x128xf32, #tpu.memory_space<hbm>>) dst(%dma_wait3A_111 : memref<128x128xf32, #tpu.memory_space<vmem>>)
      "tpu.region"() ({
        %run_scoped3A_118 = tpu.sem_alloc : memref<!tpu.dma_semaphore, #tpu.memory_space<semaphore_mem>>
        %dma_start3A_119 = arith.constant 0 : i32
        %dma_start3A_120 = arith.constant 0 : i32
        %dma_start3A_121 = tpu.memref_slice %arg8[%while3A_33, %dma_start3A_119, %dma_start3A_120] : memref<2x128x128xf32, #tpu.memory_space<vmem>> -> memref<1x128x128xf32, #tpu.memory_space<vmem>>
        %dma_start3A_122 = tpu.memref_squeeze %dma_start3A_121 : memref<1x128x128xf32, #tpu.memory_space<vmem>> -> memref<128x128xf32, #tpu.memory_space<vmem>>
        %dma_start3A_123 = arith.constant 0 : i32
        %dma_start3A_124 = tpu.memref_slice %arg7[%while3A_99, %dma_start3A_123] : memref<32x128xi32, #tpu.memory_space<vmem>> -> memref<1x128xi32, #tpu.memory_space<vmem>>
        %dma_start3A_125 = tpu.memref_squeeze %dma_start3A_124 : memref<1x128xi32, #tpu.memory_space<vmem>> -> memref<128xi32, #tpu.memory_space<vmem>>
        %dma_start3A_126 = arith.constant 0 : i32
        %dma_start3A_127 = arith.constant 0 : i32
        %dma_start3A_128 = tpu.memref_slice %arg9[%dma_start3A_126, %dma_start3A_127] : memref<10240x128xf32, #tpu.memory_space<vmem_shared>> -> memref<10240x128xf32, #tpu.memory_space<vmem_shared>>
        tpu.enqueue_indirect_dma source(%dma_start3A_122 : memref<128x128xf32, #tpu.memory_space<vmem>>) target(%dma_start3A_128 : memref<10240x128xf32, #tpu.memory_space<vmem_shared>>) offsets(%dma_start3A_125 : memref<128xi32, #tpu.memory_space<vmem>>) semaphore(%run_scoped3A_118 : memref<!tpu.dma_semaphore, #tpu.memory_space<semaphore_mem>>) {add = true}
        %dma_wait3A_129 = arith.constant 0 : i32
        %dma_wait3A_130 = arith.constant 0 : i32
        %dma_wait3A_131 = tpu.memref_slice %arg8[%while3A_33, %dma_wait3A_129, %dma_wait3A_130] : memref<2x128x128xf32, #tpu.memory_space<vmem>> -> memref<1x128x128xf32, #tpu.memory_space<vmem>>
        %dma_wait3A_132 = tpu.memref_squeeze %dma_wait3A_131 : memref<1x128x128xf32, #tpu.memory_space<vmem>> -> memref<128x128xf32, #tpu.memory_space<vmem>>
        %dma_wait3A_133 = arith.constant 0 : i32
        %dma_wait3A_134 = tpu.memref_slice %arg7[%while3A_99, %dma_wait3A_133] : memref<32x128xi32, #tpu.memory_space<vmem>> -> memref<1x128xi32, #tpu.memory_space<vmem>>
        %dma_wait3A_135 = tpu.memref_squeeze %dma_wait3A_134 : memref<1x128xi32, #tpu.memory_space<vmem>> -> memref<128xi32, #tpu.memory_space<vmem>>
        %dma_wait3A_136 = arith.constant 0 : i32
        %dma_wait3A_137 = arith.constant 0 : i32
        %dma_wait3A_138 = tpu.memref_slice %arg9[%dma_wait3A_136, %dma_wait3A_137] : memref<10240x128xf32, #tpu.memory_space<vmem_shared>> -> memref<10240x128xf32, #tpu.memory_space<vmem_shared>>
        tpu.wait_indirect_dma semaphore(%run_scoped3A_118 : memref<!tpu.dma_semaphore, #tpu.memory_space<semaphore_mem>>) src(%dma_wait3A_132 : memref<128x128xf32, #tpu.memory_space<vmem>>) dst(%dma_wait3A_138 : memref<10240x128xf32, #tpu.memory_space<vmem_shared>>)
        tpu.yield
      }) : () -> ()
    }
    %while3A_42 = arith.constant 1 : i32
    scf.for %while3A_99 = %while3A_40 to %while3A_36 step %while3A_42  : i32 {
      %dma_start3A = arith.constant 0 : i32
      %dma_start3A_100 = arith.constant 0 : i32
      %dma_start3A_101 = tpu.memref_slice %arg8[%while3A_33, %dma_start3A, %dma_start3A_100] : memref<2x128x128xf32, #tpu.memory_space<vmem>> -> memref<1x128x128xf32, #tpu.memory_space<vmem>>
      %dma_start3A_102 = tpu.memref_squeeze %dma_start3A_101 : memref<1x128x128xf32, #tpu.memory_space<vmem>> -> memref<128x128xf32, #tpu.memory_space<vmem>>
      %dma_start3A_103 = arith.constant 0 : i32
      %dma_start3A_104 = tpu.memref_slice %arg6[%while3A_99, %dma_start3A_103] : memref<32x128xi32, #tpu.memory_space<vmem>> -> memref<1x128xi32, #tpu.memory_space<vmem>>
      %dma_start3A_105 = tpu.memref_squeeze %dma_start3A_104 : memref<1x128xi32, #tpu.memory_space<vmem>> -> memref<128xi32, #tpu.memory_space<vmem>>
      %dma_start3A_106 = arith.constant 0 : i32
      %dma_start3A_107 = arith.constant 0 : i32
      %dma_start3A_108 = tpu.memref_slice %arg2[%dma_start3A_106, %dma_start3A_107] : memref<10240x128xf32, #tpu.memory_space<hbm>> -> memref<10240x128xf32, #tpu.memory_space<hbm>>
      tpu.enqueue_indirect_dma source(%dma_start3A_108 : memref<10240x128xf32, #tpu.memory_space<hbm>>) target(%dma_start3A_102 : memref<128x128xf32, #tpu.memory_space<vmem>>) offsets(%dma_start3A_105 : memref<128xi32, #tpu.memory_space<vmem>>) semaphore(%arg10 : memref<!tpu.dma_semaphore, #tpu.memory_space<semaphore_mem>>)
      %dma_wait3A = arith.constant 0 : i32
      %dma_wait3A_109 = arith.constant 0 : i32
      %dma_wait3A_110 = tpu.memref_slice %arg8[%while3A_33, %dma_wait3A, %dma_wait3A_109] : memref<2x128x128xf32, #tpu.memory_space<vmem>> -> memref<1x128x128xf32, #tpu.memory_space<vmem>>
      %dma_wait3A_111 = tpu.memref_squeeze %dma_wait3A_110 : memref<1x128x128xf32, #tpu.memory_space<vmem>> -> memref<128x128xf32, #tpu.memory_space<vmem>>
      %dma_wait3A_112 = arith.constant 0 : i32
      %dma_wait3A_113 = tpu.memref_slice %arg6[%while3A_99, %dma_wait3A_112] : memref<32x128xi32, #tpu.memory_space<vmem>> -> memref<1x128xi32, #tpu.memory_space<vmem>>
      %dma_wait3A_114 = tpu.memref_squeeze %dma_wait3A_113 : memref<1x128xi32, #tpu.memory_space<vmem>> -> memref<128xi32, #tpu.memory_space<vmem>>
      %dma_wait3A_115 = arith.constant 0 : i32
      %dma_wait3A_116 = arith.constant 0 : i32
      %dma_wait3A_117 = tpu.memref_slice %arg2[%dma_wait3A_115, %dma_wait3A_116] : memref<10240x128xf32, #tpu.memory_space<hbm>> -> memref<10240x128xf32, #tpu.memory_space<hbm>>
      tpu.wait_indirect_dma semaphore(%arg10 : memref<!tpu.dma_semaphore, #tpu.memory_space<semaphore_mem>>) src(%dma_wait3A_117 : memref<10240x128xf32, #tpu.memory_space<hbm>>) dst(%dma_wait3A_111 : memref<128x128xf32, #tpu.memory_space<vmem>>)
      "tpu.region"() ({
        %run_scoped3A_118 = tpu.sem_alloc : memref<!tpu.dma_semaphore, #tpu.memory_space<semaphore_mem>>
        %dma_start3A_119 = arith.constant 0 : i32
        %dma_start3A_120 = arith.constant 0 : i32
        %dma_start3A_121 = tpu.memref_slice %arg8[%while3A_33, %dma_start3A_119, %dma_start3A_120] : memref<2x128x128xf32, #tpu.memory_space<vmem>> -> memref<1x128x128xf32, #tpu.memory_space<vmem>>
        %dma_start3A_122 = tpu.memref_squeeze %dma_start3A_121 : memref<1x128x128xf32, #tpu.memory_space<vmem>> -> memref<128x128xf32, #tpu.memory_space<vmem>>
        %dma_start3A_123 = arith.constant 0 : i32
        %dma_start3A_124 = tpu.memref_slice %arg7[%while3A_99, %dma_start3A_123] : memref<32x128xi32, #tpu.memory_space<vmem>> -> memref<1x128xi32, #tpu.memory_space<vmem>>
        %dma_start3A_125 = tpu.memref_squeeze %dma_start3A_124 : memref<1x128xi32, #tpu.memory_space<vmem>> -> memref<128xi32, #tpu.memory_space<vmem>>
        %dma_start3A_126 = arith.constant 0 : i32
        %dma_start3A_127 = arith.constant 0 : i32
        %dma_start3A_128 = tpu.memref_slice %arg9[%dma_start3A_126, %dma_start3A_127] : memref<10240x128xf32, #tpu.memory_space<vmem_shared>> -> memref<10240x128xf32, #tpu.memory_space<vmem_shared>>
        tpu.enqueue_indirect_dma source(%dma_start3A_122 : memref<128x128xf32, #tpu.memory_space<vmem>>) target(%dma_start3A_128 : memref<10240x128xf32, #tpu.memory_space<vmem_shared>>) offsets(%dma_start3A_125 : memref<128xi32, #tpu.memory_space<vmem>>) semaphore(%run_scoped3A_118 : memref<!tpu.dma_semaphore, #tpu.memory_space<semaphore_mem>>) {add = true}
        %dma_wait3A_129 = arith.constant 0 : i32
        %dma_wait3A_130 = arith.constant 0 : i32
        %dma_wait3A_131 = tpu.memref_slice %arg8[%while3A_33, %dma_wait3A_129, %dma_wait3A_130] : memref<2x128x128xf32, #tpu.memory_space<vmem>> -> memref<1x128x128xf32, #tpu.memory_space<vmem>>
        %dma_wait3A_132 = tpu.memref_squeeze %dma_wait3A_131 : memref<1x128x128xf32, #tpu.memory_space<vmem>> -> memref<128x128xf32, #tpu.memory_space<vmem>>
        %dma_wait3A_133 = arith.constant 0 : i32
        %dma_wait3A_134 = tpu.memref_slice %arg7[%while3A_99, %dma_wait3A_133] : memref<32x128xi32, #tpu.memory_space<vmem>> -> memref<1x128xi32, #tpu.memory_space<vmem>>
        %dma_wait3A_135 = tpu.memref_squeeze %dma_wait3A_134 : memref<1x128xi32, #tpu.memory_space<vmem>> -> memref<128xi32, #tpu.memory_space<vmem>>
        %dma_wait3A_136 = arith.constant 0 : i32
        %dma_wait3A_137 = arith.constant 0 : i32
        %dma_wait3A_138 = tpu.memref_slice %arg9[%dma_wait3A_136, %dma_wait3A_137] : memref<10240x128xf32, #tpu.memory_space<vmem_shared>> -> memref<10240x128xf32, #tpu.memory_space<vmem_shared>>
        tpu.wait_indirect_dma semaphore(%run_scoped3A_118 : memref<!tpu.dma_semaphore, #tpu.memory_space<semaphore_mem>>) src(%dma_wait3A_132 : memref<128x128xf32, #tpu.memory_space<vmem>>) dst(%dma_wait3A_138 : memref<10240x128xf32, #tpu.memory_space<vmem_shared>>)
        tpu.yield
      }) : () -> ()
    }
    "tpu.region"() ({
      %run_scoped3A_99 = tpu.sem_alloc : memref<!tpu.dma_semaphore, #tpu.memory_space<semaphore_mem>>
      %dma_start3A = arith.constant 0 : i32
      %dma_start3A_100 = arith.constant 0 : i32
      %dma_start3A_101 = tpu.memref_slice %arg6[%dma_start3A, %dma_start3A_100] : memref<32x128xi32, #tpu.memory_space<vmem>> -> memref<32x128xi32, #tpu.memory_space<vmem>>
      %dma_start3A_102 = arith.constant 32 : i32
      %dma_start3A_103 = arith.constant 0 : i32
      %dma_start3A_104 = tpu.memref_slice %arg3[%arg0, %arg1, %dma_start3A_102, %dma_start3A_103] : memref<2x16x128x128xi32, #tpu.memory_space<hbm>> -> memref<1x1x32x128xi32, #tpu.memory_space<hbm>>
      %dma_start3A_105 = tpu.memref_squeeze %dma_start3A_104 : memref<1x1x32x128xi32, #tpu.memory_space<hbm>> -> memref<32x128xi32, #tpu.memory_space<hbm>>
      %dma_start3A_106 = arith.constant 0 : i32
      %dma_start3A_107 = arith.constant 0 : i32
      %dma_start3A_108 = tpu.memref_slice %arg6[%dma_start3A_106, %dma_start3A_107] : memref<32x128xi32, #tpu.memory_space<vmem>> -> memref<32x128xi32, #tpu.memory_space<vmem>>
      %dma_start3A_109 = arith.constant 32 : i32
      %dma_start3A_110 = arith.constant 0 : i32
      %dma_start3A_111 = tpu.memref_slice %arg3[%arg0, %arg1, %dma_start3A_109, %dma_start3A_110] : memref<2x16x128x128xi32, #tpu.memory_space<hbm>> -> memref<1x1x32x128xi32, #tpu.memory_space<hbm>>
      %dma_start3A_112 = tpu.memref_squeeze %dma_start3A_111 : memref<1x1x32x128xi32, #tpu.memory_space<hbm>> -> memref<32x128xi32, #tpu.memory_space<hbm>>
      tpu.enqueue_dma source(%dma_start3A_112 : memref<32x128xi32, #tpu.memory_space<hbm>>) target(%dma_start3A_108 : memref<32x128xi32, #tpu.memory_space<vmem>>) target_semaphore(%run_scoped3A_99 : memref<!tpu.dma_semaphore, #tpu.memory_space<semaphore_mem>>)
      %dma_wait3A = arith.constant 0 : i32
      %dma_wait3A_113 = arith.constant 0 : i32
      %dma_wait3A_114 = tpu.memref_slice %arg6[%dma_wait3A, %dma_wait3A_113] : memref<32x128xi32, #tpu.memory_space<vmem>> -> memref<32x128xi32, #tpu.memory_space<vmem>>
      %dma_wait3A_115 = arith.constant 32 : i32
      %dma_wait3A_116 = arith.constant 0 : i32
      %dma_wait3A_117 = tpu.memref_slice %arg3[%arg0, %arg1, %dma_wait3A_115, %dma_wait3A_116] : memref<2x16x128x128xi32, #tpu.memory_space<hbm>> -> memref<1x1x32x128xi32, #tpu.memory_space<hbm>>
      %dma_wait3A_118 = tpu.memref_squeeze %dma_wait3A_117 : memref<1x1x32x128xi32, #tpu.memory_space<hbm>> -> memref<32x128xi32, #tpu.memory_space<hbm>>
      %dma_wait3A_119 = arith.constant 0 : i32
      %dma_wait3A_120 = arith.constant 0 : i32
      %dma_wait3A_121 = tpu.memref_slice %arg6[%dma_wait3A_119, %dma_wait3A_120] : memref<32x128xi32, #tpu.memory_space<vmem>> -> memref<32x128xi32, #tpu.memory_space<vmem>>
      %dma_wait3A_122 = arith.constant 32 : i32
      %dma_wait3A_123 = arith.constant 0 : i32
      %dma_wait3A_124 = tpu.memref_slice %arg3[%arg0, %arg1, %dma_wait3A_122, %dma_wait3A_123] : memref<2x16x128x128xi32, #tpu.memory_space<hbm>> -> memref<1x1x32x128xi32, #tpu.memory_space<hbm>>
      %dma_wait3A_125 = tpu.memref_squeeze %dma_wait3A_124 : memref<1x1x32x128xi32, #tpu.memory_space<hbm>> -> memref<32x128xi32, #tpu.memory_space<hbm>>
      tpu.wait_dma2 semaphore(%run_scoped3A_99 : memref<!tpu.dma_semaphore, #tpu.memory_space<semaphore_mem>>) src(%dma_wait3A_125 : memref<32x128xi32, #tpu.memory_space<hbm>>) dst(%dma_wait3A_121 : memref<32x128xi32, #tpu.memory_space<vmem>>)
      tpu.yield
    }) : () -> ()
    "tpu.region"() ({
      %run_scoped3A_99 = tpu.sem_alloc : memref<!tpu.dma_semaphore, #tpu.memory_space<semaphore_mem>>
      %dma_start3A = arith.constant 0 : i32
      %dma_start3A_100 = arith.constant 0 : i32
      %dma_start3A_101 = tpu.memref_slice %arg7[%dma_start3A, %dma_start3A_100] : memref<32x128xi32, #tpu.memory_space<vmem>> -> memref<32x128xi32, #tpu.memory_space<vmem>>
      %dma_start3A_102 = arith.constant 32 : i32
      %dma_start3A_103 = arith.constant 0 : i32
      %dma_start3A_104 = tpu.memref_slice %arg4[%arg0, %arg1, %dma_start3A_102, %dma_start3A_103] : memref<2x16x128x128xi32, #tpu.memory_space<hbm>> -> memref<1x1x32x128xi32, #tpu.memory_space<hbm>>
      %dma_start3A_105 = tpu.memref_squeeze %dma_start3A_104 : memref<1x1x32x128xi32, #tpu.memory_space<hbm>> -> memref<32x128xi32, #tpu.memory_space<hbm>>
      %dma_start3A_106 = arith.constant 0 : i32
      %dma_start3A_107 = arith.constant 0 : i32
      %dma_start3A_108 = tpu.memref_slice %arg7[%dma_start3A_106, %dma_start3A_107] : memref<32x128xi32, #tpu.memory_space<vmem>> -> memref<32x128xi32, #tpu.memory_space<vmem>>
      %dma_start3A_109 = arith.constant 32 : i32
      %dma_start3A_110 = arith.constant 0 : i32
      %dma_start3A_111 = tpu.memref_slice %arg4[%arg0, %arg1, %dma_start3A_109, %dma_start3A_110] : memref<2x16x128x128xi32, #tpu.memory_space<hbm>> -> memref<1x1x32x128xi32, #tpu.memory_space<hbm>>
      %dma_start3A_112 = tpu.memref_squeeze %dma_start3A_111 : memref<1x1x32x128xi32, #tpu.memory_space<hbm>> -> memref<32x128xi32, #tpu.memory_space<hbm>>
      tpu.enqueue_dma source(%dma_start3A_112 : memref<32x128xi32, #tpu.memory_space<hbm>>) target(%dma_start3A_108 : memref<32x128xi32, #tpu.memory_space<vmem>>) target_semaphore(%run_scoped3A_99 : memref<!tpu.dma_semaphore, #tpu.memory_space<semaphore_mem>>)
      %dma_wait3A = arith.constant 0 : i32
      %dma_wait3A_113 = arith.constant 0 : i32
      %dma_wait3A_114 = tpu.memref_slice %arg7[%dma_wait3A, %dma_wait3A_113] : memref<32x128xi32, #tpu.memory_space<vmem>> -> memref<32x128xi32, #tpu.memory_space<vmem>>
      %dma_wait3A_115 = arith.constant 32 : i32
      %dma_wait3A_116 = arith.constant 0 : i32
      %dma_wait3A_117 = tpu.memref_slice %arg4[%arg0, %arg1, %dma_wait3A_115, %dma_wait3A_116] : memref<2x16x128x128xi32, #tpu.memory_space<hbm>> -> memref<1x1x32x128xi32, #tpu.memory_space<hbm>>
      %dma_wait3A_118 = tpu.memref_squeeze %dma_wait3A_117 : memref<1x1x32x128xi32, #tpu.memory_space<hbm>> -> memref<32x128xi32, #tpu.memory_space<hbm>>
      %dma_wait3A_119 = arith.constant 0 : i32
      %dma_wait3A_120 = arith.constant 0 : i32
      %dma_wait3A_121 = tpu.memref_slice %arg7[%dma_wait3A_119, %dma_wait3A_120] : memref<32x128xi32, #tpu.memory_space<vmem>> -> memref<32x128xi32, #tpu.memory_space<vmem>>
      %dma_wait3A_122 = arith.constant 32 : i32
      %dma_wait3A_123 = arith.constant 0 : i32
      %dma_wait3A_124 = tpu.memref_slice %arg4[%arg0, %arg1, %dma_wait3A_122, %dma_wait3A_123] : memref<2x16x128x128xi32, #tpu.memory_space<hbm>> -> memref<1x1x32x128xi32, #tpu.memory_space<hbm>>
      %dma_wait3A_125 = tpu.memref_squeeze %dma_wait3A_124 : memref<1x1x32x128xi32, #tpu.memory_space<hbm>> -> memref<32x128xi32, #tpu.memory_space<hbm>>
      tpu.wait_dma2 semaphore(%run_scoped3A_99 : memref<!tpu.dma_semaphore, #tpu.memory_space<semaphore_mem>>) src(%dma_wait3A_125 : memref<32x128xi32, #tpu.memory_space<hbm>>) dst(%dma_wait3A_121 : memref<32x128xi32, #tpu.memory_space<vmem>>)
      tpu.yield
    }) : () -> ()
    %sub3A_43 = arith.constant 32 : i32
    %sub3A_44 = arith.subi %select_n3A, %sub3A_43 : i32
    %jit3A_45 = arith.constant 0 : i32
    %jit3A_46 = arith.constant 32 : i32
    %max3A_47 = arith.maxsi %jit3A_45, %sub3A_44 : i32
    %min3A_48 = arith.minsi %jit3A_46, %max3A_47 : i32
    %while3A_49 = arith.constant 0 : i32
    %while3A_50 = arith.constant 0 : i32
    %while3A_51 = arith.constant 0 : i32
    %while3A_52 = arith.subi %min3A_48, %while3A_51 : i32
    %while3A_53 = arith.addi %while3A_51, %while3A_52 : i32
    %while3A_54 = arith.constant 1 : i32
    %while3A_55 = arith.divsi %while3A_52, %while3A_54 : i32
    %while3A_56 = arith.muli %while3A_55, %while3A_54 : i32
    %while3A_57 = arith.addi %while3A_51, %while3A_56 : i32
    %while3A_58 = arith.constant 1 : i32
    scf.for %while3A_99 = %while3A_51 to %while3A_57 step %while3A_58  : i32 {
      %dma_start3A = arith.constant 0 : i32
      %dma_start3A_100 = arith.constant 0 : i32
      %dma_start3A_101 = tpu.memref_slice %arg8[%while3A_50, %dma_start3A, %dma_start3A_100] : memref<2x128x128xf32, #tpu.memory_space<vmem>> -> memref<1x128x128xf32, #tpu.memory_space<vmem>>
      %dma_start3A_102 = tpu.memref_squeeze %dma_start3A_101 : memref<1x128x128xf32, #tpu.memory_space<vmem>> -> memref<128x128xf32, #tpu.memory_space<vmem>>
      %dma_start3A_103 = arith.constant 0 : i32
      %dma_start3A_104 = tpu.memref_slice %arg6[%while3A_99, %dma_start3A_103] : memref<32x128xi32, #tpu.memory_space<vmem>> -> memref<1x128xi32, #tpu.memory_space<vmem>>
      %dma_start3A_105 = tpu.memref_squeeze %dma_start3A_104 : memref<1x128xi32, #tpu.memory_space<vmem>> -> memref<128xi32, #tpu.memory_space<vmem>>
      %dma_start3A_106 = arith.constant 0 : i32
      %dma_start3A_107 = arith.constant 0 : i32
      %dma_start3A_108 = tpu.memref_slice %arg2[%dma_start3A_106, %dma_start3A_107] : memref<10240x128xf32, #tpu.memory_space<hbm>> -> memref<10240x128xf32, #tpu.memory_space<hbm>>
      tpu.enqueue_indirect_dma source(%dma_start3A_108 : memref<10240x128xf32, #tpu.memory_space<hbm>>) target(%dma_start3A_102 : memref<128x128xf32, #tpu.memory_space<vmem>>) offsets(%dma_start3A_105 : memref<128xi32, #tpu.memory_space<vmem>>) semaphore(%arg10 : memref<!tpu.dma_semaphore, #tpu.memory_space<semaphore_mem>>)
      %dma_wait3A = arith.constant 0 : i32
      %dma_wait3A_109 = arith.constant 0 : i32
      %dma_wait3A_110 = tpu.memref_slice %arg8[%while3A_50, %dma_wait3A, %dma_wait3A_109] : memref<2x128x128xf32, #tpu.memory_space<vmem>> -> memref<1x128x128xf32, #tpu.memory_space<vmem>>
      %dma_wait3A_111 = tpu.memref_squeeze %dma_wait3A_110 : memref<1x128x128xf32, #tpu.memory_space<vmem>> -> memref<128x128xf32, #tpu.memory_space<vmem>>
      %dma_wait3A_112 = arith.constant 0 : i32
      %dma_wait3A_113 = tpu.memref_slice %arg6[%while3A_99, %dma_wait3A_112] : memref<32x128xi32, #tpu.memory_space<vmem>> -> memref<1x128xi32, #tpu.memory_space<vmem>>
      %dma_wait3A_114 = tpu.memref_squeeze %dma_wait3A_113 : memref<1x128xi32, #tpu.memory_space<vmem>> -> memref<128xi32, #tpu.memory_space<vmem>>
      %dma_wait3A_115 = arith.constant 0 : i32
      %dma_wait3A_116 = arith.constant 0 : i32
      %dma_wait3A_117 = tpu.memref_slice %arg2[%dma_wait3A_115, %dma_wait3A_116] : memref<10240x128xf32, #tpu.memory_space<hbm>> -> memref<10240x128xf32, #tpu.memory_space<hbm>>
      tpu.wait_indirect_dma semaphore(%arg10 : memref<!tpu.dma_semaphore, #tpu.memory_space<semaphore_mem>>) src(%dma_wait3A_117 : memref<10240x128xf32, #tpu.memory_space<hbm>>) dst(%dma_wait3A_111 : memref<128x128xf32, #tpu.memory_space<vmem>>)
      "tpu.region"() ({
        %run_scoped3A_118 = tpu.sem_alloc : memref<!tpu.dma_semaphore, #tpu.memory_space<semaphore_mem>>
        %dma_start3A_119 = arith.constant 0 : i32
        %dma_start3A_120 = arith.constant 0 : i32
        %dma_start3A_121 = tpu.memref_slice %arg8[%while3A_50, %dma_start3A_119, %dma_start3A_120] : memref<2x128x128xf32, #tpu.memory_space<vmem>> -> memref<1x128x128xf32, #tpu.memory_space<vmem>>
        %dma_start3A_122 = tpu.memref_squeeze %dma_start3A_121 : memref<1x128x128xf32, #tpu.memory_space<vmem>> -> memref<128x128xf32, #tpu.memory_space<vmem>>
        %dma_start3A_123 = arith.constant 0 : i32
        %dma_start3A_124 = tpu.memref_slice %arg7[%while3A_99, %dma_start3A_123] : memref<32x128xi32, #tpu.memory_space<vmem>> -> memref<1x128xi32, #tpu.memory_space<vmem>>
        %dma_start3A_125 = tpu.memref_squeeze %dma_start3A_124 : memref<1x128xi32, #tpu.memory_space<vmem>> -> memref<128xi32, #tpu.memory_space<vmem>>
        %dma_start3A_126 = arith.constant 0 : i32
        %dma_start3A_127 = arith.constant 0 : i32
        %dma_start3A_128 = tpu.memref_slice %arg9[%dma_start3A_126, %dma_start3A_127] : memref<10240x128xf32, #tpu.memory_space<vmem_shared>> -> memref<10240x128xf32, #tpu.memory_space<vmem_shared>>
        tpu.enqueue_indirect_dma source(%dma_start3A_122 : memref<128x128xf32, #tpu.memory_space<vmem>>) target(%dma_start3A_128 : memref<10240x128xf32, #tpu.memory_space<vmem_shared>>) offsets(%dma_start3A_125 : memref<128xi32, #tpu.memory_space<vmem>>) semaphore(%run_scoped3A_118 : memref<!tpu.dma_semaphore, #tpu.memory_space<semaphore_mem>>) {add = true}
        %dma_wait3A_129 = arith.constant 0 : i32
        %dma_wait3A_130 = arith.constant 0 : i32
        %dma_wait3A_131 = tpu.memref_slice %arg8[%while3A_50, %dma_wait3A_129, %dma_wait3A_130] : memref<2x128x128xf32, #tpu.memory_space<vmem>> -> memref<1x128x128xf32, #tpu.memory_space<vmem>>
        %dma_wait3A_132 = tpu.memref_squeeze %dma_wait3A_131 : memref<1x128x128xf32, #tpu.memory_space<vmem>> -> memref<128x128xf32, #tpu.memory_space<vmem>>
        %dma_wait3A_133 = arith.constant 0 : i32
        %dma_wait3A_134 = tpu.memref_slice %arg7[%while3A_99, %dma_wait3A_133] : memref<32x128xi32, #tpu.memory_space<vmem>> -> memref<1x128xi32, #tpu.memory_space<vmem>>
        %dma_wait3A_135 = tpu.memref_squeeze %dma_wait3A_134 : memref<1x128xi32, #tpu.memory_space<vmem>> -> memref<128xi32, #tpu.memory_space<vmem>>
        %dma_wait3A_136 = arith.constant 0 : i32
        %dma_wait3A_137 = arith.constant 0 : i32
        %dma_wait3A_138 = tpu.memref_slice %arg9[%dma_wait3A_136, %dma_wait3A_137] : memref<10240x128xf32, #tpu.memory_space<vmem_shared>> -> memref<10240x128xf32, #tpu.memory_space<vmem_shared>>
        tpu.wait_indirect_dma semaphore(%run_scoped3A_118 : memref<!tpu.dma_semaphore, #tpu.memory_space<semaphore_mem>>) src(%dma_wait3A_132 : memref<128x128xf32, #tpu.memory_space<vmem>>) dst(%dma_wait3A_138 : memref<10240x128xf32, #tpu.memory_space<vmem_shared>>)
        tpu.yield
      }) : () -> ()
    }
    %while3A_59 = arith.constant 1 : i32
    scf.for %while3A_99 = %while3A_57 to %while3A_53 step %while3A_59  : i32 {
      %dma_start3A = arith.constant 0 : i32
      %dma_start3A_100 = arith.constant 0 : i32
      %dma_start3A_101 = tpu.memref_slice %arg8[%while3A_50, %dma_start3A, %dma_start3A_100] : memref<2x128x128xf32, #tpu.memory_space<vmem>> -> memref<1x128x128xf32, #tpu.memory_space<vmem>>
      %dma_start3A_102 = tpu.memref_squeeze %dma_start3A_101 : memref<1x128x128xf32, #tpu.memory_space<vmem>> -> memref<128x128xf32, #tpu.memory_space<vmem>>
      %dma_start3A_103 = arith.constant 0 : i32
      %dma_start3A_104 = tpu.memref_slice %arg6[%while3A_99, %dma_start3A_103] : memref<32x128xi32, #tpu.memory_space<vmem>> -> memref<1x128xi32, #tpu.memory_space<vmem>>
      %dma_start3A_105 = tpu.memref_squeeze %dma_start3A_104 : memref<1x128xi32, #tpu.memory_space<vmem>> -> memref<128xi32, #tpu.memory_space<vmem>>
      %dma_start3A_106 = arith.constant 0 : i32
      %dma_start3A_107 = arith.constant 0 : i32
      %dma_start3A_108 = tpu.memref_slice %arg2[%dma_start3A_106, %dma_start3A_107] : memref<10240x128xf32, #tpu.memory_space<hbm>> -> memref<10240x128xf32, #tpu.memory_space<hbm>>
      tpu.enqueue_indirect_dma source(%dma_start3A_108 : memref<10240x128xf32, #tpu.memory_space<hbm>>) target(%dma_start3A_102 : memref<128x128xf32, #tpu.memory_space<vmem>>) offsets(%dma_start3A_105 : memref<128xi32, #tpu.memory_space<vmem>>) semaphore(%arg10 : memref<!tpu.dma_semaphore, #tpu.memory_space<semaphore_mem>>)
      %dma_wait3A = arith.constant 0 : i32
      %dma_wait3A_109 = arith.constant 0 : i32
      %dma_wait3A_110 = tpu.memref_slice %arg8[%while3A_50, %dma_wait3A, %dma_wait3A_109] : memref<2x128x128xf32, #tpu.memory_space<vmem>> -> memref<1x128x128xf32, #tpu.memory_space<vmem>>
      %dma_wait3A_111 = tpu.memref_squeeze %dma_wait3A_110 : memref<1x128x128xf32, #tpu.memory_space<vmem>> -> memref<128x128xf32, #tpu.memory_space<vmem>>
      %dma_wait3A_112 = arith.constant 0 : i32
      %dma_wait3A_113 = tpu.memref_slice %arg6[%while3A_99, %dma_wait3A_112] : memref<32x128xi32, #tpu.memory_space<vmem>> -> memref<1x128xi32, #tpu.memory_space<vmem>>
      %dma_wait3A_114 = tpu.memref_squeeze %dma_wait3A_113 : memref<1x128xi32, #tpu.memory_space<vmem>> -> memref<128xi32, #tpu.memory_space<vmem>>
      %dma_wait3A_115 = arith.constant 0 : i32
      %dma_wait3A_116 = arith.constant 0 : i32
      %dma_wait3A_117 = tpu.memref_slice %arg2[%dma_wait3A_115, %dma_wait3A_116] : memref<10240x128xf32, #tpu.memory_space<hbm>> -> memref<10240x128xf32, #tpu.memory_space<hbm>>
      tpu.wait_indirect_dma semaphore(%arg10 : memref<!tpu.dma_semaphore, #tpu.memory_space<semaphore_mem>>) src(%dma_wait3A_117 : memref<10240x128xf32, #tpu.memory_space<hbm>>) dst(%dma_wait3A_111 : memref<128x128xf32, #tpu.memory_space<vmem>>)
      "tpu.region"() ({
        %run_scoped3A_118 = tpu.sem_alloc : memref<!tpu.dma_semaphore, #tpu.memory_space<semaphore_mem>>
        %dma_start3A_119 = arith.constant 0 : i32
        %dma_start3A_120 = arith.constant 0 : i32
        %dma_start3A_121 = tpu.memref_slice %arg8[%while3A_50, %dma_start3A_119, %dma_start3A_120] : memref<2x128x128xf32, #tpu.memory_space<vmem>> -> memref<1x128x128xf32, #tpu.memory_space<vmem>>
        %dma_start3A_122 = tpu.memref_squeeze %dma_start3A_121 : memref<1x128x128xf32, #tpu.memory_space<vmem>> -> memref<128x128xf32, #tpu.memory_space<vmem>>
        %dma_start3A_123 = arith.constant 0 : i32
        %dma_start3A_124 = tpu.memref_slice %arg7[%while3A_99, %dma_start3A_123] : memref<32x128xi32, #tpu.memory_space<vmem>> -> memref<1x128xi32, #tpu.memory_space<vmem>>
        %dma_start3A_125 = tpu.memref_squeeze %dma_start3A_124 : memref<1x128xi32, #tpu.memory_space<vmem>> -> memref<128xi32, #tpu.memory_space<vmem>>
        %dma_start3A_126 = arith.constant 0 : i32
        %dma_start3A_127 = arith.constant 0 : i32
        %dma_start3A_128 = tpu.memref_slice %arg9[%dma_start3A_126, %dma_start3A_127] : memref<10240x128xf32, #tpu.memory_space<vmem_shared>> -> memref<10240x128xf32, #tpu.memory_space<vmem_shared>>
        tpu.enqueue_indirect_dma source(%dma_start3A_122 : memref<128x128xf32, #tpu.memory_space<vmem>>) target(%dma_start3A_128 : memref<10240x128xf32, #tpu.memory_space<vmem_shared>>) offsets(%dma_start3A_125 : memref<128xi32, #tpu.memory_space<vmem>>) semaphore(%run_scoped3A_118 : memref<!tpu.dma_semaphore, #tpu.memory_space<semaphore_mem>>) {add = true}
        %dma_wait3A_129 = arith.constant 0 : i32
        %dma_wait3A_130 = arith.constant 0 : i32
        %dma_wait3A_131 = tpu.memref_slice %arg8[%while3A_50, %dma_wait3A_129, %dma_wait3A_130] : memref<2x128x128xf32, #tpu.memory_space<vmem>> -> memref<1x128x128xf32, #tpu.memory_space<vmem>>
        %dma_wait3A_132 = tpu.memref_squeeze %dma_wait3A_131 : memref<1x128x128xf32, #tpu.memory_space<vmem>> -> memref<128x128xf32, #tpu.memory_space<vmem>>
        %dma_wait3A_133 = arith.constant 0 : i32
        %dma_wait3A_134 = tpu.memref_slice %arg7[%while3A_99, %dma_wait3A_133] : memref<32x128xi32, #tpu.memory_space<vmem>> -> memref<1x128xi32, #tpu.memory_space<vmem>>
        %dma_wait3A_135 = tpu.memref_squeeze %dma_wait3A_134 : memref<1x128xi32, #tpu.memory_space<vmem>> -> memref<128xi32, #tpu.memory_space<vmem>>
        %dma_wait3A_136 = arith.constant 0 : i32
        %dma_wait3A_137 = arith.constant 0 : i32
        %dma_wait3A_138 = tpu.memref_slice %arg9[%dma_wait3A_136, %dma_wait3A_137] : memref<10240x128xf32, #tpu.memory_space<vmem_shared>> -> memref<10240x128xf32, #tpu.memory_space<vmem_shared>>
        tpu.wait_indirect_dma semaphore(%run_scoped3A_118 : memref<!tpu.dma_semaphore, #tpu.memory_space<semaphore_mem>>) src(%dma_wait3A_132 : memref<128x128xf32, #tpu.memory_space<vmem>>) dst(%dma_wait3A_138 : memref<10240x128xf32, #tpu.memory_space<vmem_shared>>)
        tpu.yield
      }) : () -> ()
    }
    "tpu.region"() ({
      %run_scoped3A_99 = tpu.sem_alloc : memref<!tpu.dma_semaphore, #tpu.memory_space<semaphore_mem>>
      %dma_start3A = arith.constant 0 : i32
      %dma_start3A_100 = arith.constant 0 : i32
      %dma_start3A_101 = tpu.memref_slice %arg6[%dma_start3A, %dma_start3A_100] : memref<32x128xi32, #tpu.memory_space<vmem>> -> memref<32x128xi32, #tpu.memory_space<vmem>>
      %dma_start3A_102 = arith.constant 64 : i32
      %dma_start3A_103 = arith.constant 0 : i32
      %dma_start3A_104 = tpu.memref_slice %arg3[%arg0, %arg1, %dma_start3A_102, %dma_start3A_103] : memref<2x16x128x128xi32, #tpu.memory_space<hbm>> -> memref<1x1x32x128xi32, #tpu.memory_space<hbm>>
      %dma_start3A_105 = tpu.memref_squeeze %dma_start3A_104 : memref<1x1x32x128xi32, #tpu.memory_space<hbm>> -> memref<32x128xi32, #tpu.memory_space<hbm>>
      %dma_start3A_106 = arith.constant 0 : i32
      %dma_start3A_107 = arith.constant 0 : i32
      %dma_start3A_108 = tpu.memref_slice %arg6[%dma_start3A_106, %dma_start3A_107] : memref<32x128xi32, #tpu.memory_space<vmem>> -> memref<32x128xi32, #tpu.memory_space<vmem>>
      %dma_start3A_109 = arith.constant 64 : i32
      %dma_start3A_110 = arith.constant 0 : i32
      %dma_start3A_111 = tpu.memref_slice %arg3[%arg0, %arg1, %dma_start3A_109, %dma_start3A_110] : memref<2x16x128x128xi32, #tpu.memory_space<hbm>> -> memref<1x1x32x128xi32, #tpu.memory_space<hbm>>
      %dma_start3A_112 = tpu.memref_squeeze %dma_start3A_111 : memref<1x1x32x128xi32, #tpu.memory_space<hbm>> -> memref<32x128xi32, #tpu.memory_space<hbm>>
      tpu.enqueue_dma source(%dma_start3A_112 : memref<32x128xi32, #tpu.memory_space<hbm>>) target(%dma_start3A_108 : memref<32x128xi32, #tpu.memory_space<vmem>>) target_semaphore(%run_scoped3A_99 : memref<!tpu.dma_semaphore, #tpu.memory_space<semaphore_mem>>)
      %dma_wait3A = arith.constant 0 : i32
      %dma_wait3A_113 = arith.constant 0 : i32
      %dma_wait3A_114 = tpu.memref_slice %arg6[%dma_wait3A, %dma_wait3A_113] : memref<32x128xi32, #tpu.memory_space<vmem>> -> memref<32x128xi32, #tpu.memory_space<vmem>>
      %dma_wait3A_115 = arith.constant 64 : i32
      %dma_wait3A_116 = arith.constant 0 : i32
      %dma_wait3A_117 = tpu.memref_slice %arg3[%arg0, %arg1, %dma_wait3A_115, %dma_wait3A_116] : memref<2x16x128x128xi32, #tpu.memory_space<hbm>> -> memref<1x1x32x128xi32, #tpu.memory_space<hbm>>
      %dma_wait3A_118 = tpu.memref_squeeze %dma_wait3A_117 : memref<1x1x32x128xi32, #tpu.memory_space<hbm>> -> memref<32x128xi32, #tpu.memory_space<hbm>>
      %dma_wait3A_119 = arith.constant 0 : i32
      %dma_wait3A_120 = arith.constant 0 : i32
      %dma_wait3A_121 = tpu.memref_slice %arg6[%dma_wait3A_119, %dma_wait3A_120] : memref<32x128xi32, #tpu.memory_space<vmem>> -> memref<32x128xi32, #tpu.memory_space<vmem>>
      %dma_wait3A_122 = arith.constant 64 : i32
      %dma_wait3A_123 = arith.constant 0 : i32
      %dma_wait3A_124 = tpu.memref_slice %arg3[%arg0, %arg1, %dma_wait3A_122, %dma_wait3A_123] : memref<2x16x128x128xi32, #tpu.memory_space<hbm>> -> memref<1x1x32x128xi32, #tpu.memory_space<hbm>>
      %dma_wait3A_125 = tpu.memref_squeeze %dma_wait3A_124 : memref<1x1x32x128xi32, #tpu.memory_space<hbm>> -> memref<32x128xi32, #tpu.memory_space<hbm>>
      tpu.wait_dma2 semaphore(%run_scoped3A_99 : memref<!tpu.dma_semaphore, #tpu.memory_space<semaphore_mem>>) src(%dma_wait3A_125 : memref<32x128xi32, #tpu.memory_space<hbm>>) dst(%dma_wait3A_121 : memref<32x128xi32, #tpu.memory_space<vmem>>)
      tpu.yield
    }) : () -> ()
    "tpu.region"() ({
      %run_scoped3A_99 = tpu.sem_alloc : memref<!tpu.dma_semaphore, #tpu.memory_space<semaphore_mem>>
      %dma_start3A = arith.constant 0 : i32
      %dma_start3A_100 = arith.constant 0 : i32
      %dma_start3A_101 = tpu.memref_slice %arg7[%dma_start3A, %dma_start3A_100] : memref<32x128xi32, #tpu.memory_space<vmem>> -> memref<32x128xi32, #tpu.memory_space<vmem>>
      %dma_start3A_102 = arith.constant 64 : i32
      %dma_start3A_103 = arith.constant 0 : i32
      %dma_start3A_104 = tpu.memref_slice %arg4[%arg0, %arg1, %dma_start3A_102, %dma_start3A_103] : memref<2x16x128x128xi32, #tpu.memory_space<hbm>> -> memref<1x1x32x128xi32, #tpu.memory_space<hbm>>
      %dma_start3A_105 = tpu.memref_squeeze %dma_start3A_104 : memref<1x1x32x128xi32, #tpu.memory_space<hbm>> -> memref<32x128xi32, #tpu.memory_space<hbm>>
      %dma_start3A_106 = arith.constant 0 : i32
      %dma_start3A_107 = arith.constant 0 : i32
      %dma_start3A_108 = tpu.memref_slice %arg7[%dma_start3A_106, %dma_start3A_107] : memref<32x128xi32, #tpu.memory_space<vmem>> -> memref<32x128xi32, #tpu.memory_space<vmem>>
      %dma_start3A_109 = arith.constant 64 : i32
      %dma_start3A_110 = arith.constant 0 : i32
      %dma_start3A_111 = tpu.memref_slice %arg4[%arg0, %arg1, %dma_start3A_109, %dma_start3A_110] : memref<2x16x128x128xi32, #tpu.memory_space<hbm>> -> memref<1x1x32x128xi32, #tpu.memory_space<hbm>>
      %dma_start3A_112 = tpu.memref_squeeze %dma_start3A_111 : memref<1x1x32x128xi32, #tpu.memory_space<hbm>> -> memref<32x128xi32, #tpu.memory_space<hbm>>
      tpu.enqueue_dma source(%dma_start3A_112 : memref<32x128xi32, #tpu.memory_space<hbm>>) target(%dma_start3A_108 : memref<32x128xi32, #tpu.memory_space<vmem>>) target_semaphore(%run_scoped3A_99 : memref<!tpu.dma_semaphore, #tpu.memory_space<semaphore_mem>>)
      %dma_wait3A = arith.constant 0 : i32
      %dma_wait3A_113 = arith.constant 0 : i32
      %dma_wait3A_114 = tpu.memref_slice %arg7[%dma_wait3A, %dma_wait3A_113] : memref<32x128xi32, #tpu.memory_space<vmem>> -> memref<32x128xi32, #tpu.memory_space<vmem>>
      %dma_wait3A_115 = arith.constant 64 : i32
      %dma_wait3A_116 = arith.constant 0 : i32
      %dma_wait3A_117 = tpu.memref_slice %arg4[%arg0, %arg1, %dma_wait3A_115, %dma_wait3A_116] : memref<2x16x128x128xi32, #tpu.memory_space<hbm>> -> memref<1x1x32x128xi32, #tpu.memory_space<hbm>>
      %dma_wait3A_118 = tpu.memref_squeeze %dma_wait3A_117 : memref<1x1x32x128xi32, #tpu.memory_space<hbm>> -> memref<32x128xi32, #tpu.memory_space<hbm>>
      %dma_wait3A_119 = arith.constant 0 : i32
      %dma_wait3A_120 = arith.constant 0 : i32
      %dma_wait3A_121 = tpu.memref_slice %arg7[%dma_wait3A_119, %dma_wait3A_120] : memref<32x128xi32, #tpu.memory_space<vmem>> -> memref<32x128xi32, #tpu.memory_space<vmem>>
      %dma_wait3A_122 = arith.constant 64 : i32
      %dma_wait3A_123 = arith.constant 0 : i32
      %dma_wait3A_124 = tpu.memref_slice %arg4[%arg0, %arg1, %dma_wait3A_122, %dma_wait3A_123] : memref<2x16x128x128xi32, #tpu.memory_space<hbm>> -> memref<1x1x32x128xi32, #tpu.memory_space<hbm>>
      %dma_wait3A_125 = tpu.memref_squeeze %dma_wait3A_124 : memref<1x1x32x128xi32, #tpu.memory_space<hbm>> -> memref<32x128xi32, #tpu.memory_space<hbm>>
      tpu.wait_dma2 semaphore(%run_scoped3A_99 : memref<!tpu.dma_semaphore, #tpu.memory_space<semaphore_mem>>) src(%dma_wait3A_125 : memref<32x128xi32, #tpu.memory_space<hbm>>) dst(%dma_wait3A_121 : memref<32x128xi32, #tpu.memory_space<vmem>>)
      tpu.yield
    }) : () -> ()
    %sub3A_60 = arith.constant 64 : i32
    %sub3A_61 = arith.subi %select_n3A, %sub3A_60 : i32
    %jit3A_62 = arith.constant 0 : i32
    %jit3A_63 = arith.constant 32 : i32
    %max3A_64 = arith.maxsi %jit3A_62, %sub3A_61 : i32
    %min3A_65 = arith.minsi %jit3A_63, %max3A_64 : i32
    %while3A_66 = arith.constant 0 : i32
    %while3A_67 = arith.constant 0 : i32
    %while3A_68 = arith.constant 0 : i32
    %while3A_69 = arith.subi %min3A_65, %while3A_68 : i32
    %while3A_70 = arith.addi %while3A_68, %while3A_69 : i32
    %while3A_71 = arith.constant 1 : i32
    %while3A_72 = arith.divsi %while3A_69, %while3A_71 : i32
    %while3A_73 = arith.muli %while3A_72, %while3A_71 : i32
    %while3A_74 = arith.addi %while3A_68, %while3A_73 : i32
    %while3A_75 = arith.constant 1 : i32
    scf.for %while3A_99 = %while3A_68 to %while3A_74 step %while3A_75  : i32 {
      %dma_start3A = arith.constant 0 : i32
      %dma_start3A_100 = arith.constant 0 : i32
      %dma_start3A_101 = tpu.memref_slice %arg8[%while3A_67, %dma_start3A, %dma_start3A_100] : memref<2x128x128xf32, #tpu.memory_space<vmem>> -> memref<1x128x128xf32, #tpu.memory_space<vmem>>
      %dma_start3A_102 = tpu.memref_squeeze %dma_start3A_101 : memref<1x128x128xf32, #tpu.memory_space<vmem>> -> memref<128x128xf32, #tpu.memory_space<vmem>>
      %dma_start3A_103 = arith.constant 0 : i32
      %dma_start3A_104 = tpu.memref_slice %arg6[%while3A_99, %dma_start3A_103] : memref<32x128xi32, #tpu.memory_space<vmem>> -> memref<1x128xi32, #tpu.memory_space<vmem>>
      %dma_start3A_105 = tpu.memref_squeeze %dma_start3A_104 : memref<1x128xi32, #tpu.memory_space<vmem>> -> memref<128xi32, #tpu.memory_space<vmem>>
      %dma_start3A_106 = arith.constant 0 : i32
      %dma_start3A_107 = arith.constant 0 : i32
      %dma_start3A_108 = tpu.memref_slice %arg2[%dma_start3A_106, %dma_start3A_107] : memref<10240x128xf32, #tpu.memory_space<hbm>> -> memref<10240x128xf32, #tpu.memory_space<hbm>>
      tpu.enqueue_indirect_dma source(%dma_start3A_108 : memref<10240x128xf32, #tpu.memory_space<hbm>>) target(%dma_start3A_102 : memref<128x128xf32, #tpu.memory_space<vmem>>) offsets(%dma_start3A_105 : memref<128xi32, #tpu.memory_space<vmem>>) semaphore(%arg10 : memref<!tpu.dma_semaphore, #tpu.memory_space<semaphore_mem>>)
      %dma_wait3A = arith.constant 0 : i32
      %dma_wait3A_109 = arith.constant 0 : i32
      %dma_wait3A_110 = tpu.memref_slice %arg8[%while3A_67, %dma_wait3A, %dma_wait3A_109] : memref<2x128x128xf32, #tpu.memory_space<vmem>> -> memref<1x128x128xf32, #tpu.memory_space<vmem>>
      %dma_wait3A_111 = tpu.memref_squeeze %dma_wait3A_110 : memref<1x128x128xf32, #tpu.memory_space<vmem>> -> memref<128x128xf32, #tpu.memory_space<vmem>>
      %dma_wait3A_112 = arith.constant 0 : i32
      %dma_wait3A_113 = tpu.memref_slice %arg6[%while3A_99, %dma_wait3A_112] : memref<32x128xi32, #tpu.memory_space<vmem>> -> memref<1x128xi32, #tpu.memory_space<vmem>>
      %dma_wait3A_114 = tpu.memref_squeeze %dma_wait3A_113 : memref<1x128xi32, #tpu.memory_space<vmem>> -> memref<128xi32, #tpu.memory_space<vmem>>
      %dma_wait3A_115 = arith.constant 0 : i32
      %dma_wait3A_116 = arith.constant 0 : i32
      %dma_wait3A_117 = tpu.memref_slice %arg2[%dma_wait3A_115, %dma_wait3A_116] : memref<10240x128xf32, #tpu.memory_space<hbm>> -> memref<10240x128xf32, #tpu.memory_space<hbm>>
      tpu.wait_indirect_dma semaphore(%arg10 : memref<!tpu.dma_semaphore, #tpu.memory_space<semaphore_mem>>) src(%dma_wait3A_117 : memref<10240x128xf32, #tpu.memory_space<hbm>>) dst(%dma_wait3A_111 : memref<128x128xf32, #tpu.memory_space<vmem>>)
      "tpu.region"() ({
        %run_scoped3A_118 = tpu.sem_alloc : memref<!tpu.dma_semaphore, #tpu.memory_space<semaphore_mem>>
        %dma_start3A_119 = arith.constant 0 : i32
        %dma_start3A_120 = arith.constant 0 : i32
        %dma_start3A_121 = tpu.memref_slice %arg8[%while3A_67, %dma_start3A_119, %dma_start3A_120] : memref<2x128x128xf32, #tpu.memory_space<vmem>> -> memref<1x128x128xf32, #tpu.memory_space<vmem>>
        %dma_start3A_122 = tpu.memref_squeeze %dma_start3A_121 : memref<1x128x128xf32, #tpu.memory_space<vmem>> -> memref<128x128xf32, #tpu.memory_space<vmem>>
        %dma_start3A_123 = arith.constant 0 : i32
        %dma_start3A_124 = tpu.memref_slice %arg7[%while3A_99, %dma_start3A_123] : memref<32x128xi32, #tpu.memory_space<vmem>> -> memref<1x128xi32, #tpu.memory_space<vmem>>
        %dma_start3A_125 = tpu.memref_squeeze %dma_start3A_124 : memref<1x128xi32, #tpu.memory_space<vmem>> -> memref<128xi32, #tpu.memory_space<vmem>>
        %dma_start3A_126 = arith.constant 0 : i32
        %dma_start3A_127 = arith.constant 0 : i32
        %dma_start3A_128 = tpu.memref_slice %arg9[%dma_start3A_126, %dma_start3A_127] : memref<10240x128xf32, #tpu.memory_space<vmem_shared>> -> memref<10240x128xf32, #tpu.memory_space<vmem_shared>>
        tpu.enqueue_indirect_dma source(%dma_start3A_122 : memref<128x128xf32, #tpu.memory_space<vmem>>) target(%dma_start3A_128 : memref<10240x128xf32, #tpu.memory_space<vmem_shared>>) offsets(%dma_start3A_125 : memref<128xi32, #tpu.memory_space<vmem>>) semaphore(%run_scoped3A_118 : memref<!tpu.dma_semaphore, #tpu.memory_space<semaphore_mem>>) {add = true}
        %dma_wait3A_129 = arith.constant 0 : i32
        %dma_wait3A_130 = arith.constant 0 : i32
        %dma_wait3A_131 = tpu.memref_slice %arg8[%while3A_67, %dma_wait3A_129, %dma_wait3A_130] : memref<2x128x128xf32, #tpu.memory_space<vmem>> -> memref<1x128x128xf32, #tpu.memory_space<vmem>>
        %dma_wait3A_132 = tpu.memref_squeeze %dma_wait3A_131 : memref<1x128x128xf32, #tpu.memory_space<vmem>> -> memref<128x128xf32, #tpu.memory_space<vmem>>
        %dma_wait3A_133 = arith.constant 0 : i32
        %dma_wait3A_134 = tpu.memref_slice %arg7[%while3A_99, %dma_wait3A_133] : memref<32x128xi32, #tpu.memory_space<vmem>> -> memref<1x128xi32, #tpu.memory_space<vmem>>
        %dma_wait3A_135 = tpu.memref_squeeze %dma_wait3A_134 : memref<1x128xi32, #tpu.memory_space<vmem>> -> memref<128xi32, #tpu.memory_space<vmem>>
        %dma_wait3A_136 = arith.constant 0 : i32
        %dma_wait3A_137 = arith.constant 0 : i32
        %dma_wait3A_138 = tpu.memref_slice %arg9[%dma_wait3A_136, %dma_wait3A_137] : memref<10240x128xf32, #tpu.memory_space<vmem_shared>> -> memref<10240x128xf32, #tpu.memory_space<vmem_shared>>
        tpu.wait_indirect_dma semaphore(%run_scoped3A_118 : memref<!tpu.dma_semaphore, #tpu.memory_space<semaphore_mem>>) src(%dma_wait3A_132 : memref<128x128xf32, #tpu.memory_space<vmem>>) dst(%dma_wait3A_138 : memref<10240x128xf32, #tpu.memory_space<vmem_shared>>)
        tpu.yield
      }) : () -> ()
    }
    %while3A_76 = arith.constant 1 : i32
    scf.for %while3A_99 = %while3A_74 to %while3A_70 step %while3A_76  : i32 {
      %dma_start3A = arith.constant 0 : i32
      %dma_start3A_100 = arith.constant 0 : i32
      %dma_start3A_101 = tpu.memref_slice %arg8[%while3A_67, %dma_start3A, %dma_start3A_100] : memref<2x128x128xf32, #tpu.memory_space<vmem>> -> memref<1x128x128xf32, #tpu.memory_space<vmem>>
      %dma_start3A_102 = tpu.memref_squeeze %dma_start3A_101 : memref<1x128x128xf32, #tpu.memory_space<vmem>> -> memref<128x128xf32, #tpu.memory_space<vmem>>
      %dma_start3A_103 = arith.constant 0 : i32
      %dma_start3A_104 = tpu.memref_slice %arg6[%while3A_99, %dma_start3A_103] : memref<32x128xi32, #tpu.memory_space<vmem>> -> memref<1x128xi32, #tpu.memory_space<vmem>>
      %dma_start3A_105 = tpu.memref_squeeze %dma_start3A_104 : memref<1x128xi32, #tpu.memory_space<vmem>> -> memref<128xi32, #tpu.memory_space<vmem>>
      %dma_start3A_106 = arith.constant 0 : i32
      %dma_start3A_107 = arith.constant 0 : i32
      %dma_start3A_108 = tpu.memref_slice %arg2[%dma_start3A_106, %dma_start3A_107] : memref<10240x128xf32, #tpu.memory_space<hbm>> -> memref<10240x128xf32, #tpu.memory_space<hbm>>
      tpu.enqueue_indirect_dma source(%dma_start3A_108 : memref<10240x128xf32, #tpu.memory_space<hbm>>) target(%dma_start3A_102 : memref<128x128xf32, #tpu.memory_space<vmem>>) offsets(%dma_start3A_105 : memref<128xi32, #tpu.memory_space<vmem>>) semaphore(%arg10 : memref<!tpu.dma_semaphore, #tpu.memory_space<semaphore_mem>>)
      %dma_wait3A = arith.constant 0 : i32
      %dma_wait3A_109 = arith.constant 0 : i32
      %dma_wait3A_110 = tpu.memref_slice %arg8[%while3A_67, %dma_wait3A, %dma_wait3A_109] : memref<2x128x128xf32, #tpu.memory_space<vmem>> -> memref<1x128x128xf32, #tpu.memory_space<vmem>>
      %dma_wait3A_111 = tpu.memref_squeeze %dma_wait3A_110 : memref<1x128x128xf32, #tpu.memory_space<vmem>> -> memref<128x128xf32, #tpu.memory_space<vmem>>
      %dma_wait3A_112 = arith.constant 0 : i32
      %dma_wait3A_113 = tpu.memref_slice %arg6[%while3A_99, %dma_wait3A_112] : memref<32x128xi32, #tpu.memory_space<vmem>> -> memref<1x128xi32, #tpu.memory_space<vmem>>
      %dma_wait3A_114 = tpu.memref_squeeze %dma_wait3A_113 : memref<1x128xi32, #tpu.memory_space<vmem>> -> memref<128xi32, #tpu.memory_space<vmem>>
      %dma_wait3A_115 = arith.constant 0 : i32
      %dma_wait3A_116 = arith.constant 0 : i32
      %dma_wait3A_117 = tpu.memref_slice %arg2[%dma_wait3A_115, %dma_wait3A_116] : memref<10240x128xf32, #tpu.memory_space<hbm>> -> memref<10240x128xf32, #tpu.memory_space<hbm>>
      tpu.wait_indirect_dma semaphore(%arg10 : memref<!tpu.dma_semaphore, #tpu.memory_space<semaphore_mem>>) src(%dma_wait3A_117 : memref<10240x128xf32, #tpu.memory_space<hbm>>) dst(%dma_wait3A_111 : memref<128x128xf32, #tpu.memory_space<vmem>>)
      "tpu.region"() ({
        %run_scoped3A_118 = tpu.sem_alloc : memref<!tpu.dma_semaphore, #tpu.memory_space<semaphore_mem>>
        %dma_start3A_119 = arith.constant 0 : i32
        %dma_start3A_120 = arith.constant 0 : i32
        %dma_start3A_121 = tpu.memref_slice %arg8[%while3A_67, %dma_start3A_119, %dma_start3A_120] : memref<2x128x128xf32, #tpu.memory_space<vmem>> -> memref<1x128x128xf32, #tpu.memory_space<vmem>>
        %dma_start3A_122 = tpu.memref_squeeze %dma_start3A_121 : memref<1x128x128xf32, #tpu.memory_space<vmem>> -> memref<128x128xf32, #tpu.memory_space<vmem>>
        %dma_start3A_123 = arith.constant 0 : i32
        %dma_start3A_124 = tpu.memref_slice %arg7[%while3A_99, %dma_start3A_123] : memref<32x128xi32, #tpu.memory_space<vmem>> -> memref<1x128xi32, #tpu.memory_space<vmem>>
        %dma_start3A_125 = tpu.memref_squeeze %dma_start3A_124 : memref<1x128xi32, #tpu.memory_space<vmem>> -> memref<128xi32, #tpu.memory_space<vmem>>
        %dma_start3A_126 = arith.constant 0 : i32
        %dma_start3A_127 = arith.constant 0 : i32
        %dma_start3A_128 = tpu.memref_slice %arg9[%dma_start3A_126, %dma_start3A_127] : memref<10240x128xf32, #tpu.memory_space<vmem_shared>> -> memref<10240x128xf32, #tpu.memory_space<vmem_shared>>
        tpu.enqueue_indirect_dma source(%dma_start3A_122 : memref<128x128xf32, #tpu.memory_space<vmem>>) target(%dma_start3A_128 : memref<10240x128xf32, #tpu.memory_space<vmem_shared>>) offsets(%dma_start3A_125 : memref<128xi32, #tpu.memory_space<vmem>>) semaphore(%run_scoped3A_118 : memref<!tpu.dma_semaphore, #tpu.memory_space<semaphore_mem>>) {add = true}
        %dma_wait3A_129 = arith.constant 0 : i32
        %dma_wait3A_130 = arith.constant 0 : i32
        %dma_wait3A_131 = tpu.memref_slice %arg8[%while3A_67, %dma_wait3A_129, %dma_wait3A_130] : memref<2x128x128xf32, #tpu.memory_space<vmem>> -> memref<1x128x128xf32, #tpu.memory_space<vmem>>
        %dma_wait3A_132 = tpu.memref_squeeze %dma_wait3A_131 : memref<1x128x128xf32, #tpu.memory_space<vmem>> -> memref<128x128xf32, #tpu.memory_space<vmem>>
        %dma_wait3A_133 = arith.constant 0 : i32
        %dma_wait3A_134 = tpu.memref_slice %arg7[%while3A_99, %dma_wait3A_133] : memref<32x128xi32, #tpu.memory_space<vmem>> -> memref<1x128xi32, #tpu.memory_space<vmem>>
        %dma_wait3A_135 = tpu.memref_squeeze %dma_wait3A_134 : memref<1x128xi32, #tpu.memory_space<vmem>> -> memref<128xi32, #tpu.memory_space<vmem>>
        %dma_wait3A_136 = arith.constant 0 : i32
        %dma_wait3A_137 = arith.constant 0 : i32
        %dma_wait3A_138 = tpu.memref_slice %arg9[%dma_wait3A_136, %dma_wait3A_137] : memref<10240x128xf32, #tpu.memory_space<vmem_shared>> -> memref<10240x128xf32, #tpu.memory_space<vmem_shared>>
        tpu.wait_indirect_dma semaphore(%run_scoped3A_118 : memref<!tpu.dma_semaphore, #tpu.memory_space<semaphore_mem>>) src(%dma_wait3A_132 : memref<128x128xf32, #tpu.memory_space<vmem>>) dst(%dma_wait3A_138 : memref<10240x128xf32, #tpu.memory_space<vmem_shared>>)
        tpu.yield
      }) : () -> ()
    }
    "tpu.region"() ({
      %run_scoped3A_99 = tpu.sem_alloc : memref<!tpu.dma_semaphore, #tpu.memory_space<semaphore_mem>>
      %dma_start3A = arith.constant 0 : i32
      %dma_start3A_100 = arith.constant 0 : i32
      %dma_start3A_101 = tpu.memref_slice %arg6[%dma_start3A, %dma_start3A_100] : memref<32x128xi32, #tpu.memory_space<vmem>> -> memref<32x128xi32, #tpu.memory_space<vmem>>
      %dma_start3A_102 = arith.constant 96 : i32
      %dma_start3A_103 = arith.constant 0 : i32
      %dma_start3A_104 = tpu.memref_slice %arg3[%arg0, %arg1, %dma_start3A_102, %dma_start3A_103] : memref<2x16x128x128xi32, #tpu.memory_space<hbm>> -> memref<1x1x32x128xi32, #tpu.memory_space<hbm>>
      %dma_start3A_105 = tpu.memref_squeeze %dma_start3A_104 : memref<1x1x32x128xi32, #tpu.memory_space<hbm>> -> memref<32x128xi32, #tpu.memory_space<hbm>>
      %dma_start3A_106 = arith.constant 0 : i32
      %dma_start3A_107 = arith.constant 0 : i32
      %dma_start3A_108 = tpu.memref_slice %arg6[%dma_start3A_106, %dma_start3A_107] : memref<32x128xi32, #tpu.memory_space<vmem>> -> memref<32x128xi32, #tpu.memory_space<vmem>>
      %dma_start3A_109 = arith.constant 96 : i32
      %dma_start3A_110 = arith.constant 0 : i32
      %dma_start3A_111 = tpu.memref_slice %arg3[%arg0, %arg1, %dma_start3A_109, %dma_start3A_110] : memref<2x16x128x128xi32, #tpu.memory_space<hbm>> -> memref<1x1x32x128xi32, #tpu.memory_space<hbm>>
      %dma_start3A_112 = tpu.memref_squeeze %dma_start3A_111 : memref<1x1x32x128xi32, #tpu.memory_space<hbm>> -> memref<32x128xi32, #tpu.memory_space<hbm>>
      tpu.enqueue_dma source(%dma_start3A_112 : memref<32x128xi32, #tpu.memory_space<hbm>>) target(%dma_start3A_108 : memref<32x128xi32, #tpu.memory_space<vmem>>) target_semaphore(%run_scoped3A_99 : memref<!tpu.dma_semaphore, #tpu.memory_space<semaphore_mem>>)
      %dma_wait3A = arith.constant 0 : i32
      %dma_wait3A_113 = arith.constant 0 : i32
      %dma_wait3A_114 = tpu.memref_slice %arg6[%dma_wait3A, %dma_wait3A_113] : memref<32x128xi32, #tpu.memory_space<vmem>> -> memref<32x128xi32, #tpu.memory_space<vmem>>
      %dma_wait3A_115 = arith.constant 96 : i32
      %dma_wait3A_116 = arith.constant 0 : i32
      %dma_wait3A_117 = tpu.memref_slice %arg3[%arg0, %arg1, %dma_wait3A_115, %dma_wait3A_116] : memref<2x16x128x128xi32, #tpu.memory_space<hbm>> -> memref<1x1x32x128xi32, #tpu.memory_space<hbm>>
      %dma_wait3A_118 = tpu.memref_squeeze %dma_wait3A_117 : memref<1x1x32x128xi32, #tpu.memory_space<hbm>> -> memref<32x128xi32, #tpu.memory_space<hbm>>
      %dma_wait3A_119 = arith.constant 0 : i32
      %dma_wait3A_120 = arith.constant 0 : i32
      %dma_wait3A_121 = tpu.memref_slice %arg6[%dma_wait3A_119, %dma_wait3A_120] : memref<32x128xi32, #tpu.memory_space<vmem>> -> memref<32x128xi32, #tpu.memory_space<vmem>>
      %dma_wait3A_122 = arith.constant 96 : i32
      %dma_wait3A_123 = arith.constant 0 : i32
      %dma_wait3A_124 = tpu.memref_slice %arg3[%arg0, %arg1, %dma_wait3A_122, %dma_wait3A_123] : memref<2x16x128x128xi32, #tpu.memory_space<hbm>> -> memref<1x1x32x128xi32, #tpu.memory_space<hbm>>
      %dma_wait3A_125 = tpu.memref_squeeze %dma_wait3A_124 : memref<1x1x32x128xi32, #tpu.memory_space<hbm>> -> memref<32x128xi32, #tpu.memory_space<hbm>>
      tpu.wait_dma2 semaphore(%run_scoped3A_99 : memref<!tpu.dma_semaphore, #tpu.memory_space<semaphore_mem>>) src(%dma_wait3A_125 : memref<32x128xi32, #tpu.memory_space<hbm>>) dst(%dma_wait3A_121 : memref<32x128xi32, #tpu.memory_space<vmem>>)
      tpu.yield
    }) : () -> ()
    "tpu.region"() ({
      %run_scoped3A_99 = tpu.sem_alloc : memref<!tpu.dma_semaphore, #tpu.memory_space<semaphore_mem>>
      %dma_start3A = arith.constant 0 : i32
      %dma_start3A_100 = arith.constant 0 : i32
      %dma_start3A_101 = tpu.memref_slice %arg7[%dma_start3A, %dma_start3A_100] : memref<32x128xi32, #tpu.memory_space<vmem>> -> memref<32x128xi32, #tpu.memory_space<vmem>>
      %dma_start3A_102 = arith.constant 96 : i32
      %dma_start3A_103 = arith.constant 0 : i32
      %dma_start3A_104 = tpu.memref_slice %arg4[%arg0, %arg1, %dma_start3A_102, %dma_start3A_103] : memref<2x16x128x128xi32, #tpu.memory_space<hbm>> -> memref<1x1x32x128xi32, #tpu.memory_space<hbm>>
      %dma_start3A_105 = tpu.memref_squeeze %dma_start3A_104 : memref<1x1x32x128xi32, #tpu.memory_space<hbm>> -> memref<32x128xi32, #tpu.memory_space<hbm>>
      %dma_start3A_106 = arith.constant 0 : i32
      %dma_start3A_107 = arith.constant 0 : i32
      %dma_start3A_108 = tpu.memref_slice %arg7[%dma_start3A_106, %dma_start3A_107] : memref<32x128xi32, #tpu.memory_space<vmem>> -> memref<32x128xi32, #tpu.memory_space<vmem>>
      %dma_start3A_109 = arith.constant 96 : i32
      %dma_start3A_110 = arith.constant 0 : i32
      %dma_start3A_111 = tpu.memref_slice %arg4[%arg0, %arg1, %dma_start3A_109, %dma_start3A_110] : memref<2x16x128x128xi32, #tpu.memory_space<hbm>> -> memref<1x1x32x128xi32, #tpu.memory_space<hbm>>
      %dma_start3A_112 = tpu.memref_squeeze %dma_start3A_111 : memref<1x1x32x128xi32, #tpu.memory_space<hbm>> -> memref<32x128xi32, #tpu.memory_space<hbm>>
      tpu.enqueue_dma source(%dma_start3A_112 : memref<32x128xi32, #tpu.memory_space<hbm>>) target(%dma_start3A_108 : memref<32x128xi32, #tpu.memory_space<vmem>>) target_semaphore(%run_scoped3A_99 : memref<!tpu.dma_semaphore, #tpu.memory_space<semaphore_mem>>)
      %dma_wait3A = arith.constant 0 : i32
      %dma_wait3A_113 = arith.constant 0 : i32
      %dma_wait3A_114 = tpu.memref_slice %arg7[%dma_wait3A, %dma_wait3A_113] : memref<32x128xi32, #tpu.memory_space<vmem>> -> memref<32x128xi32, #tpu.memory_space<vmem>>
      %dma_wait3A_115 = arith.constant 96 : i32
      %dma_wait3A_116 = arith.constant 0 : i32
      %dma_wait3A_117 = tpu.memref_slice %arg4[%arg0, %arg1, %dma_wait3A_115, %dma_wait3A_116] : memref<2x16x128x128xi32, #tpu.memory_space<hbm>> -> memref<1x1x32x128xi32, #tpu.memory_space<hbm>>
      %dma_wait3A_118 = tpu.memref_squeeze %dma_wait3A_117 : memref<1x1x32x128xi32, #tpu.memory_space<hbm>> -> memref<32x128xi32, #tpu.memory_space<hbm>>
      %dma_wait3A_119 = arith.constant 0 : i32
      %dma_wait3A_120 = arith.constant 0 : i32
      %dma_wait3A_121 = tpu.memref_slice %arg7[%dma_wait3A_119, %dma_wait3A_120] : memref<32x128xi32, #tpu.memory_space<vmem>> -> memref<32x128xi32, #tpu.memory_space<vmem>>
      %dma_wait3A_122 = arith.constant 96 : i32
      %dma_wait3A_123 = arith.constant 0 : i32
      %dma_wait3A_124 = tpu.memref_slice %arg4[%arg0, %arg1, %dma_wait3A_122, %dma_wait3A_123] : memref<2x16x128x128xi32, #tpu.memory_space<hbm>> -> memref<1x1x32x128xi32, #tpu.memory_space<hbm>>
      %dma_wait3A_125 = tpu.memref_squeeze %dma_wait3A_124 : memref<1x1x32x128xi32, #tpu.memory_space<hbm>> -> memref<32x128xi32, #tpu.memory_space<hbm>>
      tpu.wait_dma2 semaphore(%run_scoped3A_99 : memref<!tpu.dma_semaphore, #tpu.memory_space<semaphore_mem>>) src(%dma_wait3A_125 : memref<32x128xi32, #tpu.memory_space<hbm>>) dst(%dma_wait3A_121 : memref<32x128xi32, #tpu.memory_space<vmem>>)
      tpu.yield
    }) : () -> ()
    %sub3A_77 = arith.constant 96 : i32
    %sub3A_78 = arith.subi %select_n3A, %sub3A_77 : i32
    %jit3A_79 = arith.constant 0 : i32
    %jit3A_80 = arith.constant 32 : i32
    %max3A_81 = arith.maxsi %jit3A_79, %sub3A_78 : i32
    %min3A_82 = arith.minsi %jit3A_80, %max3A_81 : i32
    %while3A_83 = arith.constant 0 : i32
    %while3A_84 = arith.constant 0 : i32
    %while3A_85 = arith.constant 0 : i32
    %while3A_86 = arith.subi %min3A_82, %while3A_85 : i32
    %while3A_87 = arith.addi %while3A_85, %while3A_86 : i32
    %while3A_88 = arith.constant 1 : i32
    %while3A_89 = arith.divsi %while3A_86, %while3A_88 : i32
    %while3A_90 = arith.muli %while3A_89, %while3A_88 : i32
    %while3A_91 = arith.addi %while3A_85, %while3A_90 : i32
    %while3A_92 = arith.constant 1 : i32
    scf.for %while3A_99 = %while3A_85 to %while3A_91 step %while3A_92  : i32 {
      %dma_start3A = arith.constant 0 : i32
      %dma_start3A_100 = arith.constant 0 : i32
      %dma_start3A_101 = tpu.memref_slice %arg8[%while3A_84, %dma_start3A, %dma_start3A_100] : memref<2x128x128xf32, #tpu.memory_space<vmem>> -> memref<1x128x128xf32, #tpu.memory_space<vmem>>
      %dma_start3A_102 = tpu.memref_squeeze %dma_start3A_101 : memref<1x128x128xf32, #tpu.memory_space<vmem>> -> memref<128x128xf32, #tpu.memory_space<vmem>>
      %dma_start3A_103 = arith.constant 0 : i32
      %dma_start3A_104 = tpu.memref_slice %arg6[%while3A_99, %dma_start3A_103] : memref<32x128xi32, #tpu.memory_space<vmem>> -> memref<1x128xi32, #tpu.memory_space<vmem>>
      %dma_start3A_105 = tpu.memref_squeeze %dma_start3A_104 : memref<1x128xi32, #tpu.memory_space<vmem>> -> memref<128xi32, #tpu.memory_space<vmem>>
      %dma_start3A_106 = arith.constant 0 : i32
      %dma_start3A_107 = arith.constant 0 : i32
      %dma_start3A_108 = tpu.memref_slice %arg2[%dma_start3A_106, %dma_start3A_107] : memref<10240x128xf32, #tpu.memory_space<hbm>> -> memref<10240x128xf32, #tpu.memory_space<hbm>>
      tpu.enqueue_indirect_dma source(%dma_start3A_108 : memref<10240x128xf32, #tpu.memory_space<hbm>>) target(%dma_start3A_102 : memref<128x128xf32, #tpu.memory_space<vmem>>) offsets(%dma_start3A_105 : memref<128xi32, #tpu.memory_space<vmem>>) semaphore(%arg10 : memref<!tpu.dma_semaphore, #tpu.memory_space<semaphore_mem>>)
      %dma_wait3A = arith.constant 0 : i32
      %dma_wait3A_109 = arith.constant 0 : i32
      %dma_wait3A_110 = tpu.memref_slice %arg8[%while3A_84, %dma_wait3A, %dma_wait3A_109] : memref<2x128x128xf32, #tpu.memory_space<vmem>> -> memref<1x128x128xf32, #tpu.memory_space<vmem>>
      %dma_wait3A_111 = tpu.memref_squeeze %dma_wait3A_110 : memref<1x128x128xf32, #tpu.memory_space<vmem>> -> memref<128x128xf32, #tpu.memory_space<vmem>>
      %dma_wait3A_112 = arith.constant 0 : i32
      %dma_wait3A_113 = tpu.memref_slice %arg6[%while3A_99, %dma_wait3A_112] : memref<32x128xi32, #tpu.memory_space<vmem>> -> memref<1x128xi32, #tpu.memory_space<vmem>>
      %dma_wait3A_114 = tpu.memref_squeeze %dma_wait3A_113 : memref<1x128xi32, #tpu.memory_space<vmem>> -> memref<128xi32, #tpu.memory_space<vmem>>
      %dma_wait3A_115 = arith.constant 0 : i32
      %dma_wait3A_116 = arith.constant 0 : i32
      %dma_wait3A_117 = tpu.memref_slice %arg2[%dma_wait3A_115, %dma_wait3A_116] : memref<10240x128xf32, #tpu.memory_space<hbm>> -> memref<10240x128xf32, #tpu.memory_space<hbm>>
      tpu.wait_indirect_dma semaphore(%arg10 : memref<!tpu.dma_semaphore, #tpu.memory_space<semaphore_mem>>) src(%dma_wait3A_117 : memref<10240x128xf32, #tpu.memory_space<hbm>>) dst(%dma_wait3A_111 : memref<128x128xf32, #tpu.memory_space<vmem>>)
      "tpu.region"() ({
        %run_scoped3A_118 = tpu.sem_alloc : memref<!tpu.dma_semaphore, #tpu.memory_space<semaphore_mem>>
        %dma_start3A_119 = arith.constant 0 : i32
        %dma_start3A_120 = arith.constant 0 : i32
        %dma_start3A_121 = tpu.memref_slice %arg8[%while3A_84, %dma_start3A_119, %dma_start3A_120] : memref<2x128x128xf32, #tpu.memory_space<vmem>> -> memref<1x128x128xf32, #tpu.memory_space<vmem>>
        %dma_start3A_122 = tpu.memref_squeeze %dma_start3A_121 : memref<1x128x128xf32, #tpu.memory_space<vmem>> -> memref<128x128xf32, #tpu.memory_space<vmem>>
        %dma_start3A_123 = arith.constant 0 : i32
        %dma_start3A_124 = tpu.memref_slice %arg7[%while3A_99, %dma_start3A_123] : memref<32x128xi32, #tpu.memory_space<vmem>> -> memref<1x128xi32, #tpu.memory_space<vmem>>
        %dma_start3A_125 = tpu.memref_squeeze %dma_start3A_124 : memref<1x128xi32, #tpu.memory_space<vmem>> -> memref<128xi32, #tpu.memory_space<vmem>>
        %dma_start3A_126 = arith.constant 0 : i32
        %dma_start3A_127 = arith.constant 0 : i32
        %dma_start3A_128 = tpu.memref_slice %arg9[%dma_start3A_126, %dma_start3A_127] : memref<10240x128xf32, #tpu.memory_space<vmem_shared>> -> memref<10240x128xf32, #tpu.memory_space<vmem_shared>>
        tpu.enqueue_indirect_dma source(%dma_start3A_122 : memref<128x128xf32, #tpu.memory_space<vmem>>) target(%dma_start3A_128 : memref<10240x128xf32, #tpu.memory_space<vmem_shared>>) offsets(%dma_start3A_125 : memref<128xi32, #tpu.memory_space<vmem>>) semaphore(%run_scoped3A_118 : memref<!tpu.dma_semaphore, #tpu.memory_space<semaphore_mem>>) {add = true}
        %dma_wait3A_129 = arith.constant 0 : i32
        %dma_wait3A_130 = arith.constant 0 : i32
        %dma_wait3A_131 = tpu.memref_slice %arg8[%while3A_84, %dma_wait3A_129, %dma_wait3A_130] : memref<2x128x128xf32, #tpu.memory_space<vmem>> -> memref<1x128x128xf32, #tpu.memory_space<vmem>>
        %dma_wait3A_132 = tpu.memref_squeeze %dma_wait3A_131 : memref<1x128x128xf32, #tpu.memory_space<vmem>> -> memref<128x128xf32, #tpu.memory_space<vmem>>
        %dma_wait3A_133 = arith.constant 0 : i32
        %dma_wait3A_134 = tpu.memref_slice %arg7[%while3A_99, %dma_wait3A_133] : memref<32x128xi32, #tpu.memory_space<vmem>> -> memref<1x128xi32, #tpu.memory_space<vmem>>
        %dma_wait3A_135 = tpu.memref_squeeze %dma_wait3A_134 : memref<1x128xi32, #tpu.memory_space<vmem>> -> memref<128xi32, #tpu.memory_space<vmem>>
        %dma_wait3A_136 = arith.constant 0 : i32
        %dma_wait3A_137 = arith.constant 0 : i32
        %dma_wait3A_138 = tpu.memref_slice %arg9[%dma_wait3A_136, %dma_wait3A_137] : memref<10240x128xf32, #tpu.memory_space<vmem_shared>> -> memref<10240x128xf32, #tpu.memory_space<vmem_shared>>
        tpu.wait_indirect_dma semaphore(%run_scoped3A_118 : memref<!tpu.dma_semaphore, #tpu.memory_space<semaphore_mem>>) src(%dma_wait3A_132 : memref<128x128xf32, #tpu.memory_space<vmem>>) dst(%dma_wait3A_138 : memref<10240x128xf32, #tpu.memory_space<vmem_shared>>)
        tpu.yield
      }) : () -> ()
    }
    %while3A_93 = arith.constant 1 : i32
    scf.for %while3A_99 = %while3A_91 to %while3A_87 step %while3A_93  : i32 {
      %dma_start3A = arith.constant 0 : i32
      %dma_start3A_100 = arith.constant 0 : i32
      %dma_start3A_101 = tpu.memref_slice %arg8[%while3A_84, %dma_start3A, %dma_start3A_100] : memref<2x128x128xf32, #tpu.memory_space<vmem>> -> memref<1x128x128xf32, #tpu.memory_space<vmem>>
      %dma_start3A_102 = tpu.memref_squeeze %dma_start3A_101 : memref<1x128x128xf32, #tpu.memory_space<vmem>> -> memref<128x128xf32, #tpu.memory_space<vmem>>
      %dma_start3A_103 = arith.constant 0 : i32
      %dma_start3A_104 = tpu.memref_slice %arg6[%while3A_99, %dma_start3A_103] : memref<32x128xi32, #tpu.memory_space<vmem>> -> memref<1x128xi32, #tpu.memory_space<vmem>>
      %dma_start3A_105 = tpu.memref_squeeze %dma_start3A_104 : memref<1x128xi32, #tpu.memory_space<vmem>> -> memref<128xi32, #tpu.memory_space<vmem>>
      %dma_start3A_106 = arith.constant 0 : i32
      %dma_start3A_107 = arith.constant 0 : i32
      %dma_start3A_108 = tpu.memref_slice %arg2[%dma_start3A_106, %dma_start3A_107] : memref<10240x128xf32, #tpu.memory_space<hbm>> -> memref<10240x128xf32, #tpu.memory_space<hbm>>
      tpu.enqueue_indirect_dma source(%dma_start3A_108 : memref<10240x128xf32, #tpu.memory_space<hbm>>) target(%dma_start3A_102 : memref<128x128xf32, #tpu.memory_space<vmem>>) offsets(%dma_start3A_105 : memref<128xi32, #tpu.memory_space<vmem>>) semaphore(%arg10 : memref<!tpu.dma_semaphore, #tpu.memory_space<semaphore_mem>>)
      %dma_wait3A = arith.constant 0 : i32
      %dma_wait3A_109 = arith.constant 0 : i32
      %dma_wait3A_110 = tpu.memref_slice %arg8[%while3A_84, %dma_wait3A, %dma_wait3A_109] : memref<2x128x128xf32, #tpu.memory_space<vmem>> -> memref<1x128x128xf32, #tpu.memory_space<vmem>>
      %dma_wait3A_111 = tpu.memref_squeeze %dma_wait3A_110 : memref<1x128x128xf32, #tpu.memory_space<vmem>> -> memref<128x128xf32, #tpu.memory_space<vmem>>
      %dma_wait3A_112 = arith.constant 0 : i32
      %dma_wait3A_113 = tpu.memref_slice %arg6[%while3A_99, %dma_wait3A_112] : memref<32x128xi32, #tpu.memory_space<vmem>> -> memref<1x128xi32, #tpu.memory_space<vmem>>
      %dma_wait3A_114 = tpu.memref_squeeze %dma_wait3A_113 : memref<1x128xi32, #tpu.memory_space<vmem>> -> memref<128xi32, #tpu.memory_space<vmem>>
      %dma_wait3A_115 = arith.constant 0 : i32
      %dma_wait3A_116 = arith.constant 0 : i32
      %dma_wait3A_117 = tpu.memref_slice %arg2[%dma_wait3A_115, %dma_wait3A_116] : memref<10240x128xf32, #tpu.memory_space<hbm>> -> memref<10240x128xf32, #tpu.memory_space<hbm>>
      tpu.wait_indirect_dma semaphore(%arg10 : memref<!tpu.dma_semaphore, #tpu.memory_space<semaphore_mem>>) src(%dma_wait3A_117 : memref<10240x128xf32, #tpu.memory_space<hbm>>) dst(%dma_wait3A_111 : memref<128x128xf32, #tpu.memory_space<vmem>>)
      "tpu.region"() ({
        %run_scoped3A_118 = tpu.sem_alloc : memref<!tpu.dma_semaphore, #tpu.memory_space<semaphore_mem>>
        %dma_start3A_119 = arith.constant 0 : i32
        %dma_start3A_120 = arith.constant 0 : i32
        %dma_start3A_121 = tpu.memref_slice %arg8[%while3A_84, %dma_start3A_119, %dma_start3A_120] : memref<2x128x128xf32, #tpu.memory_space<vmem>> -> memref<1x128x128xf32, #tpu.memory_space<vmem>>
        %dma_start3A_122 = tpu.memref_squeeze %dma_start3A_121 : memref<1x128x128xf32, #tpu.memory_space<vmem>> -> memref<128x128xf32, #tpu.memory_space<vmem>>
        %dma_start3A_123 = arith.constant 0 : i32
        %dma_start3A_124 = tpu.memref_slice %arg7[%while3A_99, %dma_start3A_123] : memref<32x128xi32, #tpu.memory_space<vmem>> -> memref<1x128xi32, #tpu.memory_space<vmem>>
        %dma_start3A_125 = tpu.memref_squeeze %dma_start3A_124 : memref<1x128xi32, #tpu.memory_space<vmem>> -> memref<128xi32, #tpu.memory_space<vmem>>
        %dma_start3A_126 = arith.constant 0 : i32
        %dma_start3A_127 = arith.constant 0 : i32
        %dma_start3A_128 = tpu.memref_slice %arg9[%dma_start3A_126, %dma_start3A_127] : memref<10240x128xf32, #tpu.memory_space<vmem_shared>> -> memref<10240x128xf32, #tpu.memory_space<vmem_shared>>
        tpu.enqueue_indirect_dma source(%dma_start3A_122 : memref<128x128xf32, #tpu.memory_space<vmem>>) target(%dma_start3A_128 : memref<10240x128xf32, #tpu.memory_space<vmem_shared>>) offsets(%dma_start3A_125 : memref<128xi32, #tpu.memory_space<vmem>>) semaphore(%run_scoped3A_118 : memref<!tpu.dma_semaphore, #tpu.memory_space<semaphore_mem>>) {add = true}
        %dma_wait3A_129 = arith.constant 0 : i32
        %dma_wait3A_130 = arith.constant 0 : i32
        %dma_wait3A_131 = tpu.memref_slice %arg8[%while3A_84, %dma_wait3A_129, %dma_wait3A_130] : memref<2x128x128xf32, #tpu.memory_space<vmem>> -> memref<1x128x128xf32, #tpu.memory_space<vmem>>
        %dma_wait3A_132 = tpu.memref_squeeze %dma_wait3A_131 : memref<1x128x128xf32, #tpu.memory_space<vmem>> -> memref<128x128xf32, #tpu.memory_space<vmem>>
        %dma_wait3A_133 = arith.constant 0 : i32
        %dma_wait3A_134 = tpu.memref_slice %arg7[%while3A_99, %dma_wait3A_133] : memref<32x128xi32, #tpu.memory_space<vmem>> -> memref<1x128xi32, #tpu.memory_space<vmem>>
        %dma_wait3A_135 = tpu.memref_squeeze %dma_wait3A_134 : memref<1x128xi32, #tpu.memory_space<vmem>> -> memref<128xi32, #tpu.memory_space<vmem>>
        %dma_wait3A_136 = arith.constant 0 : i32
        %dma_wait3A_137 = arith.constant 0 : i32
        %dma_wait3A_138 = tpu.memref_slice %arg9[%dma_wait3A_136, %dma_wait3A_137] : memref<10240x128xf32, #tpu.memory_space<vmem_shared>> -> memref<10240x128xf32, #tpu.memory_space<vmem_shared>>
        tpu.wait_indirect_dma semaphore(%run_scoped3A_118 : memref<!tpu.dma_semaphore, #tpu.memory_space<semaphore_mem>>) src(%dma_wait3A_132 : memref<128x128xf32, #tpu.memory_space<vmem>>) dst(%dma_wait3A_138 : memref<10240x128xf32, #tpu.memory_space<vmem_shared>>)
        tpu.yield
      }) : () -> ()
    }
    %barrier3A_94 = arith.constant 0 : index
    tpu.barrier barrier_id(%barrier3A_94)
    %mul3A_95 = arith.constant 640 : i32
    %mul3A_96 = arith.muli %arg1, %mul3A_95 : i32
    %mul3A_97 = arith.constant 640 : i32
    %mul3A_98 = arith.muli %arg1, %mul3A_97 : i32
    "tpu.region"() ({
      %run_scoped3A_99 = tpu.sem_alloc : memref<!tpu.dma_semaphore, #tpu.memory_space<semaphore_mem>>
      %dma_start3A = arith.constant 0 : i32
      %dma_start3A_100 = tpu.memref_slice %arg5[%arg0, %mul3A_98, %dma_start3A] : memref<2x10240x128xf32, #tpu.memory_space<hbm>> -> memref<1x640x128xf32, #tpu.memory_space<hbm>>
      %dma_start3A_101 = tpu.memref_squeeze %dma_start3A_100 : memref<1x640x128xf32, #tpu.memory_space<hbm>> -> memref<640x128xf32, #tpu.memory_space<hbm>>
      %dma_start3A_102 = arith.constant 0 : i32
      %dma_start3A_103 = tpu.memref_slice %arg9[%mul3A_96, %dma_start3A_102] : memref<10240x128xf32, #tpu.memory_space<vmem_shared>> -> memref<640x128xf32, #tpu.memory_space<vmem_shared>>
      tpu.enqueue_dma source(%dma_start3A_103 : memref<640x128xf32, #tpu.memory_space<vmem_shared>>) target(%dma_start3A_101 : memref<640x128xf32, #tpu.memory_space<hbm>>) target_semaphore(%run_scoped3A_99 : memref<!tpu.dma_semaphore, #tpu.memory_space<semaphore_mem>>)
      %dma_wait3A = arith.constant 0 : i32
      %dma_wait3A_104 = tpu.memref_slice %arg5[%arg0, %mul3A_98, %dma_wait3A] : memref<2x10240x128xf32, #tpu.memory_space<hbm>> -> memref<1x640x128xf32, #tpu.memory_space<hbm>>
      %dma_wait3A_105 = tpu.memref_squeeze %dma_wait3A_104 : memref<1x640x128xf32, #tpu.memory_space<hbm>> -> memref<640x128xf32, #tpu.memory_space<hbm>>
      %dma_wait3A_106 = arith.constant 0 : i32
      %dma_wait3A_107 = tpu.memref_slice %arg9[%mul3A_96, %dma_wait3A_106] : memref<10240x128xf32, #tpu.memory_space<vmem_shared>> -> memref<640x128xf32, #tpu.memory_space<vmem_shared>>
      tpu.wait_dma2 semaphore(%run_scoped3A_99 : memref<!tpu.dma_semaphore, #tpu.memory_space<semaphore_mem>>) src(%dma_wait3A_107 : memref<640x128xf32, #tpu.memory_space<vmem_shared>>) dst(%dma_wait3A_105 : memref<640x128xf32, #tpu.memory_space<hbm>>)
      tpu.yield
    }) : () -> ()
    return
  }
}

module attributes {stable_mosaic.version = 14 : i64} {
  func.func @body(%arg0: i32, %arg1: memref<2x512x128xf32, #tpu.memory_space<vmem>>, %arg2: memref<2x512x16xf32, #tpu.memory_space<vmem>>, %arg3: memref<512x128xf32, #tpu.memory_space<vmem>>, %arg4: memref<128x128xf32, #tpu.memory_space<vmem>>, %arg5: memref<1x128xf32, #tpu.memory_space<vmem>>, %arg6: memref<128x128xf32, #tpu.memory_space<vmem>>, %arg7: memref<512x128xf32, #tpu.memory_space<vmem>>, %arg8: memref<512x1xf32, #tpu.memory_space<vmem>>) attributes {dimension_semantics = [#tpu.dimension_semantics<arbitrary>], iteration_bounds = array<i64: 20>, scalar_prefetch = 0 : i64, scratch_operands = 0 : i64, tpu.core_type = #tpu.core_type<tc>, window_params = [{transform_indices = @transform_0, window_bounds = array<i64: 2, 512, 128>}, {transform_indices = @transform_1, window_bounds = array<i64: 2, 512, 16>}, {transform_indices = @transform_2, window_bounds = array<i64: 512, 128>}, {pipeline_mode = #tpu.pipeline_mode<synchronous>, transform_indices = @transform_3, window_bounds = array<i64: 128, 128>}, {pipeline_mode = #tpu.pipeline_mode<synchronous>, transform_indices = @transform_4, window_bounds = array<i64: 1, 128>}, {pipeline_mode = #tpu.pipeline_mode<synchronous>, transform_indices = @transform_5, window_bounds = array<i64: 128, 128>}, {transform_indices = @transform_6, window_bounds = array<i64: 512, 128>}, {transform_indices = @transform_7, window_bounds = array<i64: 512, 1>}]} {
    %get3A = arith.constant 0 : index
    %get3A_0 = arith.constant 0 : index
    %get3A_1 = arith.constant 0 : index
    %get3A_2 = vector.load %arg1[%get3A, %get3A_0, %get3A_1] : memref<2x512x128xf32, #tpu.memory_space<vmem>>, vector<1x512x128xf32>
    %get3A_3 = vector.shape_cast %get3A_2 : vector<1x512x128xf32> to vector<512x128xf32>
    %get3A_4 = arith.constant 1 : index
    %get3A_5 = arith.constant 0 : index
    %get3A_6 = arith.constant 0 : index
    %get3A_7 = vector.load %arg1[%get3A_4, %get3A_5, %get3A_6] : memref<2x512x128xf32, #tpu.memory_space<vmem>>, vector<1x512x128xf32>
    %get3A_8 = vector.shape_cast %get3A_7 : vector<1x512x128xf32> to vector<512x128xf32>
    %add3A = arith.addf %get3A_3, %get3A_8 : vector<512x128xf32>
    %get3A_9 = arith.constant 0 : index
    %get3A_10 = arith.constant 0 : index
    %get3A_11 = arith.constant 0 : index
    %get3A_12 = vector.load %arg2[%get3A_9, %get3A_10, %get3A_11] : memref<2x512x16xf32, #tpu.memory_space<vmem>>, vector<1x512x16xf32>
    %get3A_13 = vector.shape_cast %get3A_12 : vector<1x512x16xf32> to vector<512x16xf32>
    %get3A_14 = arith.constant 1 : index
    %get3A_15 = arith.constant 0 : index
    %get3A_16 = arith.constant 0 : index
    %get3A_17 = vector.load %arg2[%get3A_14, %get3A_15, %get3A_16] : memref<2x512x16xf32, #tpu.memory_space<vmem>>, vector<1x512x16xf32>
    %get3A_18 = vector.shape_cast %get3A_17 : vector<1x512x16xf32> to vector<512x16xf32>
    %add3A_19 = arith.addf %get3A_13, %get3A_18 : vector<512x16xf32>
    %slice3A = vector.extract_strided_slice %add3A_19 {offsets = [0, 0], sizes = [512, 1], strides = [1, 1]} : vector<512x16xf32> to vector<512x1xf32>
    %max3A = arith.constant 1.000000e+00 : f32
    %max3A_20 = vector.broadcast %max3A : f32 to vector<512x1xf32>
    %max3A_21 = arith.maximumf %slice3A, %max3A_20 : vector<512x1xf32>
    %div3A = vector.broadcast %max3A_21 : vector<512x1xf32> to vector<512x128xf32>
    %div3A_22 = arith.divf %add3A, %div3A : vector<512x128xf32>
    %get3A_23 = arith.constant 0 : index
    %get3A_24 = arith.constant 0 : index
    %get3A_25 = vector.load %arg4[%get3A_23, %get3A_24] : memref<128x128xf32, #tpu.memory_space<vmem>>, vector<128x128xf32>
    %dot_general3A = arith.constant dense<0.000000e+00> : vector<512x128xf32>
    %dot_general3A_26 = tpu.matmul %div3A_22, %get3A_25, %dot_general3A {dimension_numbers = #tpu.dot_dimension_numbers<[1], [0], [0], [1], [0, 0, 1, 1], [], []>, transpose_lhs_hint = false} : vector<512x128xf32>, vector<128x128xf32>, vector<512x128xf32> -> vector<512x128xf32>
    %get3A_27 = arith.constant 0 : index
    %get3A_28 = arith.constant 0 : index
    %get3A_29 = vector.load %arg5[%get3A_27, %get3A_28] : memref<1x128xf32, #tpu.memory_space<vmem>>, vector<1x128xf32>
    %add3A_30 = vector.broadcast %get3A_29 : vector<1x128xf32> to vector<512x128xf32>
    %add3A_31 = arith.addf %dot_general3A_26, %add3A_30 : vector<512x128xf32>
    %get3A_32 = arith.constant 0 : index
    %get3A_33 = arith.constant 0 : index
    %get3A_34 = vector.load %arg3[%get3A_32, %get3A_33] : memref<512x128xf32, #tpu.memory_space<vmem>>, vector<512x128xf32>
    %get3A_35 = arith.constant 0 : index
    %get3A_36 = arith.constant 0 : index
    %get3A_37 = vector.load %arg6[%get3A_35, %get3A_36] : memref<128x128xf32, #tpu.memory_space<vmem>>, vector<128x128xf32>
    %dot_general3A_38 = arith.constant dense<0.000000e+00> : vector<512x128xf32>
    %dot_general3A_39 = tpu.matmul %get3A_34, %get3A_37, %dot_general3A_38 {dimension_numbers = #tpu.dot_dimension_numbers<[1], [0], [0], [1], [0, 0, 1, 1], [], []>, transpose_lhs_hint = false} : vector<512x128xf32>, vector<128x128xf32>, vector<512x128xf32> -> vector<512x128xf32>
    %add3A_40 = arith.addf %add3A_31, %dot_general3A_39 : vector<512x128xf32>
    %max3A_41 = arith.constant 0.000000e+00 : f32
    %max3A_42 = vector.broadcast %max3A_41 : f32 to vector<512x128xf32>
    %max3A_43 = arith.maximumf %add3A_40, %max3A_42 : vector<512x128xf32>
    %swap3A = arith.constant 0 : index
    %swap3A_44 = arith.constant 0 : index
    %swap3A_45 = vector.load %arg7[%swap3A, %swap3A_44] : memref<512x128xf32, #tpu.memory_space<vmem>>, vector<512x128xf32>
    tpu.vector_store %arg7[%swap3A, %swap3A_44], %max3A_43 {strides = array<i32>} : memref<512x128xf32, #tpu.memory_space<vmem>>, vector<512x128xf32>,
    %swap3A_46 = arith.constant 0 : index
    %swap3A_47 = arith.constant 0 : index
    %swap3A_48 = vector.load %arg8[%swap3A_46, %swap3A_47] : memref<512x1xf32, #tpu.memory_space<vmem>>, vector<512x1xf32>
    tpu.vector_store %arg8[%swap3A_46, %swap3A_47], %max3A_21 {strides = array<i32>} : memref<512x1xf32, #tpu.memory_space<vmem>>, vector<512x1xf32>,
    return
  }
  func.func @transform_0(%arg0: i32) -> (i32, i32, i32) {
    %c0_i32 = arith.constant 0 : i32
    %c0_i32_0 = arith.constant 0 : i32
    %c0_i32_1 = arith.constant 0 : i32
    return %c0_i32, %arg0, %c0_i32_0 : i32, i32, i32
  }
  func.func @transform_1(%arg0: i32) -> (i32, i32, i32) {
    %c0_i32 = arith.constant 0 : i32
    %c0_i32_0 = arith.constant 0 : i32
    %c0_i32_1 = arith.constant 0 : i32
    return %c0_i32, %arg0, %c0_i32_0 : i32, i32, i32
  }
  func.func @transform_2(%arg0: i32) -> (i32, i32) {
    %c0_i32 = arith.constant 0 : i32
    %c0_i32_0 = arith.constant 0 : i32
    return %arg0, %c0_i32 : i32, i32
  }
  func.func @transform_3(%arg0: i32) -> (i32, i32) {
    %c0_i32 = arith.constant 0 : i32
    %c0_i32_0 = arith.constant 0 : i32
    %c0_i32_1 = arith.constant 0 : i32
    return %c0_i32, %c0_i32_0 : i32, i32
  }
  func.func @transform_4(%arg0: i32) -> (i32, i32) {
    %c0_i32 = arith.constant 0 : i32
    %c0_i32_0 = arith.constant 0 : i32
    %c0_i32_1 = arith.constant 0 : i32
    return %c0_i32, %c0_i32_0 : i32, i32
  }
  func.func @transform_5(%arg0: i32) -> (i32, i32) {
    %c0_i32 = arith.constant 0 : i32
    %c0_i32_0 = arith.constant 0 : i32
    %c0_i32_1 = arith.constant 0 : i32
    return %c0_i32, %c0_i32_0 : i32, i32
  }
  func.func @transform_6(%arg0: i32) -> (i32, i32) {
    %c0_i32 = arith.constant 0 : i32
    %c0_i32_0 = arith.constant 0 : i32
    return %arg0, %c0_i32 : i32, i32
  }
  func.func @transform_7(%arg0: i32) -> (i32, i32) {
    %c0_i32 = arith.constant 0 : i32
    %c0_i32_0 = arith.constant 0 : i32
    return %arg0, %c0_i32 : i32, i32
  }
}

module attributes {stable_mosaic.version = 14 : i64} {
  func.func @body(%arg0: i32, %arg1: memref<2x512x128xf32, #tpu.memory_space<vmem>>, %arg2: memref<512x1xf32, #tpu.memory_space<vmem>>, %arg3: memref<512x128xf32, #tpu.memory_space<vmem>>, %arg4: memref<128x128xf32, #tpu.memory_space<vmem>>, %arg5: memref<1x128xf32, #tpu.memory_space<vmem>>, %arg6: memref<128x128xf32, #tpu.memory_space<vmem>>, %arg7: memref<512x128xf32, #tpu.memory_space<vmem>>) attributes {dimension_semantics = [#tpu.dimension_semantics<arbitrary>], iteration_bounds = array<i64: 20>, scalar_prefetch = 0 : i64, scratch_operands = 0 : i64, tpu.core_type = #tpu.core_type<tc>, window_params = [{transform_indices = @transform_0, window_bounds = array<i64: 2, 512, 128>}, {transform_indices = @transform_1, window_bounds = array<i64: 512, 1>}, {transform_indices = @transform_2, window_bounds = array<i64: 512, 128>}, {pipeline_mode = #tpu.pipeline_mode<synchronous>, transform_indices = @transform_3, window_bounds = array<i64: 128, 128>}, {pipeline_mode = #tpu.pipeline_mode<synchronous>, transform_indices = @transform_4, window_bounds = array<i64: 1, 128>}, {pipeline_mode = #tpu.pipeline_mode<synchronous>, transform_indices = @transform_5, window_bounds = array<i64: 128, 128>}, {transform_indices = @transform_6, window_bounds = array<i64: 512, 128>}]} {
    %get3A = arith.constant 0 : index
    %get3A_0 = arith.constant 0 : index
    %get3A_1 = arith.constant 0 : index
    %get3A_2 = vector.load %arg1[%get3A, %get3A_0, %get3A_1] : memref<2x512x128xf32, #tpu.memory_space<vmem>>, vector<1x512x128xf32>
    %get3A_3 = vector.shape_cast %get3A_2 : vector<1x512x128xf32> to vector<512x128xf32>
    %get3A_4 = arith.constant 1 : index
    %get3A_5 = arith.constant 0 : index
    %get3A_6 = arith.constant 0 : index
    %get3A_7 = vector.load %arg1[%get3A_4, %get3A_5, %get3A_6] : memref<2x512x128xf32, #tpu.memory_space<vmem>>, vector<1x512x128xf32>
    %get3A_8 = vector.shape_cast %get3A_7 : vector<1x512x128xf32> to vector<512x128xf32>
    %add3A = arith.addf %get3A_3, %get3A_8 : vector<512x128xf32>
    %get3A_9 = arith.constant 0 : index
    %get3A_10 = arith.constant 0 : index
    %get3A_11 = vector.load %arg2[%get3A_9, %get3A_10] : memref<512x1xf32, #tpu.memory_space<vmem>>, vector<512x1xf32>
    %div3A = vector.broadcast %get3A_11 : vector<512x1xf32> to vector<512x128xf32>
    %div3A_12 = arith.divf %add3A, %div3A : vector<512x128xf32>
    %get3A_13 = arith.constant 0 : index
    %get3A_14 = arith.constant 0 : index
    %get3A_15 = vector.load %arg4[%get3A_13, %get3A_14] : memref<128x128xf32, #tpu.memory_space<vmem>>, vector<128x128xf32>
    %dot_general3A = arith.constant dense<0.000000e+00> : vector<512x128xf32>
    %dot_general3A_16 = tpu.matmul %div3A_12, %get3A_15, %dot_general3A {dimension_numbers = #tpu.dot_dimension_numbers<[1], [0], [0], [1], [0, 0, 1, 1], [], []>, transpose_lhs_hint = false} : vector<512x128xf32>, vector<128x128xf32>, vector<512x128xf32> -> vector<512x128xf32>
    %get3A_17 = arith.constant 0 : index
    %get3A_18 = arith.constant 0 : index
    %get3A_19 = vector.load %arg5[%get3A_17, %get3A_18] : memref<1x128xf32, #tpu.memory_space<vmem>>, vector<1x128xf32>
    %add3A_20 = vector.broadcast %get3A_19 : vector<1x128xf32> to vector<512x128xf32>
    %add3A_21 = arith.addf %dot_general3A_16, %add3A_20 : vector<512x128xf32>
    %get3A_22 = arith.constant 0 : index
    %get3A_23 = arith.constant 0 : index
    %get3A_24 = vector.load %arg3[%get3A_22, %get3A_23] : memref<512x128xf32, #tpu.memory_space<vmem>>, vector<512x128xf32>
    %get3A_25 = arith.constant 0 : index
    %get3A_26 = arith.constant 0 : index
    %get3A_27 = vector.load %arg6[%get3A_25, %get3A_26] : memref<128x128xf32, #tpu.memory_space<vmem>>, vector<128x128xf32>
    %dot_general3A_28 = arith.constant dense<0.000000e+00> : vector<512x128xf32>
    %dot_general3A_29 = tpu.matmul %get3A_24, %get3A_27, %dot_general3A_28 {dimension_numbers = #tpu.dot_dimension_numbers<[1], [0], [0], [1], [0, 0, 1, 1], [], []>, transpose_lhs_hint = false} : vector<512x128xf32>, vector<128x128xf32>, vector<512x128xf32> -> vector<512x128xf32>
    %add3A_30 = arith.addf %add3A_21, %dot_general3A_29 : vector<512x128xf32>
    %swap3A = arith.constant 0 : index
    %swap3A_31 = arith.constant 0 : index
    %swap3A_32 = vector.load %arg7[%swap3A, %swap3A_31] : memref<512x128xf32, #tpu.memory_space<vmem>>, vector<512x128xf32>
    tpu.vector_store %arg7[%swap3A, %swap3A_31], %add3A_30 {strides = array<i32>} : memref<512x128xf32, #tpu.memory_space<vmem>>, vector<512x128xf32>,
    return
  }
  func.func @transform_0(%arg0: i32) -> (i32, i32, i32) {
    %c0_i32 = arith.constant 0 : i32
    %c0_i32_0 = arith.constant 0 : i32
    %c0_i32_1 = arith.constant 0 : i32
    return %c0_i32, %arg0, %c0_i32_0 : i32, i32, i32
  }
  func.func @transform_1(%arg0: i32) -> (i32, i32) {
    %c0_i32 = arith.constant 0 : i32
    %c0_i32_0 = arith.constant 0 : i32
    return %arg0, %c0_i32 : i32, i32
  }
  func.func @transform_2(%arg0: i32) -> (i32, i32) {
    %c0_i32 = arith.constant 0 : i32
    %c0_i32_0 = arith.constant 0 : i32
    return %arg0, %c0_i32 : i32, i32
  }
  func.func @transform_3(%arg0: i32) -> (i32, i32) {
    %c0_i32 = arith.constant 0 : i32
    %c0_i32_0 = arith.constant 0 : i32
    %c0_i32_1 = arith.constant 0 : i32
    return %c0_i32, %c0_i32_0 : i32, i32
  }
  func.func @transform_4(%arg0: i32) -> (i32, i32) {
    %c0_i32 = arith.constant 0 : i32
    %c0_i32_0 = arith.constant 0 : i32
    %c0_i32_1 = arith.constant 0 : i32
    return %c0_i32, %c0_i32_0 : i32, i32
  }
  func.func @transform_5(%arg0: i32) -> (i32, i32) {
    %c0_i32 = arith.constant 0 : i32
    %c0_i32_0 = arith.constant 0 : i32
    %c0_i32_1 = arith.constant 0 : i32
    return %c0_i32, %c0_i32_0 : i32, i32
  }
  func.func @transform_6(%arg0: i32) -> (i32, i32) {
    %c0_i32 = arith.constant 0 : i32
    %c0_i32_0 = arith.constant 0 : i32
    return %arg0, %c0_i32 : i32, i32
  }
}

</mosaic_0001>

<sc_bundles>
// kernel: kernel.10.cloned.1.call-start
scs
__scs_entry_jumppad:
0x0: {  	(pc) =	sbr.rel $0x88, $3  }
0x1: {  	(tag) =	ssettag $0x0;
	lr =	simm.s32 $0x1  }
0x2: {  	[smem:$0x3F99] =	sst lr;
	_ =	strace $0xD0000000  }
0x3: {  	_ = 	snop  }
0x4: {  	_ = 	snop  }
0x5: {  	_ = 	snop  }
0x6: {  	_ = 	snop  }
0x7: {  	_ = 	snop  }
__scs_overlays_trampoline_lowered:
0x8: {  	[smem:$0x3FA8] =	sst s0  }
0x9: {  	[smem:$0x3FA9] =	sst s1  }
0xa: {  	[smem:$0x3FAA] =	sst s2  }
0xb: {  	[smem:$0x3FAB] =	sst s3  }
0xc: {  	[smem:$0x3FAC] =	sst s4  }
0xd: {  	[smem:$0x3FAD] =	sst s5  }
0xe: {  	[smem:$0x3FAE] =	sst s6  }
0xf: {  	[smem:$0x3FAF] =	sst s7  }
0x10: {  	[smem:$0x3FB0] =	sst s8  }
0x11: {  	[smem:$0x3FB1] =	sst s9;
	s0 =	simm.s32 @!p0 $0x0  }
0x12: {  	s1 =	sld [smem:$0x3F97];
	s0 =	simm.s32 @p0 $0x1  }
0x13: {  	[smem:$0x3FB2] =	sst s0;
	s0 =	simm.s32 @!p1 $0x0  }
0x14: {  	s2 =	sld [smem:$0x3F96];
	s0 =	simm.s32 @p1 $0x1  }
0x15: {  	[smem:$0x3FB3] =	sst s0;
	s0 =	simm.s32 @!p2 $0x0  }
0x16: {  	s3 =	sld [smem:$0x3FDB];
	s0 =	simm.s32 @p2 $0x1  }
0x17: {  	s4 =	simm.s32 $0x1BF5;
	[smem:$0x3FB5] =	sst s0  }
0x18: {  	s0 =	sld [smem:$0x3F98];
	_ =	swait.ge [sflag:s4], $0x0  }
0x19: {  	s7 =	sld [smem:$0x3F99]  }
0x1a: {  	s8 =	sadd.s32 $0xFFFFE003, lr  }
0x1b: {  	s9 =	sadd.s32 $0xFFFFFEF7, lr;
	s5 =	simm.s32 $0xFFFFFFFF;
	p2 =	slt.u32 s8, $0xFFFFF086  }
0x1c: {  	p1 =	slt.u32 s9, $0xF7A;
	s5 =	simm.s32 @!p2 $0x0  }
0x1d: {  	s5 =	simm.s32 @p1 $0x1;
	p0 =	seq.s32 s7, s2  }
0x1e: {  	s7 =	smul.u32 @!p0 $0xF7A, s2;
	p2 =	seq.s32 @!p0 s5, $0x0  }
0x1f: {  	s9 =	smul.u32 $0xF7A, s1;
	s8 =	simm.s32 @!p0 $0x1BF5;
	p2 =	por !p2, p0  }
0x20: {  	[sflag:s8] =	ssyncset.s32 @!p0 $0xFFFFF086;
	s6 =	sadd.s32 @!p0 s3, s7;
	s7 =	simm.s32 @!p0 $0x108  }
0x21: {  	s3 =	sadd.s32 s3, s9;
	s6 =	sadd.s32 @!p0 $0x88, s6;
	s7 =	simm.s32 @p2 $0x1082  }
0x22: {  	[simem:s7], [sflag:s8] =	dma.local @!p0 [hbm:s6], $0xF7A  }
0x23: {  	s9 =	sor.u32 $0xD0000000, s2;
	s6 =	simm.s32 $0x108;
	_ =	swait.ge @!p0 [sflag:s8], $0x0  }
0x24: {  	s3 =	sadd.s32 $0x88, s3;
	s6 =	simm.s32 @!p1 $0x1082;
	[sflag:s4] =	ssyncset.s32 $0xFFFFF086  }
0x25: {  	[simem:s6], [sflag:s4] =	dma.local [hbm:s3], $0xF7A  }
0x26: {  	[smem:$0x3F99] =	sst s1;
	(tag) =	ssettag s2;
	_ =	strace s9  }
0x27: {  	s1 =	sld [smem:$0x3FA9]  }
0x28: {  	s2 =	sld [smem:$0x3FAA]  }
0x29: {  	s4 =	sld [smem:$0x3FAC]  }
0x2a: {  	p0 =	seq.s32 s5, $0x0;
	s5 =	sld [smem:$0x3FAD]  }
0x2b: {  	s6 =	sld [smem:$0x3FAE]  }
0x2c: {  	s7 =	sld [smem:$0x3FAF]  }
0x2d: {  	s3 =	simm.s32 $0x108;
	s8 =	sld [smem:$0x3FB0]  }
0x2e: {  	s3 =	simm.s32 @!p0 $0x1082;
	s9 =	sld [smem:$0x3FB1]  }
0x2f: {  	lr =	sadd.s32 s0, s3;
	s0 =	sld [smem:$0x3FA8]  }
0x30: {  	s3 =	sld [smem:$0x3FAB]  }
0x31: {  	[smem:$0x3FB4] =	sst s10  }
0x32: {  	s10 =	sld [smem:$0x3FB2];
	_ =	sdelay $0x3  }
0x33: {  	p0 =	seq.s32 s10, $0x1;
	s10 =	sld [smem:$0x3FB4];
	_ =	sdelay $0x3  }
0x34: {  	[smem:$0x3FB4] =	sst s10  }
0x35: {  	s10 =	sld [smem:$0x3FB3];
	_ =	sdelay $0x3  }
0x36: {  	p1 =	seq.s32 s10, $0x1;
	s10 =	sld [smem:$0x3FB4];
	_ =	sdelay $0x3  }
0x37: {  	[smem:$0x3FB4] =	sst s10  }
0x38: {  	s10 =	sld [smem:$0x3FB5]  }
0x39: {  	_ = 	snop;
	(pc) =	sbr.ind lr, $3  }
0x3a: {  	_ = 	snop  }
0x3b: {  	_ = 	snop  }
0x3c: {  	p2 =	seq.s32 s10, $0x1;
	s10 =	sld [smem:$0x3FB4]  }
0x3d: {  	_ =	shalt  }
0x3e: {  	_ =	shalt  }
0x3f: {  	_ =	shalt  }
0x40: {  	_ =	shalt  }
0x41: {  	_ =	shalt  }
0x42: {  	_ =	shalt  }
0x43: {  	_ =	shalt  }
0x44: {  	_ =	shalt  }
0x45: {  	_ =	shalt  }
0x46: {  	_ =	shalt  }
0x47: {  	_ =	shalt  }
0x48: {  	_ =	shalt  }
0x49: {  	_ =	shalt  }
0x4a: {  	_ =	shalt  }
0x4b: {  	_ =	shalt  }
0x4c: {  	_ =	shalt  }
0x4d: {  	_ =	shalt  }
0x4e: {  	_ =	shalt  }
0x4f: {  	_ =	shalt  }
0x50: {  	_ =	shalt  }
0x51: {  	_ =	shalt  }
0x52: {  	_ =	shalt  }
0x53: {  	_ =	shalt  }
0x54: {  	_ =	shalt  }
0x55: {  	_ =	shalt  }
0x56: {  	_ =	shalt  }
0x57: {  	_ =	shalt  }
0x58: {  	_ =	shalt  }
0x59: {  	_ =	shalt  }
0x5a: {  	_ =	shalt  }
0x5b: {  	_ =	shalt  }
0x5c: {  	_ =	shalt  }
0x5d: {  	_ =	shalt  }
0x5e: {  	_ =	shalt  }
0x5f: {  	_ =	shalt  }
0x60: {  	_ =	shalt  }
0x61: {  	_ =	shalt  }
0x62: {  	_ =	shalt  }
0x63: {  	_ =	shalt  }
0x64: {  	_ =	shalt  }
0x65: {  	_ =	shalt  }
0x66: {  	_ =	shalt  }
0x67: {  	_ =	shalt  }
0x68: {  	_ =	shalt  }
0x69: {  	_ =	shalt  }
0x6a: {  	_ =	shalt  }
0x6b: {  	_ =	shalt  }
0x6c: {  	_ =	shalt  }
0x6d: {  	_ =	shalt  }
0x6e: {  	_ =	shalt  }
0x6f: {  	_ =	shalt  }
0x70: {  	_ =	shalt  }
0x71: {  	_ =	shalt  }
0x72: {  	_ =	shalt  }
0x73: {  	_ =	shalt  }
0x74: {  	_ =	shalt  }
0x75: {  	_ =	shalt  }
0x76: {  	_ =	shalt  }
0x77: {  	_ =	shalt  }
0x78: {  	_ =	shalt  }
0x79: {  	_ =	shalt  }
0x7a: {  	_ =	shalt  }
0x7b: {  	_ =	shalt  }
0x7c: {  	_ =	shalt  }
0x7d: {  	_ =	shalt  }
0x7e: {  	_ =	shalt  }
0x7f: {  	_ =	shalt  }
0x80: {  	_ =	shalt  }
0x81: {  	_ =	shalt  }
0x82: {  	_ =	shalt  }
0x83: {  	_ =	shalt  }
0x84: {  	_ =	shalt  }
0x85: {  	_ =	shalt  }
0x86: {  	_ =	shalt  }
0x87: {  	_ =	shalt  }
.Lfunc_end0:
.L_simem_size_0:
called_computation.1_lowered:
.L_overlay_start_0:
0x88: {  	s2 =	sld [smem:$0x3FD9]  }
0x89: {  	s3 =	sld [smem:$0x3FFE];
	_ =	sdelay $0x1  }
0x8a: {  	s1 =	srdreg.scid  }
0x8b: {  	s0 =	sand.u32 $0x1, s1  }
0x8c: {  	s17 =	sshll.u32 s0, $0xA;
	s2 =	sadd.s32 s3, s2  }
0x8d: {  	s2 =	sadd.s32 s2, s17  }
0x8e: {  	[smem:$0x3FC0] =	sst s2  }
0x8f: {  	_ = 	snop  }
0x90: {  	s18 =	sld [smem:$0x3FD0];
	(tm) =	ssettm $0x1  }
0x91: {  	s19 =	sld [smem:$0x3FFB];
	_ =	sdelay $0x3  }
0x92: {  	_ =	strace s19  }
0x93: {  	s2 =	sld [smem:$0x3FFC];
	_ =	sdelay $0x3  }
0x94: {  	_ =	strace s2  }
0x95: {  	s2 =	sld [smem:$0x3FFD];
	_ =	sdelay $0x3  }
0x96: {  	_ =	strace s2  }
0x97: {  	_ =	strace $0x8FFFFFFF  }
0x98: {  	s20 =	sld [smem:$0x3FDB];
	_ =	sdelay $0x1  }
0x99: {  	s4 =	simm.s32 $_scs_section_size  }
0x9a: {  	s5 =	simm.s32 $_size__tile_overlayer_lowered;
	s6 =	simm.s32 $_tile_overlayer_lowered  }
0x9b: {  	s7 =	simm.s32 $0x1BFF;
	s21 =	sshll.u32 s6, $0x1;
	s4 =	sadd.s32 s4, s20  }
0x9c: {  	s22 =	simm.s32 $0x0;
	s5 =	sshll.u32 s5, $0x1;
	s6 =	sadd.s32 s21, s4  }
0x9d: {  	[timem:s22], [sflag:s7] =	dma.local [hbm:s6], s5  }
0x9e: {  	_ =	swait.ge [sflag:s7], s5  }
0x9f: {  	s5 =	ssub.s32 $0x0, s5;
	[sflag:s7] =	ssyncset.done $0x0  }
0xa0: {  	[sflag:s7] =	ssyncadd.s32 s5;
	_ =	sdelay $0x1  }
0xa1: {  	s23 =	simm.s32 $0x1B8B  }
0xa2: {  	_ =	swait.ge [sflag:s23], $0x1  }
0xa3: {  	[sflag:s23] =	ssyncset.done $0x0  }
0xa4: {  	[sflag:s23] =	ssyncadd.s32 $0xFFFFFFFF  }
0xa5: {  	s5 =	sld [smem:$0x0]  }
0xa6: {  	s6 =	sand.u32 $0xFFFFFFFE, s1  }
0xa7: {  	p0 =	sne.s32 s1, s6  }
0xa8: {  	s6 =	sshll.u32 @p0 s6, $0xE  }
0xa9: {  	s6 =	sadd.s32 @p0 $0x11B8D, s6;
	s7 =	sshll.u32 @p0 s5, $0x11  }
0xaa: {  	s6 =	sor.u32 @p0 s7, s6  }
0xab: {  	[sflag:s6] =	ssyncadd.remote.s32 @p0 $0x1;
	_ =	sdelay $0x1  }
0xac: {  	s6 =	simm.s32 @p0 $0x1B8D  }
0xad: {  	_ =	swait.eq @p0 [sflag:s6], $0x1  }
0xae: {  	[sflag:s6] =	ssyncadd.s32 @p0 $0xFFFFFFFF  }
0xaf: {  	s7 =	sshll.u32 @!p0 s1, $0xE  }
0xb0: {  	s7 =	sor.u32 @!p0 $0x4000, s7;
	s6 =	simm.s32 @!p0 $0x1B8D  }
0xb1: {  	s5 =	sshll.u32 @!p0 s5, $0x11;
	s7 =	sadd.s32 @!p0 $0x11B8D, s7;
	_ =	swait.eq @!p0 [sflag:s6], $0x1  }
0xb2: {  	s5 =	sor.u32 @!p0 s5, s7;
	[sflag:s6] =	ssyncadd.s32 @!p0 $0xFFFFFFFF  }
0xb3: {  	s25 =	simm.s32 $0x1B8E;
	s24 =	sld [smem:$0x3FFE];
	[sflag:s5] =	ssyncadd.remote.s32 @!p0 $0x1  }
0xb4: {  	s26 =	simm.s32 $execute0_lowered;
	[smem:$0x3FD2] =	sst s25  }
0xb5: {  	s6 =	sshll.u32 s26, $0x1;
	_ =	strace $0x80000049;
	[dreg:$0x1] =	wrdreg $0xFFFFFFFF  }
0xb6: {  	s28 =	simm.s32 $_size_execute0_lowered;
	s4 =	sadd.s32 s4, s6;
	[dreg:$0x0] =	wrdreg $0x0  }
0xb7: {  	s6 =	sshll.u32 s28, $0x1;
	[dreg:$0x2] =	wrdreg s4  }
0xb8: {  	[dreg:$0x3] =	wrdreg s6  }
0xb9: {  	[dreg:$0x4] =	wrdreg $0xC0  }
0xba: {  	_ =	task [dreg:s22], $0x5FFFF  }
0xbb: {  	[dreg:$0x1] =	wrdreg $0xFFFFFFFF  }
0xbc: {  	[dreg:$0x0] =	wrdreg $0x60  }
0xbd: {  	[dreg:$0x2] =	wrdreg s24  }
0xbe: {  	[dreg:$0x3] =	wrdreg s18  }
0xbf: {  	[dreg:$0x4] =	wrdreg $0xA0000  }
0xc0: {  	[dreg:$0x5] =	wrdreg $0xA  }
0xc1: {  	_ =	task.clear_ibuf [dreg:s22], $0x6FFFF;
	_ =	strace $0x90000049  }
0xc2: {  	s29 =	simm.s32 $0xA;
	_ =	strace $0x8000004B  }
0xc3: {  	_ =	swait.ge [sflag:s29], $0x1  }
0xc4: {  	[sflag:s29] =	ssyncadd.s32 $0xFFFFFFFF  }
0xc5: {  	_ =	strace $0x9000004B  }
0xc6: {  	_ =	sfence  }
0xc7: {  	s30 =	sld [smem:$0x0];
	_ =	sdelay $0x2  }
0xc8: {  	s31 =	sshll.u32 s1, $0xD;
	s1 =	sshrl.u32 s1, $0x2  }
0xc9: {  	s4 =	sand.u32 $0x4000, s31;
	s1 =	sadd.s32 s1, s30  }
0xca: {  	s0 =	sor.u32 s4, s0;
	s1 =	sshll.u32 s1, $0x11  }
0xcb: {  	s0 =	sor.u32 s1, s0  }
0xcc: {  	s0 =	sadd.s32 $0x8F2B, s0  }
0xcd: {  	[sflag:s0] =	ssyncadd.remote.s32 $0x1  }
0xce: {  	_ =	sfence.sel $0xFFFF  }
0xcf: {  	[dreg:$0x0] =	wrdreg $0xFFFFFFFF;
	(pc) =	sbr.abs _section_cstart, $3  }
0xd0: {  	[dreg:$0x1] =	wrdreg $0xFFFFFFFF  }
0xd1: {  	_ =	task.clear_ibuf [dreg:s22], $0x2FFFF;
	_ =	strace $0x9FFFFFFF  }
0xd2: {  	(tm) =	ssettm $0x7FFFFFFF  }
0xd3: {  	_ =	shalt  }
tec
execute0_lowered:
.L_overlay_start_1:
0x0: {  	(tag) =	ssettag $0x1  }
0x1: {  	s6 =	rddreg [dreg:$0x0]  }
0x2: {  	s17 =	rddreg [dreg:$0x1]  }
0x3: {  	s1 =	rddreg [dreg:$0x2];
	s2 =	srdreg.scid  }
0x4: {  	s0 =	rddreg [dreg:$0x3];
	s4 =	simm.s32 $0x0;
	s22 =	simm.s32 $0x2  }
0x5: {  	s23 =	simm.s32 $0x1000;
	s24 =	simm.s32 $0x80;
	s25 =	simm.s32 $0x1  }
0x6: {  	s26 =	simm.s32 $0x0;
	s3 =	sand.u32 $0x1, s2;
	s2 =	stileid.u32  }
0x7: {  	[smem:$0x7FF] =	sst s4;
	s5 =	sadd.s32 $0x16400, s6;
	s7 =	smul.u32 $0x140000, s3  }
0x8: {  	s18 =	sadd.s32 $0x3E400, s6;
	s8 =	smul.u32 $0x14000, s2;
	s28 =	ssub.s32 $0x2, s3  }
0x9: {  	s9 =	smul.u32 $0x50000, s2;
	s30 =	sshll.u32 s3, $0xF;
	s31 =	sshll.u32 s2, $0xB  }
0xa: {  	_ =	strace $0x8000004A;
	s10 =	sshrl.u32 s28, $0x1;
	s15 =	sor.u32 s31, s30  }
0xb: {  	s7 =	sadd.s32 s8, s7;
	s20 =	ssub.s32 s28, s10;
	s29 =	sshrl.u32 s9, $0x2  }
0xc: {  	s14 =	sor.u32 $0x200, s15;
	s11 =	sadd.s32 s17, s15;
	s12 =	sadd.s32 s18, s15  }
0xd: {  	s16 =	sor.u32 $0x400, s15;
	s21 =	sor.u32 $0x600, s15;
	s7 =	sshrl.u32 s7, $0x3  }
0xe: {  	s13 =	sadd.s32 s17, s14;
	s14 =	sadd.s32 s18, s14;
	s15 =	sadd.s32 s17, s16  }
0xf: {  	s16 =	sadd.s32 s18, s16;
	s17 =	sadd.s32 s17, s21;
	s18 =	sadd.s32 s18, s21  }
0x10: {  	s20 =	smax.u32 s20, $0x1;
	s19 =	sadd.s32 s7, s6;
	s6 =	sadd.s32 s29, s1  }
0x11: {  	s21 =	simm.s32 $0x2000;
	s7 =	sadd.s32 $0x4000, s6;
	s8 =	sadd.s32 $0x8000, s6  }
0x12: {  	v0 =	vimm.f32 $0.0e+00;
	s9 =	sadd.s32 $0xC000, s6;
	s10 =	sadd.s32 $0x10000, s6;
	s19 =	sadd.s32 $0x4E400, s19  }
.LBB2_1:
0x13: {  	s28 =	simm.s32 $0x0;
	s29 =	simm.s32 $0x200  }
.LBB2_2:
0x14: {  	p0 =	sne.s32 s29, $0xFE00;
	[tilespmem:s28+$0x2070] =	vst v0  }
0x15: {  	[tilespmem:s28+$0x2000] =	vst v0  }
0x16: {  	[tilespmem:s28+$0x2010] =	vst v0  }
.Ltmp0:
0x17: {  	[tilespmem:s28+$0x2020] =	vst v0;
	(pc) =	sbr.rel @p0 .LBB2_2-.Ltmp0, $4  }
0x18: {  	[tilespmem:s28+$0x2030] =	vst v0  }
0x19: {  	[tilespmem:s28+$0x2040] =	vst v0  }
0x1a: {  	[tilespmem:s28+$0x2050] =	vst v0  }
0x1b: {  	[tilespmem:s28+$0x2060] =	vst v0;
	s28 =	sshra.s32 s29, $0x2;
	s29 =	sadd.s32 $0x200, s29  }
0x1c: {  	[tilespmem:s28+$0x2070] =	vst v0  }
0x1d: {  	[tilespmem:s28+$0x2000] =	vst v0  }
0x1e: {  	[tilespmem:s28+$0x2010] =	vst v0  }
0x1f: {  	[tilespmem:s28+$0x2020] =	vst v0  }
0x20: {  	[tilespmem:s28+$0x2030] =	vst v0  }
0x21: {  	[tilespmem:s28+$0x2040] =	vst v0  }
0x22: {  	[tilespmem:s28+$0x2050] =	vst v0  }
0x23: {  	[tilespmem:s28+$0x2060] =	vst v0  }
0x24: {  	[spmem:s6] =	stream.linear.scatter [tilespmem:s21], [sflag:$0x2], $0x4000, $0x38;
	[tilespmem:$0x1E000] =	vst v63  }
0x25: {  	_ =	swait.ge [sflag:s22], $0x4000  }
0x26: {  	[sflag:s22] =	ssyncset.done $0x0  }
0x27: {  	[sflag:s22] =	ssyncadd.s32 $0xFFFFC000  }
0x28: {  	[spmem:s7] =	stream.linear.scatter [tilespmem:s21], [sflag:$0x2], $0x4000, $0x38;
	[tilespmem:$0x1E000] =	vst v63  }
0x29: {  	_ =	swait.ge [sflag:s22], $0x4000  }
0x2a: {  	[sflag:s22] =	ssyncset.done $0x0  }
0x2b: {  	[sflag:s22] =	ssyncadd.s32 $0xFFFFC000  }
0x2c: {  	[spmem:s8] =	stream.linear.scatter [tilespmem:s21], [sflag:$0x2], $0x4000, $0x38;
	[tilespmem:$0x1E000] =	vst v63  }
0x2d: {  	_ =	swait.ge [sflag:s22], $0x4000  }
0x2e: {  	[sflag:s22] =	ssyncset.done $0x0  }
0x2f: {  	[sflag:s22] =	ssyncadd.s32 $0xFFFFC000  }
0x30: {  	[spmem:s9] =	stream.linear.scatter [tilespmem:s21], [sflag:$0x2], $0x4000, $0x38;
	[tilespmem:$0x1E000] =	vst v63  }
0x31: {  	_ =	swait.ge [sflag:s22], $0x4000  }
0x32: {  	[sflag:s22] =	ssyncset.done $0x0  }
0x33: {  	[sflag:s22] =	ssyncadd.s32 $0xFFFFC000  }
0x34: {  	[spmem:s10] =	stream.linear.scatter [tilespmem:s21], [sflag:$0x2], $0x4000, $0x38;
	[tilespmem:$0x1E000] =	vst v63  }
0x35: {  	_ =	swait.ge [sflag:s22], $0x4000  }
0x36: {  	[sflag:s22] =	ssyncset.done $0x0  }
0x37: {  	[sflag:s22] =	ssyncadd.s32 $0xFFFFC000  }
0x38: {  	s28 =	simm.s32 $0x0;
	[bflag:$0x0] =	sbarrier.arrive $0xFFFF  }
0x39: {  	[tilespmem:s28], [sflag:$0x2] =	stream.linear.gather [hbm4b:s11+s28], $0x1000, $0x38;
	[tilespmem:$0x1E000] =	vst v63  }
0x3a: {  	_ =	swait.ge [sflag:s22], $0x1000  }
0x3b: {  	[sflag:s22] =	ssyncset.done $0x0  }
0x3c: {  	[sflag:s22] =	ssyncadd.s32 $0xFFFFF000  }
0x3d: {  	[tilespmem:s23], [sflag:$0x2] =	stream.linear.gather [hbm4b:s12+s28], $0x1000, $0x38;
	[tilespmem:$0x1E000] =	vst v63  }
0x3e: {  	_ =	swait.ge [sflag:s22], $0x1000  }
0x3f: {  	[sflag:s22] =	ssyncset.done $0x0  }
0x40: {  	s28 =	simm.s32 $0x0;
	[sflag:s22] =	ssyncadd.s32 $0xFFFFF000  }
0x41: {  	[tilespmem:s21], [sflag:$0x1] =	stream.indirect.gather [hbm4b:s5+s24], $0x80, s28, s24, $0xb8;
	[tilespmem:$0x1E000] =	vst v63  }
0x42: {  	_ =	swait.ge [sflag:s25], $0x4000  }
0x43: {  	[sflag:s25] =	ssyncset.done $0x0  }
0x44: {  	s28 =	simm.s32 $0x1000;
	[sflag:s25] =	ssyncadd.s32 $0xFFFFC000  }
0x45: {  	[spmem:s1] =	stream.indirect.scatter.add.f32 [tilespmem:s21], [sflag:$0x2], $0x80, s28, s24, $0xb8;
	[tilespmem:$0x1E000] =	vst v63  }
0x46: {  	_ =	swait.ge [sflag:s22], $0x4000  }
0x47: {  	s29 =	simm.s32 $0x400;
	s28 =	simm.s32 $0x200;
	[sflag:s22] =	ssyncset.done $0x0  }
.LBB2_4:
0x48: {  	s30 =	sshra.s32 s28, $0x2  }
0x49: {  	[sflag:s22] =	ssyncadd.s32 $0xFFFFC000;
	s28 =	smov.u32 s29;
	s31 =	sadd.s32 $0x200, s29  }
0x4a: {  	[tilespmem:s21], [sflag:$0x1] =	stream.indirect.gather [hbm4b:s5+s24], $0x80, s30, s24, $0xb8;
	[tilespmem:$0x1E000] =	vst v63  }
0x4b: {  	p0 =	sne.s32 s29, $0x3E00;
	_ =	swait.ge [sflag:s25], $0x4000  }
.Ltmp1:
0x4c: {  	[sflag:s25] =	ssyncset.done $0x0;
	(pc) =	sbr.rel @p0 .LBB2_4-.Ltmp1, $4  }
0x4d: {  	s29 =	sadd.s32 $0x1000, s30;
	[sflag:s25] =	ssyncadd.s32 $0xFFFFC000  }
0x4e: {  	[spmem:s1] =	stream.indirect.scatter.add.f32 [tilespmem:s21], [sflag:$0x2], $0x80, s29, s24, $0xb8;
	[tilespmem:$0x1E000] =	vst v63  }
0x4f: {  	_ =	swait.ge [sflag:s22], $0x4000  }
0x50: {  	s29 =	smov.u32 s31;
	[sflag:s22] =	ssyncset.done $0x0  }
0x51: {  	s28 =	sshra.s32 s28, $0x2;
	[sflag:s22] =	ssyncadd.s32 $0xFFFFC000  }
0x52: {  	[tilespmem:s21], [sflag:$0x1] =	stream.indirect.gather [hbm4b:s5+s24], $0x80, s28, s24, $0xb8;
	[tilespmem:$0x1E000] =	vst v63  }
0x53: {  	_ =	swait.ge [sflag:s25], $0x4000  }
0x54: {  	[sflag:s25] =	ssyncset.done $0x0  }
0x55: {  	s28 =	sadd.s32 $0x1000, s28;
	[sflag:s25] =	ssyncadd.s32 $0xFFFFC000  }
0x56: {  	[spmem:s1] =	stream.indirect.scatter.add.f32 [tilespmem:s21], [sflag:$0x2], $0x80, s28, s24, $0xb8;
	[tilespmem:$0x1E000] =	vst v63  }
0x57: {  	_ =	swait.ge [sflag:s22], $0x4000  }
0x58: {  	[sflag:s22] =	ssyncset.done $0x0  }
0x59: {  	s28 =	simm.s32 $0x0;
	[sflag:s22] =	ssyncadd.s32 $0xFFFFC000  }
0x5a: {  	[tilespmem:s28], [sflag:$0x2] =	stream.linear.gather [hbm4b:s13+s28], $0x1000, $0x38;
	[tilespmem:$0x1E000] =	vst v63  }
0x5b: {  	_ =	swait.ge [sflag:s22], $0x1000  }
0x5c: {  	[sflag:s22] =	ssyncset.done $0x0  }
0x5d: {  	[sflag:s22] =	ssyncadd.s32 $0xFFFFF000  }
0x5e: {  	[tilespmem:s23], [sflag:$0x2] =	stream.linear.gather [hbm4b:s14+s28], $0x1000, $0x38;
	[tilespmem:$0x1E000] =	vst v63  }
0x5f: {  	_ =	swait.ge [sflag:s22], $0x1000  }
0x60: {  	[sflag:s22] =	ssyncset.done $0x0  }
0x61: {  	s28 =	simm.s32 $0x0;
	[sflag:s22] =	ssyncadd.s32 $0xFFFFF000  }
0x62: {  	[tilespmem:s21], [sflag:$0x1] =	stream.indirect.gather [hbm4b:s5+s24], $0x80, s28, s24, $0xb8;
	[tilespmem:$0x1E000] =	vst v63  }
0x63: {  	_ =	swait.ge [sflag:s25], $0x4000  }
0x64: {  	[sflag:s25] =	ssyncset.done $0x0  }
0x65: {  	s28 =	simm.s32 $0x1000;
	[sflag:s25] =	ssyncadd.s32 $0xFFFFC000  }
0x66: {  	[spmem:s1] =	stream.indirect.scatter.add.f32 [tilespmem:s21], [sflag:$0x2], $0x80, s28, s24, $0xb8;
	[tilespmem:$0x1E000] =	vst v63  }
0x67: {  	_ =	swait.ge [sflag:s22], $0x4000  }
0x68: {  	s29 =	simm.s32 $0x400;
	s28 =	simm.s32 $0x200;
	[sflag:s22] =	ssyncset.done $0x0  }
.LBB2_6:
0x69: {  	s30 =	sshra.s32 s28, $0x2  }
0x6a: {  	[sflag:s22] =	ssyncadd.s32 $0xFFFFC000;
	s28 =	smov.u32 s29;
	s31 =	sadd.s32 $0x200, s29  }
0x6b: {  	[tilespmem:s21], [sflag:$0x1] =	stream.indirect.gather [hbm4b:s5+s24], $0x80, s30, s24, $0xb8;
	[tilespmem:$0x1E000] =	vst v63  }
0x6c: {  	p0 =	sne.s32 s29, $0x3E00;
	_ =	swait.ge [sflag:s25], $0x4000  }
.Ltmp2:
0x6d: {  	[sflag:s25] =	ssyncset.done $0x0;
	(pc) =	sbr.rel @p0 .LBB2_6-.Ltmp2, $4  }
0x6e: {  	s29 =	sadd.s32 $0x1000, s30;
	[sflag:s25] =	ssyncadd.s32 $0xFFFFC000  }
0x6f: {  	[spmem:s1] =	stream.indirect.scatter.add.f32 [tilespmem:s21], [sflag:$0x2], $0x80, s29, s24, $0xb8;
	[tilespmem:$0x1E000] =	vst v63  }
0x70: {  	_ =	swait.ge [sflag:s22], $0x4000  }
0x71: {  	s29 =	smov.u32 s31;
	[sflag:s22] =	ssyncset.done $0x0  }
0x72: {  	s28 =	sshra.s32 s28, $0x2;
	[sflag:s22] =	ssyncadd.s32 $0xFFFFC000  }
0x73: {  	[tilespmem:s21], [sflag:$0x1] =	stream.indirect.gather [hbm4b:s5+s24], $0x80, s28, s24, $0xb8;
	[tilespmem:$0x1E000] =	vst v63  }
0x74: {  	_ =	swait.ge [sflag:s25], $0x4000  }
0x75: {  	[sflag:s25] =	ssyncset.done $0x0  }
0x76: {  	s28 =	sadd.s32 $0x1000, s28;
	[sflag:s25] =	ssyncadd.s32 $0xFFFFC000  }
0x77: {  	[spmem:s1] =	stream.indirect.scatter.add.f32 [tilespmem:s21], [sflag:$0x2], $0x80, s28, s24, $0xb8;
	[tilespmem:$0x1E000] =	vst v63  }
0x78: {  	_ =	swait.ge [sflag:s22], $0x4000  }
0x79: {  	[sflag:s22] =	ssyncset.done $0x0  }
0x7a: {  	s28 =	simm.s32 $0x0;
	[sflag:s22] =	ssyncadd.s32 $0xFFFFC000  }
0x7b: {  	[tilespmem:s28], [sflag:$0x2] =	stream.linear.gather [hbm4b:s15+s28], $0x1000, $0x38;
	[tilespmem:$0x1E000] =	vst v63  }
0x7c: {  	_ =	swait.ge [sflag:s22], $0x1000  }
0x7d: {  	[sflag:s22] =	ssyncset.done $0x0  }
0x7e: {  	s29 =	simm.s32 $0x1000;
	[sflag:s22] =	ssyncadd.s32 $0xFFFFF000  }
0x7f: {  	[tilespmem:s29], [sflag:$0x2] =	stream.linear.gather [hbm4b:s16+s28], $0x1000, $0x38;
	[tilespmem:$0x1E000] =	vst v63  }
0x80: {  	_ =	swait.ge [sflag:s22], $0x1000  }
0x81: {  	[sflag:s22] =	ssyncset.done $0x0  }
0x82: {  	s30 =	simm.s32 $0x1;
	[sflag:s22] =	ssyncadd.s32 $0xFFFFF000  }
.LBB2_8:
0x83: {  	[tilespmem:s21], [sflag:$0x1] =	stream.indirect.gather [hbm4b:s5+s24], $0x80, s28, s24, $0xb8;
	[tilespmem:$0x1E000] =	vst v63  }
0x84: {  	s31 =	sxor.u32 s30, s3;
	_ =	swait.ge [sflag:s25], $0x4000  }
0x85: {  	p0 =	sne.s32 s31, $0xF;
	[sflag:s25] =	ssyncset.done $0x0  }
.Ltmp3:
0x86: {  	[sflag:s25] =	ssyncadd.s32 $0xFFFFC000;
	(pc) =	sbr.rel @p0 .LBB2_8-.Ltmp3, $4  }
0x87: {  	[spmem:s1] =	stream.indirect.scatter.add.f32 [tilespmem:s21], [sflag:$0x2], $0x80, s29, s24, $0xb8;
	[tilespmem:$0x1E000] =	vst v63  }
0x88: {  	_ =	swait.ge [sflag:s22], $0x4000  }
0x89: {  	s30 =	sadd.s32 $0x1, s30;
	[sflag:s22] =	ssyncset.done $0x0  }
0x8a: {  	s28 =	sadd.s32 $0x80, s28;
	s29 =	sadd.s32 $0x80, s29;
	[sflag:s22] =	ssyncadd.s32 $0xFFFFC000  }
0x8b: {  	[tilespmem:s4], [sflag:$0x2] =	stream.linear.gather [hbm4b:s17+s4], $0x1000, $0x38;
	[tilespmem:$0x1E000] =	vst v63  }
0x8c: {  	_ =	swait.ge [sflag:s22], $0x1000  }
0x8d: {  	[sflag:s22] =	ssyncset.done $0x0  }
0x8e: {  	[sflag:s22] =	ssyncadd.s32 $0xFFFFF000  }
0x8f: {  	[tilespmem:s23], [sflag:$0x2] =	stream.linear.gather [hbm4b:s18+s4], $0x1000, $0x38;
	[tilespmem:$0x1E000] =	vst v63  }
0x90: {  	_ =	swait.ge [sflag:s22], $0x1000  }
0x91: {  	s28 =	sshll.u32 s2, $0x6;
	s26 =	sadd.s32 $0x1, s26;
	[sflag:s22] =	ssyncset.done $0x0  }
0x92: {  	s29 =	sshrl.u32 s6, $0x3;
	p0 =	sne.s32 s26, s20;
	[sflag:s22] =	ssyncadd.s32 $0xFFFFF000  }
.Ltmp4:
0x93: {  	s28 =	sor.u32 $0x1C02, s28;
	[bflag:$0x0] =	sbarrier.arrive $0xFFFF;
	(pc) =	sbr.rel @p0 .LBB2_1-.Ltmp4, $4  }
0x94: {  	[hbm:s19], [sflag:s28] =	dma.local [spmem:s29], $0x2800  }
0x95: {  	_ =	swait.ge [sflag:s22], $0x2800  }
0x96: {  	[sflag:s22] =	ssyncset.done $0x0  }
0x97: {  	[sflag:s22] =	ssyncadd.s32 $0xFFFFD800  }
0x98: {  	_ =	sfence.sel $0x180000  }
0x99: {  	[bflag:$0x0] =	sbarrier.arrive $0xFFFF  }
0x9a: {  	p0 =	sne.s32 s2, $0x0;
	_ =	strace $0x9000004A  }
0x9b: {  	s0 =	sadd.s32 @!p0 $0x100000, s0;
	[bflag:$0x2] =	sbarrier.arrive $0xFFFF  }
0x9c: {  	[sflag:s0] =	ssyncadd.tile.s32 @!p0 $0x1;
	_ =	shalt  }
.Lfunc_end2:
_tile_overlayer_lowered:
.L_overlay_start_2:
0x9d: {  	(tag) =	ssettag $0x2  }
0x9e: {  	s0 =	rddreg [dreg:$0x0];
	s2 =	stileid.u32  }
0x9f: {  	s1 =	rddreg [dreg:$0x1];
	p0 =	sne.s32 s2, $0x0  }
0xa0: {  	s3 =	rddreg [dreg:$0x2];
	[bflag:$0x3] =	sbarrier.arrive $0xFFFF;
	s2 =	simm.s32 @!p0 $0x1C02  }
0xa1: {  	[timem:s3], [sflag:s2] =	dma.local @!p0 [hbm:s0], s1  }
0xa2: {  	s0 =	simm.s32 @!p0 $0x2  }
0xa3: {  	_ =	swait.ge @!p0 [sflag:s0], s1  }
0xa4: {  	s1 =	ssub.s32 @!p0 $0x0, s1;
	[sflag:s0] =	ssyncset.done @!p0 $0x0  }
0xa5: {  	[sflag:s0] =	ssyncadd.s32 @!p0 s1  }
0xa6: {  	[bflag:$0x3] =	sbarrier.arrive $0xFFFF  }
0xa7: {  	_ =	shalt  }

// kernel: kernel.13.cloned.1.call-start
scs
__scs_entry_jumppad:
0x0: {  	(pc) =	sbr.rel $0x88, $3  }
0x1: {  	(tag) =	ssettag $0x0;
	lr =	simm.s32 $0x1  }
0x2: {  	[smem:$0x3F99] =	sst lr;
	_ =	strace $0xD0000000  }
0x3: {  	_ = 	snop  }
0x4: {  	_ = 	snop  }
0x5: {  	_ = 	snop  }
0x6: {  	_ = 	snop  }
0x7: {  	_ = 	snop  }
__scs_overlays_trampoline_lowered:
0x8: {  	[smem:$0x3FA8] =	sst s0  }
0x9: {  	[smem:$0x3FA9] =	sst s1  }
0xa: {  	[smem:$0x3FAA] =	sst s2  }
0xb: {  	[smem:$0x3FAB] =	sst s3  }
0xc: {  	[smem:$0x3FAC] =	sst s4  }
0xd: {  	[smem:$0x3FAD] =	sst s5  }
0xe: {  	[smem:$0x3FAE] =	sst s6  }
0xf: {  	[smem:$0x3FAF] =	sst s7  }
0x10: {  	[smem:$0x3FB0] =	sst s8  }
0x11: {  	[smem:$0x3FB1] =	sst s9;
	s0 =	simm.s32 @!p0 $0x0  }
0x12: {  	s1 =	sld [smem:$0x3F97];
	s0 =	simm.s32 @p0 $0x1  }
0x13: {  	[smem:$0x3FB2] =	sst s0;
	s0 =	simm.s32 @!p1 $0x0  }
0x14: {  	s2 =	sld [smem:$0x3F96];
	s0 =	simm.s32 @p1 $0x1  }
0x15: {  	[smem:$0x3FB3] =	sst s0;
	s0 =	simm.s32 @!p2 $0x0  }
0x16: {  	s3 =	sld [smem:$0x3FDB];
	s0 =	simm.s32 @p2 $0x1  }
0x17: {  	s4 =	simm.s32 $0x1BF5;
	[smem:$0x3FB5] =	sst s0  }
0x18: {  	s0 =	sld [smem:$0x3F98];
	_ =	swait.ge [sflag:s4], $0x0  }
0x19: {  	s7 =	sld [smem:$0x3F99]  }
0x1a: {  	s8 =	sadd.s32 $0xFFFFE003, lr  }
0x1b: {  	s9 =	sadd.s32 $0xFFFFFEF7, lr;
	s5 =	simm.s32 $0xFFFFFFFF;
	p2 =	slt.u32 s8, $0xFFFFF086  }
0x1c: {  	p1 =	slt.u32 s9, $0xF7A;
	s5 =	simm.s32 @!p2 $0x0  }
0x1d: {  	s5 =	simm.s32 @p1 $0x1;
	p0 =	seq.s32 s7, s2  }
0x1e: {  	s7 =	smul.u32 @!p0 $0xF7A, s2;
	p2 =	seq.s32 @!p0 s5, $0x0  }
0x1f: {  	s9 =	smul.u32 $0xF7A, s1;
	s8 =	simm.s32 @!p0 $0x1BF5;
	p2 =	por !p2, p0  }
0x20: {  	[sflag:s8] =	ssyncset.s32 @!p0 $0xFFFFF086;
	s6 =	sadd.s32 @!p0 s3, s7;
	s7 =	simm.s32 @!p0 $0x108  }
0x21: {  	s3 =	sadd.s32 s3, s9;
	s6 =	sadd.s32 @!p0 $0x88, s6;
	s7 =	simm.s32 @p2 $0x1082  }
0x22: {  	[simem:s7], [sflag:s8] =	dma.local @!p0 [hbm:s6], $0xF7A  }
0x23: {  	s9 =	sor.u32 $0xD0000000, s2;
	s6 =	simm.s32 $0x108;
	_ =	swait.ge @!p0 [sflag:s8], $0x0  }
0x24: {  	s3 =	sadd.s32 $0x88, s3;
	s6 =	simm.s32 @!p1 $0x1082;
	[sflag:s4] =	ssyncset.s32 $0xFFFFF086  }
0x25: {  	[simem:s6], [sflag:s4] =	dma.local [hbm:s3], $0xF7A  }
0x26: {  	[smem:$0x3F99] =	sst s1;
	(tag) =	ssettag s2;
	_ =	strace s9  }
0x27: {  	s1 =	sld [smem:$0x3FA9]  }
0x28: {  	s2 =	sld [smem:$0x3FAA]  }
0x29: {  	s4 =	sld [smem:$0x3FAC]  }
0x2a: {  	p0 =	seq.s32 s5, $0x0;
	s5 =	sld [smem:$0x3FAD]  }
0x2b: {  	s6 =	sld [smem:$0x3FAE]  }
0x2c: {  	s7 =	sld [smem:$0x3FAF]  }
0x2d: {  	s3 =	simm.s32 $0x108;
	s8 =	sld [smem:$0x3FB0]  }
0x2e: {  	s3 =	simm.s32 @!p0 $0x1082;
	s9 =	sld [smem:$0x3FB1]  }
0x2f: {  	lr =	sadd.s32 s0, s3;
	s0 =	sld [smem:$0x3FA8]  }
0x30: {  	s3 =	sld [smem:$0x3FAB]  }
0x31: {  	[smem:$0x3FB4] =	sst s10  }
0x32: {  	s10 =	sld [smem:$0x3FB2];
	_ =	sdelay $0x3  }
0x33: {  	p0 =	seq.s32 s10, $0x1;
	s10 =	sld [smem:$0x3FB4];
	_ =	sdelay $0x3  }
0x34: {  	[smem:$0x3FB4] =	sst s10  }
0x35: {  	s10 =	sld [smem:$0x3FB3];
	_ =	sdelay $0x3  }
0x36: {  	p1 =	seq.s32 s10, $0x1;
	s10 =	sld [smem:$0x3FB4];
	_ =	sdelay $0x3  }
0x37: {  	[smem:$0x3FB4] =	sst s10  }
0x38: {  	s10 =	sld [smem:$0x3FB5]  }
0x39: {  	_ = 	snop;
	(pc) =	sbr.ind lr, $3  }
0x3a: {  	_ = 	snop  }
0x3b: {  	_ = 	snop  }
0x3c: {  	p2 =	seq.s32 s10, $0x1;
	s10 =	sld [smem:$0x3FB4]  }
0x3d: {  	_ =	shalt  }
0x3e: {  	_ =	shalt  }
0x3f: {  	_ =	shalt  }
0x40: {  	_ =	shalt  }
0x41: {  	_ =	shalt  }
0x42: {  	_ =	shalt  }
0x43: {  	_ =	shalt  }
0x44: {  	_ =	shalt  }
0x45: {  	_ =	shalt  }
0x46: {  	_ =	shalt  }
0x47: {  	_ =	shalt  }
0x48: {  	_ =	shalt  }
0x49: {  	_ =	shalt  }
0x4a: {  	_ =	shalt  }
0x4b: {  	_ =	shalt  }
0x4c: {  	_ =	shalt  }
0x4d: {  	_ =	shalt  }
0x4e: {  	_ =	shalt  }
0x4f: {  	_ =	shalt  }
0x50: {  	_ =	shalt  }
0x51: {  	_ =	shalt  }
0x52: {  	_ =	shalt  }
0x53: {  	_ =	shalt  }
0x54: {  	_ =	shalt  }
0x55: {  	_ =	shalt  }
0x56: {  	_ =	shalt  }
0x57: {  	_ =	shalt  }
0x58: {  	_ =	shalt  }
0x59: {  	_ =	shalt  }
0x5a: {  	_ =	shalt  }
0x5b: {  	_ =	shalt  }
0x5c: {  	_ =	shalt  }
0x5d: {  	_ =	shalt  }
0x5e: {  	_ =	shalt  }
0x5f: {  	_ =	shalt  }
0x60: {  	_ =	shalt  }
0x61: {  	_ =	shalt  }
0x62: {  	_ =	shalt  }
0x63: {  	_ =	shalt  }
0x64: {  	_ =	shalt  }
0x65: {  	_ =	shalt  }
0x66: {  	_ =	shalt  }
0x67: {  	_ =	shalt  }
0x68: {  	_ =	shalt  }
0x69: {  	_ =	shalt  }
0x6a: {  	_ =	shalt  }
0x6b: {  	_ =	shalt  }
0x6c: {  	_ =	shalt  }
0x6d: {  	_ =	shalt  }
0x6e: {  	_ =	shalt  }
0x6f: {  	_ =	shalt  }
0x70: {  	_ =	shalt  }
0x71: {  	_ =	shalt  }
0x72: {  	_ =	shalt  }
0x73: {  	_ =	shalt  }
0x74: {  	_ =	shalt  }
0x75: {  	_ =	shalt  }
0x76: {  	_ =	shalt  }
0x77: {  	_ =	shalt  }
0x78: {  	_ =	shalt  }
0x79: {  	_ =	shalt  }
0x7a: {  	_ =	shalt  }
0x7b: {  	_ =	shalt  }
0x7c: {  	_ =	shalt  }
0x7d: {  	_ =	shalt  }
0x7e: {  	_ =	shalt  }
0x7f: {  	_ =	shalt  }
0x80: {  	_ =	shalt  }
0x81: {  	_ =	shalt  }
0x82: {  	_ =	shalt  }
0x83: {  	_ =	shalt  }
0x84: {  	_ =	shalt  }
0x85: {  	_ =	shalt  }
0x86: {  	_ =	shalt  }
0x87: {  	_ =	shalt  }
.Lfunc_end0:
.L_simem_size_0:
called_computation.2_lowered:
.L_overlay_start_0:
0x88: {  	s2 =	sld [smem:$0x3FD9]  }
0x89: {  	s3 =	sld [smem:$0x3FFE];
	_ =	sdelay $0x1  }
0x8a: {  	s1 =	srdreg.scid  }
0x8b: {  	s0 =	sand.u32 $0x1, s1  }
0x8c: {  	s17 =	sshll.u32 s0, $0xA;
	s2 =	sadd.s32 s3, s2  }
0x8d: {  	s2 =	sadd.s32 s2, s17  }
0x8e: {  	[smem:$0x3FC0] =	sst s2  }
0x8f: {  	_ = 	snop  }
0x90: {  	s2 =	sld [smem:$0x3FD0];
	(tm) =	ssettm $0x1  }
0x91: {  	s18 =	sld [smem:$0x3FFB];
	_ =	sdelay $0x3  }
0x92: {  	_ =	strace s18  }
0x93: {  	s3 =	sld [smem:$0x3FFC];
	_ =	sdelay $0x3  }
0x94: {  	_ =	strace s3  }
0x95: {  	s3 =	sld [smem:$0x3FFD];
	_ =	sdelay $0x3  }
0x96: {  	_ =	strace s3  }
0x97: {  	_ =	strace $0x8FFFFFFF  }
0x98: {  	s19 =	sld [smem:$0x3FDB];
	_ =	sdelay $0x1  }
0x99: {  	s4 =	simm.s32 $_scs_section_size  }
0x9a: {  	s5 =	simm.s32 $_size__tile_overlayer_lowered;
	s6 =	simm.s32 $_tile_overlayer_lowered  }
0x9b: {  	s22 =	simm.s32 $0x1BFF;
	s21 =	sshll.u32 s6, $0x1;
	s3 =	sadd.s32 s4, s19  }
0x9c: {  	s7 =	simm.s32 $0x0;
	s20 =	sshll.u32 s5, $0x1;
	s5 =	sadd.s32 s21, s3  }
0x9d: {  	[timem:s7], [sflag:s22] =	dma.local [hbm:s5], s20  }
0x9e: {  	_ =	swait.ge [sflag:s22], s20  }
0x9f: {  	s4 =	ssub.s32 $0x0, s20;
	[sflag:s22] =	ssyncset.done $0x0  }
0xa0: {  	[sflag:s22] =	ssyncadd.s32 s4;
	_ =	sdelay $0x1  }
0xa1: {  	s23 =	simm.s32 $0x1B8B  }
0xa2: {  	_ =	swait.ge [sflag:s23], $0x1  }
0xa3: {  	[sflag:s23] =	ssyncset.done $0x0  }
0xa4: {  	s25 =	simm.s32 $0x1B8E;
	s24 =	sld [smem:$0x3FFE];
	[sflag:s23] =	ssyncadd.s32 $0xFFFFFFFF  }
0xa5: {  	s26 =	simm.s32 $execute0_lowered;
	[smem:$0x3FD2] =	sst s25  }
0xa6: {  	s5 =	sshll.u32 s26, $0x1;
	_ =	strace $0x8000004C;
	[dreg:$0x1] =	wrdreg $0xFFFFFFFF  }
0xa7: {  	s28 =	simm.s32 $_size_execute0_lowered;
	s3 =	sadd.s32 s3, s5;
	[dreg:$0x0] =	wrdreg $0x0  }
0xa8: {  	s5 =	sshll.u32 s28, $0x1;
	[dreg:$0x2] =	wrdreg s3  }
0xa9: {  	[dreg:$0x3] =	wrdreg s5  }
0xaa: {  	[dreg:$0x4] =	wrdreg $0xC0  }
0xab: {  	_ =	task [dreg:s7], $0x5FFFF  }
0xac: {  	[dreg:$0x1] =	wrdreg $0xFFFFFFFF  }
0xad: {  	[dreg:$0x0] =	wrdreg $0x60  }
0xae: {  	[dreg:$0x2] =	wrdreg s24  }
0xaf: {  	[dreg:$0x3] =	wrdreg s2  }
0xb0: {  	[dreg:$0x4] =	wrdreg $0xA0000  }
0xb1: {  	[dreg:$0x5] =	wrdreg $0x9  }
0xb2: {  	_ =	task.clear_ibuf [dreg:s7], $0x6FFFF;
	_ =	strace $0x9000004C  }
0xb3: {  	s29 =	simm.s32 $0x9;
	_ =	strace $0x8000004E  }
0xb4: {  	_ =	swait.ge [sflag:s29], $0x1  }
0xb5: {  	[sflag:s29] =	ssyncadd.s32 $0xFFFFFFFF  }
0xb6: {  	_ =	strace $0x9000004E  }
0xb7: {  	_ =	sfence  }
0xb8: {  	s30 =	sld [smem:$0x0];
	_ =	sdelay $0x2  }
0xb9: {  	s31 =	sshll.u32 s1, $0xD;
	s1 =	sshrl.u32 s1, $0x2  }
0xba: {  	s3 =	sand.u32 $0x4000, s31;
	s1 =	sadd.s32 s1, s30  }
0xbb: {  	s0 =	sor.u32 s3, s0;
	s1 =	sshll.u32 s1, $0x11  }
0xbc: {  	s0 =	sor.u32 s1, s0  }
0xbd: {  	s0 =	sadd.s32 $0x8F2B, s0  }
0xbe: {  	[sflag:s0] =	ssyncadd.remote.s32 $0x1  }
0xbf: {  	_ =	sfence.sel $0xFFFF  }
0xc0: {  	[dreg:$0x0] =	wrdreg $0xFFFFFFFF;
	(pc) =	sbr.abs _section_cstart, $3  }
0xc1: {  	[dreg:$0x1] =	wrdreg $0xFFFFFFFF  }
0xc2: {  	_ =	task.clear_ibuf [dreg:s7], $0x2FFFF;
	_ =	strace $0x9FFFFFFF  }
0xc3: {  	(tm) =	ssettm $0x7FFFFFFF  }
tec
execute0_lowered:
.L_overlay_start_1:
0x0: {  	(tag) =	ssettag $0x1  }
0x1: {  	s6 =	rddreg [dreg:$0x0]  }
0x2: {  	s17 =	rddreg [dreg:$0x1]  }
0x3: {  	s1 =	rddreg [dreg:$0x2];
	s2 =	srdreg.scid  }
0x4: {  	s0 =	rddreg [dreg:$0x3];
	s4 =	simm.s32 $0x0;
	s22 =	simm.s32 $0x2  }
0x5: {  	s23 =	simm.s32 $0x1000;
	s24 =	simm.s32 $0x80;
	s25 =	simm.s32 $0x1  }
0x6: {  	s26 =	simm.s32 $0x0;
	s3 =	sand.u32 $0x1, s2;
	s2 =	stileid.u32  }
0x7: {  	[smem:$0x7FF] =	sst s4;
	s5 =	sadd.s32 $0x2600, s6;
	s7 =	smul.u32 $0x140000, s3  }
0x8: {  	s18 =	sadd.s32 $0x3E400, s6;
	s8 =	smul.u32 $0x14000, s2;
	s28 =	ssub.s32 $0x2, s3  }
0x9: {  	s9 =	smul.u32 $0x50000, s2;
	s30 =	sshll.u32 s3, $0xF;
	s31 =	sshll.u32 s2, $0xB  }
0xa: {  	_ =	strace $0x8000004D;
	s10 =	sshrl.u32 s28, $0x1;
	s15 =	sor.u32 s31, s30  }
0xb: {  	s7 =	sadd.s32 s8, s7;
	s20 =	ssub.s32 s28, s10;
	s29 =	sshrl.u32 s9, $0x2  }
0xc: {  	s14 =	sor.u32 $0x200, s15;
	s11 =	sadd.s32 s17, s15;
	s12 =	sadd.s32 s18, s15  }
0xd: {  	s16 =	sor.u32 $0x400, s15;
	s21 =	sor.u32 $0x600, s15;
	s7 =	sshrl.u32 s7, $0x3  }
0xe: {  	s13 =	sadd.s32 s17, s14;
	s14 =	sadd.s32 s18, s14;
	s15 =	sadd.s32 s17, s16  }
0xf: {  	s16 =	sadd.s32 s18, s16;
	s17 =	sadd.s32 s17, s21;
	s18 =	sadd.s32 s18, s21  }
0x10: {  	s20 =	smax.u32 s20, $0x1;
	s19 =	sadd.s32 s7, s6;
	s6 =	sadd.s32 s29, s1  }
0x11: {  	s21 =	simm.s32 $0x2000;
	s7 =	sadd.s32 $0x4000, s6;
	s8 =	sadd.s32 $0x8000, s6  }
0x12: {  	v0 =	vimm.f32 $0.0e+00;
	s9 =	sadd.s32 $0xC000, s6;
	s10 =	sadd.s32 $0x10000, s6;
	s19 =	sadd.s32 $0x4E400, s19  }
.LBB2_1:
0x13: {  	s28 =	simm.s32 $0x0;
	s29 =	simm.s32 $0x200  }
.LBB2_2:
0x14: {  	p0 =	sne.s32 s29, $0xFE00;
	[tilespmem:s28+$0x2070] =	vst v0  }
0x15: {  	[tilespmem:s28+$0x2000] =	vst v0  }
0x16: {  	[tilespmem:s28+$0x2010] =	vst v0  }
.Ltmp0:
0x17: {  	[tilespmem:s28+$0x2020] =	vst v0;
	(pc) =	sbr.rel @p0 .LBB2_2-.Ltmp0, $4  }
0x18: {  	[tilespmem:s28+$0x2030] =	vst v0  }
0x19: {  	[tilespmem:s28+$0x2040] =	vst v0  }
0x1a: {  	[tilespmem:s28+$0x2050] =	vst v0  }
0x1b: {  	[tilespmem:s28+$0x2060] =	vst v0;
	s28 =	sshra.s32 s29, $0x2;
	s29 =	sadd.s32 $0x200, s29  }
0x1c: {  	[tilespmem:s28+$0x2070] =	vst v0  }
0x1d: {  	[tilespmem:s28+$0x2000] =	vst v0  }
0x1e: {  	[tilespmem:s28+$0x2010] =	vst v0  }
0x1f: {  	[tilespmem:s28+$0x2020] =	vst v0  }
0x20: {  	[tilespmem:s28+$0x2030] =	vst v0  }
0x21: {  	[tilespmem:s28+$0x2040] =	vst v0  }
0x22: {  	[tilespmem:s28+$0x2050] =	vst v0  }
0x23: {  	[tilespmem:s28+$0x2060] =	vst v0  }
0x24: {  	[spmem:s6] =	stream.linear.scatter [tilespmem:s21], [sflag:$0x2], $0x4000, $0x38;
	[tilespmem:$0x1E000] =	vst v63  }
0x25: {  	_ =	swait.ge [sflag:s22], $0x4000  }
0x26: {  	[sflag:s22] =	ssyncset.done $0x0  }
0x27: {  	[sflag:s22] =	ssyncadd.s32 $0xFFFFC000  }
0x28: {  	[spmem:s7] =	stream.linear.scatter [tilespmem:s21], [sflag:$0x2], $0x4000, $0x38;
	[tilespmem:$0x1E000] =	vst v63  }
0x29: {  	_ =	swait.ge [sflag:s22], $0x4000  }
0x2a: {  	[sflag:s22] =	ssyncset.done $0x0  }
0x2b: {  	[sflag:s22] =	ssyncadd.s32 $0xFFFFC000  }
0x2c: {  	[spmem:s8] =	stream.linear.scatter [tilespmem:s21], [sflag:$0x2], $0x4000, $0x38;
	[tilespmem:$0x1E000] =	vst v63  }
0x2d: {  	_ =	swait.ge [sflag:s22], $0x4000  }
0x2e: {  	[sflag:s22] =	ssyncset.done $0x0  }
0x2f: {  	[sflag:s22] =	ssyncadd.s32 $0xFFFFC000  }
0x30: {  	[spmem:s9] =	stream.linear.scatter [tilespmem:s21], [sflag:$0x2], $0x4000, $0x38;
	[tilespmem:$0x1E000] =	vst v63  }
0x31: {  	_ =	swait.ge [sflag:s22], $0x4000  }
0x32: {  	[sflag:s22] =	ssyncset.done $0x0  }
0x33: {  	[sflag:s22] =	ssyncadd.s32 $0xFFFFC000  }
0x34: {  	[spmem:s10] =	stream.linear.scatter [tilespmem:s21], [sflag:$0x2], $0x4000, $0x38;
	[tilespmem:$0x1E000] =	vst v63  }
0x35: {  	_ =	swait.ge [sflag:s22], $0x4000  }
0x36: {  	[sflag:s22] =	ssyncset.done $0x0  }
0x37: {  	[sflag:s22] =	ssyncadd.s32 $0xFFFFC000  }
0x38: {  	s28 =	simm.s32 $0x0;
	[bflag:$0x0] =	sbarrier.arrive $0xFFFF  }
0x39: {  	[tilespmem:s28], [sflag:$0x2] =	stream.linear.gather [hbm4b:s11+s28], $0x1000, $0x38;
	[tilespmem:$0x1E000] =	vst v63  }
0x3a: {  	_ =	swait.ge [sflag:s22], $0x1000  }
0x3b: {  	[sflag:s22] =	ssyncset.done $0x0  }
0x3c: {  	[sflag:s22] =	ssyncadd.s32 $0xFFFFF000  }
0x3d: {  	[tilespmem:s23], [sflag:$0x2] =	stream.linear.gather [hbm4b:s12+s28], $0x1000, $0x38;
	[tilespmem:$0x1E000] =	vst v63  }
0x3e: {  	_ =	swait.ge [sflag:s22], $0x1000  }
0x3f: {  	[sflag:s22] =	ssyncset.done $0x0  }
0x40: {  	s28 =	simm.s32 $0x0;
	[sflag:s22] =	ssyncadd.s32 $0xFFFFF000  }
0x41: {  	[tilespmem:s21], [sflag:$0x1] =	stream.indirect.gather [hbm4b:s5+s24], $0x80, s28, s24, $0xb8;
	[tilespmem:$0x1E000] =	vst v63  }
0x42: {  	_ =	swait.ge [sflag:s25], $0x4000  }
0x43: {  	[sflag:s25] =	ssyncset.done $0x0  }
0x44: {  	s28 =	simm.s32 $0x1000;
	[sflag:s25] =	ssyncadd.s32 $0xFFFFC000  }
0x45: {  	[spmem:s1] =	stream.indirect.scatter.add.f32 [tilespmem:s21], [sflag:$0x2], $0x80, s28, s24, $0xb8;
	[tilespmem:$0x1E000] =	vst v63  }
0x46: {  	_ =	swait.ge [sflag:s22], $0x4000  }
0x47: {  	s29 =	simm.s32 $0x400;
	s28 =	simm.s32 $0x200;
	[sflag:s22] =	ssyncset.done $0x0  }
.LBB2_4:
0x48: {  	s30 =	sshra.s32 s28, $0x2  }
0x49: {  	[sflag:s22] =	ssyncadd.s32 $0xFFFFC000;
	s28 =	smov.u32 s29;
	s31 =	sadd.s32 $0x200, s29  }
0x4a: {  	[tilespmem:s21], [sflag:$0x1] =	stream.indirect.gather [hbm4b:s5+s24], $0x80, s30, s24, $0xb8;
	[tilespmem:$0x1E000] =	vst v63  }
0x4b: {  	p0 =	sne.s32 s29, $0x3E00;
	_ =	swait.ge [sflag:s25], $0x4000  }
.Ltmp1:
0x4c: {  	[sflag:s25] =	ssyncset.done $0x0;
	(pc) =	sbr.rel @p0 .LBB2_4-.Ltmp1, $4  }
0x4d: {  	s29 =	sadd.s32 $0x1000, s30;
	[sflag:s25] =	ssyncadd.s32 $0xFFFFC000  }
0x4e: {  	[spmem:s1] =	stream.indirect.scatter.add.f32 [tilespmem:s21], [sflag:$0x2], $0x80, s29, s24, $0xb8;
	[tilespmem:$0x1E000] =	vst v63  }
0x4f: {  	_ =	swait.ge [sflag:s22], $0x4000  }
0x50: {  	s29 =	smov.u32 s31;
	[sflag:s22] =	ssyncset.done $0x0  }
0x51: {  	s28 =	sshra.s32 s28, $0x2;
	[sflag:s22] =	ssyncadd.s32 $0xFFFFC000  }
0x52: {  	[tilespmem:s21], [sflag:$0x1] =	stream.indirect.gather [hbm4b:s5+s24], $0x80, s28, s24, $0xb8;
	[tilespmem:$0x1E000] =	vst v63  }
0x53: {  	_ =	swait.ge [sflag:s25], $0x4000  }
0x54: {  	[sflag:s25] =	ssyncset.done $0x0  }
0x55: {  	s28 =	sadd.s32 $0x1000, s28;
	[sflag:s25] =	ssyncadd.s32 $0xFFFFC000  }
0x56: {  	[spmem:s1] =	stream.indirect.scatter.add.f32 [tilespmem:s21], [sflag:$0x2], $0x80, s28, s24, $0xb8;
	[tilespmem:$0x1E000] =	vst v63  }
0x57: {  	_ =	swait.ge [sflag:s22], $0x4000  }
0x58: {  	[sflag:s22] =	ssyncset.done $0x0  }
0x59: {  	s28 =	simm.s32 $0x0;
	[sflag:s22] =	ssyncadd.s32 $0xFFFFC000  }
0x5a: {  	[tilespmem:s28], [sflag:$0x2] =	stream.linear.gather [hbm4b:s13+s28], $0x1000, $0x38;
	[tilespmem:$0x1E000] =	vst v63  }
0x5b: {  	_ =	swait.ge [sflag:s22], $0x1000  }
0x5c: {  	[sflag:s22] =	ssyncset.done $0x0  }
0x5d: {  	[sflag:s22] =	ssyncadd.s32 $0xFFFFF000  }
0x5e: {  	[tilespmem:s23], [sflag:$0x2] =	stream.linear.gather [hbm4b:s14+s28], $0x1000, $0x38;
	[tilespmem:$0x1E000] =	vst v63  }
0x5f: {  	_ =	swait.ge [sflag:s22], $0x1000  }
0x60: {  	[sflag:s22] =	ssyncset.done $0x0  }
0x61: {  	s28 =	simm.s32 $0x0;
	[sflag:s22] =	ssyncadd.s32 $0xFFFFF000  }
0x62: {  	[tilespmem:s21], [sflag:$0x1] =	stream.indirect.gather [hbm4b:s5+s24], $0x80, s28, s24, $0xb8;
	[tilespmem:$0x1E000] =	vst v63  }
0x63: {  	_ =	swait.ge [sflag:s25], $0x4000  }
0x64: {  	[sflag:s25] =	ssyncset.done $0x0  }
0x65: {  	s28 =	simm.s32 $0x1000;
	[sflag:s25] =	ssyncadd.s32 $0xFFFFC000  }
0x66: {  	[spmem:s1] =	stream.indirect.scatter.add.f32 [tilespmem:s21], [sflag:$0x2], $0x80, s28, s24, $0xb8;
	[tilespmem:$0x1E000] =	vst v63  }
0x67: {  	_ =	swait.ge [sflag:s22], $0x4000  }
0x68: {  	s29 =	simm.s32 $0x400;
	s28 =	simm.s32 $0x200;
	[sflag:s22] =	ssyncset.done $0x0  }
.LBB2_6:
0x69: {  	s30 =	sshra.s32 s28, $0x2  }
0x6a: {  	[sflag:s22] =	ssyncadd.s32 $0xFFFFC000;
	s28 =	smov.u32 s29;
	s31 =	sadd.s32 $0x200, s29  }
0x6b: {  	[tilespmem:s21], [sflag:$0x1] =	stream.indirect.gather [hbm4b:s5+s24], $0x80, s30, s24, $0xb8;
	[tilespmem:$0x1E000] =	vst v63  }
0x6c: {  	p0 =	sne.s32 s29, $0x3E00;
	_ =	swait.ge [sflag:s25], $0x4000  }
.Ltmp2:
0x6d: {  	[sflag:s25] =	ssyncset.done $0x0;
	(pc) =	sbr.rel @p0 .LBB2_6-.Ltmp2, $4  }
0x6e: {  	s29 =	sadd.s32 $0x1000, s30;
	[sflag:s25] =	ssyncadd.s32 $0xFFFFC000  }
0x6f: {  	[spmem:s1] =	stream.indirect.scatter.add.f32 [tilespmem:s21], [sflag:$0x2], $0x80, s29, s24, $0xb8;
	[tilespmem:$0x1E000] =	vst v63  }
0x70: {  	_ =	swait.ge [sflag:s22], $0x4000  }
0x71: {  	s29 =	smov.u32 s31;
	[sflag:s22] =	ssyncset.done $0x0  }
0x72: {  	s28 =	sshra.s32 s28, $0x2;
	[sflag:s22] =	ssyncadd.s32 $0xFFFFC000  }
0x73: {  	[tilespmem:s21], [sflag:$0x1] =	stream.indirect.gather [hbm4b:s5+s24], $0x80, s28, s24, $0xb8;
	[tilespmem:$0x1E000] =	vst v63  }
0x74: {  	_ =	swait.ge [sflag:s25], $0x4000  }
0x75: {  	[sflag:s25] =	ssyncset.done $0x0  }
0x76: {  	s28 =	sadd.s32 $0x1000, s28;
	[sflag:s25] =	ssyncadd.s32 $0xFFFFC000  }
0x77: {  	[spmem:s1] =	stream.indirect.scatter.add.f32 [tilespmem:s21], [sflag:$0x2], $0x80, s28, s24, $0xb8;
	[tilespmem:$0x1E000] =	vst v63  }
0x78: {  	_ =	swait.ge [sflag:s22], $0x4000  }
0x79: {  	[sflag:s22] =	ssyncset.done $0x0  }
0x7a: {  	s28 =	simm.s32 $0x0;
	[sflag:s22] =	ssyncadd.s32 $0xFFFFC000  }
0x7b: {  	[tilespmem:s28], [sflag:$0x2] =	stream.linear.gather [hbm4b:s15+s28], $0x1000, $0x38;
	[tilespmem:$0x1E000] =	vst v63  }
0x7c: {  	_ =	swait.ge [sflag:s22], $0x1000  }
0x7d: {  	[sflag:s22] =	ssyncset.done $0x0  }
0x7e: {  	s29 =	simm.s32 $0x1000;
	[sflag:s22] =	ssyncadd.s32 $0xFFFFF000  }
0x7f: {  	[tilespmem:s29], [sflag:$0x2] =	stream.linear.gather [hbm4b:s16+s28], $0x1000, $0x38;
	[tilespmem:$0x1E000] =	vst v63  }
0x80: {  	_ =	swait.ge [sflag:s22], $0x1000  }
0x81: {  	[sflag:s22] =	ssyncset.done $0x0  }
0x82: {  	s30 =	simm.s32 $0x1;
	[sflag:s22] =	ssyncadd.s32 $0xFFFFF000  }
.LBB2_8:
0x83: {  	[tilespmem:s21], [sflag:$0x1] =	stream.indirect.gather [hbm4b:s5+s24], $0x80, s28, s24, $0xb8;
	[tilespmem:$0x1E000] =	vst v63  }
0x84: {  	s31 =	sxor.u32 s30, s3;
	_ =	swait.ge [sflag:s25], $0x4000  }
0x85: {  	p0 =	sne.s32 s31, $0xF;
	[sflag:s25] =	ssyncset.done $0x0  }
.Ltmp3:
0x86: {  	[sflag:s25] =	ssyncadd.s32 $0xFFFFC000;
	(pc) =	sbr.rel @p0 .LBB2_8-.Ltmp3, $4  }
0x87: {  	[spmem:s1] =	stream.indirect.scatter.add.f32 [tilespmem:s21], [sflag:$0x2], $0x80, s29, s24, $0xb8;
	[tilespmem:$0x1E000] =	vst v63  }
0x88: {  	_ =	swait.ge [sflag:s22], $0x4000  }
0x89: {  	s30 =	sadd.s32 $0x1, s30;
	[sflag:s22] =	ssyncset.done $0x0  }
0x8a: {  	s28 =	sadd.s32 $0x80, s28;
	s29 =	sadd.s32 $0x80, s29;
	[sflag:s22] =	ssyncadd.s32 $0xFFFFC000  }
0x8b: {  	[tilespmem:s4], [sflag:$0x2] =	stream.linear.gather [hbm4b:s17+s4], $0x1000, $0x38;
	[tilespmem:$0x1E000] =	vst v63  }
0x8c: {  	_ =	swait.ge [sflag:s22], $0x1000  }
0x8d: {  	[sflag:s22] =	ssyncset.done $0x0  }
0x8e: {  	[sflag:s22] =	ssyncadd.s32 $0xFFFFF000  }
0x8f: {  	[tilespmem:s23], [sflag:$0x2] =	stream.linear.gather [hbm4b:s18+s4], $0x1000, $0x38;
	[tilespmem:$0x1E000] =	vst v63  }
0x90: {  	_ =	swait.ge [sflag:s22], $0x1000  }
0x91: {  	s28 =	sshll.u32 s2, $0x6;
	s26 =	sadd.s32 $0x1, s26;
	[sflag:s22] =	ssyncset.done $0x0  }
0x92: {  	s29 =	sshrl.u32 s6, $0x3;
	p0 =	sne.s32 s26, s20;
	[sflag:s22] =	ssyncadd.s32 $0xFFFFF000  }
.Ltmp4:
0x93: {  	s28 =	sor.u32 $0x1C02, s28;
	[bflag:$0x0] =	sbarrier.arrive $0xFFFF;
	(pc) =	sbr.rel @p0 .LBB2_1-.Ltmp4, $4  }
0x94: {  	[hbm:s19], [sflag:s28] =	dma.local [spmem:s29], $0x2800  }
0x95: {  	_ =	swait.ge [sflag:s22], $0x2800  }
0x96: {  	[sflag:s22] =	ssyncset.done $0x0  }
0x97: {  	[sflag:s22] =	ssyncadd.s32 $0xFFFFD800  }
0x98: {  	_ =	sfence.sel $0x180000  }
0x99: {  	[bflag:$0x0] =	sbarrier.arrive $0xFFFF  }
0x9a: {  	p0 =	sne.s32 s2, $0x0;
	_ =	strace $0x9000004D  }
0x9b: {  	s0 =	sadd.s32 @!p0 $0x100000, s0;
	[bflag:$0x2] =	sbarrier.arrive $0xFFFF  }
0x9c: {  	[sflag:s0] =	ssyncadd.tile.s32 @!p0 $0x1;
	_ =	shalt  }
.Lfunc_end2:
_tile_overlayer_lowered:
.L_overlay_start_2:
0x9d: {  	(tag) =	ssettag $0x2  }
0x9e: {  	s0 =	rddreg [dreg:$0x0];
	s2 =	stileid.u32  }
0x9f: {  	s1 =	rddreg [dreg:$0x1];
	p0 =	sne.s32 s2, $0x0  }
0xa0: {  	s3 =	rddreg [dreg:$0x2];
	[bflag:$0x3] =	sbarrier.arrive $0xFFFF;
	s2 =	simm.s32 @!p0 $0x1C02  }
0xa1: {  	[timem:s3], [sflag:s2] =	dma.local @!p0 [hbm:s0], s1  }
0xa2: {  	s0 =	simm.s32 @!p0 $0x2  }
0xa3: {  	_ =	swait.ge @!p0 [sflag:s0], s1  }
0xa4: {  	s1 =	ssub.s32 @!p0 $0x0, s1;
	[sflag:s0] =	ssyncset.done @!p0 $0x0  }
0xa5: {  	[sflag:s0] =	ssyncadd.s32 @!p0 s1  }
0xa6: {  	[bflag:$0x3] =	sbarrier.arrive $0xFFFF  }
0xa7: {  	_ =	shalt  }

// kernel: kernel.7.cloned.1.call-start
scs
__scs_entry_jumppad:
0x0: {  	(pc) =	sbr.rel $0x88, $3  }
0x1: {  	(tag) =	ssettag $0x0;
	lr =	simm.s32 $0x1  }
0x2: {  	[smem:$0x3F99] =	sst lr;
	_ =	strace $0xD0000000  }
0x3: {  	_ = 	snop  }
0x4: {  	_ = 	snop  }
0x5: {  	_ = 	snop  }
0x6: {  	_ = 	snop  }
0x7: {  	_ = 	snop  }
__scs_overlays_trampoline_lowered:
0x8: {  	[smem:$0x3FA8] =	sst s0  }
0x9: {  	[smem:$0x3FA9] =	sst s1  }
0xa: {  	[smem:$0x3FAA] =	sst s2  }
0xb: {  	[smem:$0x3FAB] =	sst s3  }
0xc: {  	[smem:$0x3FAC] =	sst s4  }
0xd: {  	[smem:$0x3FAD] =	sst s5  }
0xe: {  	[smem:$0x3FAE] =	sst s6  }
0xf: {  	[smem:$0x3FAF] =	sst s7  }
0x10: {  	[smem:$0x3FB0] =	sst s8  }
0x11: {  	[smem:$0x3FB1] =	sst s9;
	s0 =	simm.s32 @!p0 $0x0  }
0x12: {  	s1 =	sld [smem:$0x3F97];
	s0 =	simm.s32 @p0 $0x1  }
0x13: {  	[smem:$0x3FB2] =	sst s0;
	s0 =	simm.s32 @!p1 $0x0  }
0x14: {  	s2 =	sld [smem:$0x3F96];
	s0 =	simm.s32 @p1 $0x1  }
0x15: {  	[smem:$0x3FB3] =	sst s0;
	s0 =	simm.s32 @!p2 $0x0  }
0x16: {  	s3 =	sld [smem:$0x3FDB];
	s0 =	simm.s32 @p2 $0x1  }
0x17: {  	s4 =	simm.s32 $0x1BF5;
	[smem:$0x3FB5] =	sst s0  }
0x18: {  	s0 =	sld [smem:$0x3F98];
	_ =	swait.ge [sflag:s4], $0x0  }
0x19: {  	s7 =	sld [smem:$0x3F99]  }
0x1a: {  	s8 =	sadd.s32 $0xFFFFE003, lr  }
0x1b: {  	s9 =	sadd.s32 $0xFFFFFEF7, lr;
	s5 =	simm.s32 $0xFFFFFFFF;
	p2 =	slt.u32 s8, $0xFFFFF086  }
0x1c: {  	p1 =	slt.u32 s9, $0xF7A;
	s5 =	simm.s32 @!p2 $0x0  }
0x1d: {  	s5 =	simm.s32 @p1 $0x1;
	p0 =	seq.s32 s7, s2  }
0x1e: {  	s7 =	smul.u32 @!p0 $0xF7A, s2;
	p2 =	seq.s32 @!p0 s5, $0x0  }
0x1f: {  	s9 =	smul.u32 $0xF7A, s1;
	s8 =	simm.s32 @!p0 $0x1BF5;
	p2 =	por !p2, p0  }
0x20: {  	[sflag:s8] =	ssyncset.s32 @!p0 $0xFFFFF086;
	s6 =	sadd.s32 @!p0 s3, s7;
	s7 =	simm.s32 @!p0 $0x108  }
0x21: {  	s3 =	sadd.s32 s3, s9;
	s6 =	sadd.s32 @!p0 $0x88, s6;
	s7 =	simm.s32 @p2 $0x1082  }
0x22: {  	[simem:s7], [sflag:s8] =	dma.local @!p0 [hbm:s6], $0xF7A  }
0x23: {  	s9 =	sor.u32 $0xD0000000, s2;
	s6 =	simm.s32 $0x108;
	_ =	swait.ge @!p0 [sflag:s8], $0x0  }
0x24: {  	s3 =	sadd.s32 $0x88, s3;
	s6 =	simm.s32 @!p1 $0x1082;
	[sflag:s4] =	ssyncset.s32 $0xFFFFF086  }
0x25: {  	[simem:s6], [sflag:s4] =	dma.local [hbm:s3], $0xF7A  }
0x26: {  	[smem:$0x3F99] =	sst s1;
	(tag) =	ssettag s2;
	_ =	strace s9  }
0x27: {  	s1 =	sld [smem:$0x3FA9]  }
0x28: {  	s2 =	sld [smem:$0x3FAA]  }
0x29: {  	s4 =	sld [smem:$0x3FAC]  }
0x2a: {  	p0 =	seq.s32 s5, $0x0;
	s5 =	sld [smem:$0x3FAD]  }
0x2b: {  	s6 =	sld [smem:$0x3FAE]  }
0x2c: {  	s7 =	sld [smem:$0x3FAF]  }
0x2d: {  	s3 =	simm.s32 $0x108;
	s8 =	sld [smem:$0x3FB0]  }
0x2e: {  	s3 =	simm.s32 @!p0 $0x1082;
	s9 =	sld [smem:$0x3FB1]  }
0x2f: {  	lr =	sadd.s32 s0, s3;
	s0 =	sld [smem:$0x3FA8]  }
0x30: {  	s3 =	sld [smem:$0x3FAB]  }
0x31: {  	[smem:$0x3FB4] =	sst s10  }
0x32: {  	s10 =	sld [smem:$0x3FB2];
	_ =	sdelay $0x3  }
0x33: {  	p0 =	seq.s32 s10, $0x1;
	s10 =	sld [smem:$0x3FB4];
	_ =	sdelay $0x3  }
0x34: {  	[smem:$0x3FB4] =	sst s10  }
0x35: {  	s10 =	sld [smem:$0x3FB3];
	_ =	sdelay $0x3  }
0x36: {  	p1 =	seq.s32 s10, $0x1;
	s10 =	sld [smem:$0x3FB4];
	_ =	sdelay $0x3  }
0x37: {  	[smem:$0x3FB4] =	sst s10  }
0x38: {  	s10 =	sld [smem:$0x3FB5]  }
0x39: {  	_ = 	snop;
	(pc) =	sbr.ind lr, $3  }
0x3a: {  	_ = 	snop  }
0x3b: {  	_ = 	snop  }
0x3c: {  	p2 =	seq.s32 s10, $0x1;
	s10 =	sld [smem:$0x3FB4]  }
0x3d: {  	_ =	shalt  }
0x3e: {  	_ =	shalt  }
0x3f: {  	_ =	shalt  }
0x40: {  	_ =	shalt  }
0x41: {  	_ =	shalt  }
0x42: {  	_ =	shalt  }
0x43: {  	_ =	shalt  }
0x44: {  	_ =	shalt  }
0x45: {  	_ =	shalt  }
0x46: {  	_ =	shalt  }
0x47: {  	_ =	shalt  }
0x48: {  	_ =	shalt  }
0x49: {  	_ =	shalt  }
0x4a: {  	_ =	shalt  }
0x4b: {  	_ =	shalt  }
0x4c: {  	_ =	shalt  }
0x4d: {  	_ =	shalt  }
0x4e: {  	_ =	shalt  }
0x4f: {  	_ =	shalt  }
0x50: {  	_ =	shalt  }
0x51: {  	_ =	shalt  }
0x52: {  	_ =	shalt  }
0x53: {  	_ =	shalt  }
0x54: {  	_ =	shalt  }
0x55: {  	_ =	shalt  }
0x56: {  	_ =	shalt  }
0x57: {  	_ =	shalt  }
0x58: {  	_ =	shalt  }
0x59: {  	_ =	shalt  }
0x5a: {  	_ =	shalt  }
0x5b: {  	_ =	shalt  }
0x5c: {  	_ =	shalt  }
0x5d: {  	_ =	shalt  }
0x5e: {  	_ =	shalt  }
0x5f: {  	_ =	shalt  }
0x60: {  	_ =	shalt  }
0x61: {  	_ =	shalt  }
0x62: {  	_ =	shalt  }
0x63: {  	_ =	shalt  }
0x64: {  	_ =	shalt  }
0x65: {  	_ =	shalt  }
0x66: {  	_ =	shalt  }
0x67: {  	_ =	shalt  }
0x68: {  	_ =	shalt  }
0x69: {  	_ =	shalt  }
0x6a: {  	_ =	shalt  }
0x6b: {  	_ =	shalt  }
0x6c: {  	_ =	shalt  }
0x6d: {  	_ =	shalt  }
0x6e: {  	_ =	shalt  }
0x6f: {  	_ =	shalt  }
0x70: {  	_ =	shalt  }
0x71: {  	_ =	shalt  }
0x72: {  	_ =	shalt  }
0x73: {  	_ =	shalt  }
0x74: {  	_ =	shalt  }
0x75: {  	_ =	shalt  }
0x76: {  	_ =	shalt  }
0x77: {  	_ =	shalt  }
0x78: {  	_ =	shalt  }
0x79: {  	_ =	shalt  }
0x7a: {  	_ =	shalt  }
0x7b: {  	_ =	shalt  }
0x7c: {  	_ =	shalt  }
0x7d: {  	_ =	shalt  }
0x7e: {  	_ =	shalt  }
0x7f: {  	_ =	shalt  }
0x80: {  	_ =	shalt  }
0x81: {  	_ =	shalt  }
0x82: {  	_ =	shalt  }
0x83: {  	_ =	shalt  }
0x84: {  	_ =	shalt  }
0x85: {  	_ =	shalt  }
0x86: {  	_ =	shalt  }
0x87: {  	_ =	shalt  }
.Lfunc_end0:
.L_simem_size_0:
called_computation_lowered:
.L_overlay_start_0:
0x88: {  	s2 =	sld [smem:$0x3FD9]  }
0x89: {  	s3 =	sld [smem:$0x3FFE];
	_ =	sdelay $0x1  }
0x8a: {  	s1 =	srdreg.scid  }
0x8b: {  	s0 =	sand.u32 $0x1, s1  }
0x8c: {  	s16 =	sshll.u32 s0, $0xA;
	s2 =	sadd.s32 s3, s2  }
0x8d: {  	s2 =	sadd.s32 s2, s16  }
0x8e: {  	[smem:$0x3FC0] =	sst s2  }
0x8f: {  	_ = 	snop  }
0x90: {  	(tm) =	ssettm $0x1  }
0x91: {  	s17 =	sld [smem:$0x3FFB];
	_ =	sdelay $0x3  }
0x92: {  	_ =	strace s17  }
0x93: {  	s2 =	sld [smem:$0x3FFC];
	_ =	sdelay $0x3  }
0x94: {  	_ =	strace s2  }
0x95: {  	s2 =	sld [smem:$0x3FFD];
	_ =	sdelay $0x3  }
0x96: {  	_ =	strace s2  }
0x97: {  	_ =	strace $0x8FFFFFFF  }
0x98: {  	s18 =	sld [smem:$0x3FDB];
	_ =	sdelay $0x1  }
0x99: {  	s19 =	simm.s32 $_scs_section_size  }
0x9a: {  	s4 =	simm.s32 $_size__tile_overlayer_lowered;
	s5 =	simm.s32 $_tile_overlayer_lowered  }
0x9b: {  	s22 =	simm.s32 $0x1BFF;
	s21 =	sshll.u32 s5, $0x1;
	s2 =	sadd.s32 s19, s18  }
0x9c: {  	s6 =	simm.s32 $0x0;
	s20 =	sshll.u32 s4, $0x1;
	s4 =	sadd.s32 s21, s2  }
0x9d: {  	[timem:s6], [sflag:s22] =	dma.local [hbm:s4], s20  }
0x9e: {  	_ =	swait.ge [sflag:s22], s20  }
0x9f: {  	s3 =	ssub.s32 $0x0, s20;
	[sflag:s22] =	ssyncset.done $0x0  }
0xa0: {  	[sflag:s22] =	ssyncadd.s32 s3;
	_ =	sdelay $0x1  }
0xa1: {  	s23 =	simm.s32 $0x1B8B  }
0xa2: {  	_ =	swait.ge [sflag:s23], $0x1  }
0xa3: {  	[sflag:s23] =	ssyncset.done $0x0  }
0xa4: {  	s25 =	simm.s32 $0x1B8E;
	s24 =	sld [smem:$0x3FFE];
	[sflag:s23] =	ssyncadd.s32 $0xFFFFFFFF  }
0xa5: {  	s26 =	simm.s32 $execute0_lowered;
	[smem:$0x3FD2] =	sst s25  }
0xa6: {  	s4 =	sshll.u32 s26, $0x1;
	_ =	strace $0x80000046;
	[dreg:$0x1] =	wrdreg $0xFFFFFFFF  }
0xa7: {  	s28 =	simm.s32 $_size_execute0_lowered;
	s2 =	sadd.s32 s2, s4;
	[dreg:$0x0] =	wrdreg $0x0  }
0xa8: {  	s4 =	sshll.u32 s28, $0x1;
	[dreg:$0x2] =	wrdreg s2  }
0xa9: {  	[dreg:$0x3] =	wrdreg s4  }
0xaa: {  	[dreg:$0x4] =	wrdreg $0xC0  }
0xab: {  	_ =	task [dreg:s6], $0x5FFFF  }
0xac: {  	[dreg:$0x1] =	wrdreg $0xFFFFFFFF  }
0xad: {  	[dreg:$0x0] =	wrdreg $0x60  }
0xae: {  	[dreg:$0x2] =	wrdreg s24  }
0xaf: {  	[dreg:$0x3] =	wrdreg $0x37800  }
0xb0: {  	[dreg:$0x4] =	wrdreg $0x9  }
0xb1: {  	_ =	task.clear_ibuf [dreg:s6], $0x5FFFF;
	_ =	strace $0x90000046  }
0xb2: {  	s29 =	simm.s32 $0x9;
	_ =	strace $0x80000048  }
0xb3: {  	_ =	swait.ge [sflag:s29], $0x1  }
0xb4: {  	[sflag:s29] =	ssyncadd.s32 $0xFFFFFFFF  }
0xb5: {  	_ =	strace $0x90000048  }
0xb6: {  	_ =	sfence  }
0xb7: {  	s30 =	sld [smem:$0x0];
	_ =	sdelay $0x2  }
0xb8: {  	s31 =	sshll.u32 s1, $0xD;
	s1 =	sshrl.u32 s1, $0x2  }
0xb9: {  	s3 =	sand.u32 $0x4000, s31;
	s1 =	sadd.s32 s1, s30  }
0xba: {  	s0 =	sor.u32 s3, s0;
	s1 =	sshll.u32 s1, $0x11  }
0xbb: {  	s0 =	sor.u32 s1, s0  }
0xbc: {  	s0 =	sadd.s32 $0x8F2B, s0  }
0xbd: {  	[sflag:s0] =	ssyncadd.remote.s32 $0x1  }
0xbe: {  	_ =	sfence.sel $0xFFFF  }
0xbf: {  	[dreg:$0x0] =	wrdreg $0xFFFFFFFF;
	(pc) =	sbr.abs _section_cstart, $3  }
0xc0: {  	[dreg:$0x1] =	wrdreg $0xFFFFFFFF  }
0xc1: {  	_ =	task.clear_ibuf [dreg:s6], $0x2FFFF;
	_ =	strace $0x9FFFFFFF  }
0xc2: {  	(tm) =	ssettm $0x7FFFFFFF  }
0xc3: {  	_ =	shalt  }
tec
execute0_lowered:
.L_overlay_start_1:
0x0: {  	(tag) =	ssettag $0x1  }
0x1: {  	s1 =	srdreg.scid  }
0x2: {  	s0 =	stileid.u32;
	s5 =	rddreg [dreg:$0x0]  }
0x3: {  	s2 =	rddreg [dreg:$0x1];
	s3 =	simm.s32 $0x0;
	s13 =	simm.s32 $0x1  }
0x4: {  	s14 =	simm.s32 $0x80;
	s15 =	simm.s32 $0x2780;
	s4 =	sand.u32 $0x1, s1  }
0x5: {  	s28 =	sshll.u32 s0, $0x1;
	s7 =	smul.u32 $0x2800, s0;
	[smem:$0x7FF] =	sst s3  }
0x6: {  	s9 =	smul.u32 $0xA000, s0;
	s16 =	sshll.u32 s0, $0x6;
	s1 =	sor.u32 s4, s28  }
0x7: {  	s8 =	smul.u32 $0x28000, s4;
	s4 =	ssub.s32 $0x2, s4;
	s16 =	sor.u32 $0x1C01, s16  }
0x8: {  	s6 =	smul.u32 $0x4F0, s1;
	s1 =	rddreg [dreg:$0x2];
	_ =	strace $0x80000047  }
0x9: {  	s30 =	sshrl.u32 s4, $0x1;
	s9 =	sshrl.u32 s9, $0x2;
	s29 =	sadd.s32 s7, s8  }
0xa: {  	s12 =	ssub.s32 s4, s30;
	s31 =	sadd.s32 s9, s2;
	s4 =	sadd.s32 s7, s2  }
0xb: {  	s10 =	sadd.s32 s6, s5;
	s6 =	sshrl.u32 s29, $0x3;
	s7 =	sadd.s32 $0x1800, s31  }
0xc: {  	s8 =	sadd.s32 $0x2000, s31;
	s17 =	sshrl.u32 s4, $0x3;
	s11 =	sadd.s32 s6, s5  }
0xd: {  	s5 =	sadd.s32 $0x800, s31;
	s6 =	sadd.s32 $0x1000, s31;
	s9 =	sadd.s32 $0x2600, s10  }
0xe: {  	v0 =	vimm.f32 $1.000000000e+00;
	v1 =	vimm.f32 $0.0e+00;
	s10 =	sadd.s32 $0xC400, s11;
	s11 =	smax.u32 s12, $0x1;
	s12 =	simm.s32 $0x2F80  }
.LBB2_1:
0xf: {  	s18 =	simm.s32 $0x40;
	s19 =	simm.s32 $0x0  }
.LBB2_2:
0x10: {  	p0 =	sne.s32 s18, $0x1FC0;
	[tilespmem:s19+$0x2780] =	vst v0;
	s20 =	smov.u32 s18;
	s18 =	sadd.s32 $0x40, s18  }
.Ltmp0:
0x11: {  	[tilespmem:s19+$0x2F80] =	vst v1;
	(pc) =	sbr.rel @p0 .LBB2_2-.Ltmp0, $2  }
0x12: {  	_ =	sdelay $0x2  }
0x13: {  	s19 =	sshra.s32 s20, $0x2  }
0x14: {  	[tilespmem:s19+$0x2780] =	vst v0  }
0x15: {  	[tilespmem:s19+$0x2F80] =	vst v1  }
0x16: {  	[spmem:s4] =	stream.linear.scatter [tilespmem:s12], [sflag:$0x1], $0x800, $0x38;
	[tilespmem:$0x5F80] =	vst v63  }
0x17: {  	_ =	swait.ge [sflag:s13], $0x800  }
0x18: {  	[sflag:s13] =	ssyncset.done $0x0  }
0x19: {  	[sflag:s13] =	ssyncadd.s32 $0xFFFFF800  }
0x1a: {  	[spmem:s5] =	stream.linear.scatter [tilespmem:s12], [sflag:$0x1], $0x800, $0x38;
	[tilespmem:$0x5F80] =	vst v63  }
0x1b: {  	_ =	swait.ge [sflag:s13], $0x800  }
0x1c: {  	[sflag:s13] =	ssyncset.done $0x0  }
0x1d: {  	[sflag:s13] =	ssyncadd.s32 $0xFFFFF800  }
0x1e: {  	[spmem:s6] =	stream.linear.scatter [tilespmem:s12], [sflag:$0x1], $0x800, $0x38;
	[tilespmem:$0x5F80] =	vst v63  }
0x1f: {  	_ =	swait.ge [sflag:s13], $0x800  }
0x20: {  	[sflag:s13] =	ssyncset.done $0x0  }
0x21: {  	[sflag:s13] =	ssyncadd.s32 $0xFFFFF800  }
0x22: {  	[spmem:s7] =	stream.linear.scatter [tilespmem:s12], [sflag:$0x1], $0x800, $0x38;
	[tilespmem:$0x5F80] =	vst v63  }
0x23: {  	_ =	swait.ge [sflag:s13], $0x800  }
0x24: {  	[sflag:s13] =	ssyncset.done $0x0  }
0x25: {  	[sflag:s13] =	ssyncadd.s32 $0xFFFFF800  }
0x26: {  	[spmem:s8] =	stream.linear.scatter [tilespmem:s12], [sflag:$0x1], $0x800, $0x38;
	[tilespmem:$0x5F80] =	vst v63  }
0x27: {  	_ =	swait.ge [sflag:s13], $0x800  }
0x28: {  	[sflag:s13] =	ssyncset.done $0x0  }
0x29: {  	s18 =	simm.s32 $0x0;
	[sflag:s13] =	ssyncadd.s32 $0xFFFFF800  }
0x2a: {  	[tilespmem:s18], [sflag:$0x1] =	stream.linear.gather [hbm4b:s9+s18], $0x2780, $0x38;
	[tilespmem:$0x5F80] =	vst v63  }
0x2b: {  	_ =	swait.ge [sflag:s13], $0x2780  }
0x2c: {  	[sflag:s13] =	ssyncset.done $0x0  }
0x2d: {  	[sflag:s13] =	ssyncadd.s32 $0xFFFFD880  }
0x2e: {  	s31 =	simm.s32 $0x0;
	[bflag:$0x0] =	sbarrier.arrive $0xFFFF  }
0x2f: {  	[spmem:s2] =	stream.indirect.scatter.add.f32 [tilespmem:s15], [sflag:$0x1], $0x10, s31, s14, $0xb8;
	[tilespmem:$0x5F80] =	vst v63  }
0x30: {  	_ =	swait.ge [sflag:s13], $0x800  }
0x31: {  	s18 =	simm.s32 $0x200;
	[sflag:s13] =	ssyncset.done $0x0  }
.LBB2_4:
0x32: {  	s19 =	sshra.s32 s18, $0x2;
	[sflag:s13] =	ssyncadd.s32 $0xFFFFF800;
	p0 =	sne.s32 s18, $0x9C00  }
0x33: {  	[spmem:s2] =	stream.indirect.scatter.add.f32 [tilespmem:s15], [sflag:$0x1], $0x10, s19, s14, $0xb8;
	[tilespmem:$0x5F80] =	vst v63  }
.Ltmp1:
0x34: {  	_ = 	snop;
	(pc) =	sbr.rel @p0 .LBB2_4-.Ltmp1, $4  }
0x35: {  	_ = 	snop  }
0x36: {  	s18 =	sadd.s32 $0x200, s18  }
0x37: {  	_ =	swait.ge [sflag:s13], $0x800  }
0x38: {  	[sflag:s13] =	ssyncset.done $0x0  }
0x39: {  	s3 =	sadd.s32 $0x1, s3  }
0x3a: {  	[sflag:s13] =	ssyncadd.s32 $0xFFFFF800;
	p0 =	sne.s32 s3, s11  }
.Ltmp2:
0x3b: {  	[bflag:$0x0] =	sbarrier.arrive $0xFFFF;
	(pc) =	sbr.rel @p0 .LBB2_1-.Ltmp2, $4  }
0x3c: {  	[hbm:s10], [sflag:s16] =	dma.local [spmem:s17], $0x500  }
0x3d: {  	_ =	swait.ge [sflag:s13], $0x500  }
0x3e: {  	[sflag:s13] =	ssyncset.done $0x0  }
0x3f: {  	[sflag:s13] =	ssyncadd.s32 $0xFFFFFB00  }
0x40: {  	_ =	sfence.sel $0x180000  }
0x41: {  	[bflag:$0x0] =	sbarrier.arrive $0xFFFF  }
0x42: {  	p0 =	sne.s32 s0, $0x0;
	_ =	strace $0x90000047  }
0x43: {  	s0 =	sadd.s32 @!p0 $0x100000, s1;
	[bflag:$0x2] =	sbarrier.arrive $0xFFFF  }
0x44: {  	[sflag:s0] =	ssyncadd.tile.s32 @!p0 $0x1;
	_ =	shalt  }
.Lfunc_end2:
_tile_overlayer_lowered:
.L_overlay_start_2:
0x45: {  	(tag) =	ssettag $0x2  }
0x46: {  	s0 =	rddreg [dreg:$0x0];
	s2 =	stileid.u32  }
0x47: {  	s1 =	rddreg [dreg:$0x1];
	p0 =	sne.s32 s2, $0x0  }
0x48: {  	s3 =	rddreg [dreg:$0x2];
	[bflag:$0x3] =	sbarrier.arrive $0xFFFF;
	s2 =	simm.s32 @!p0 $0x1C01  }
0x49: {  	[timem:s3], [sflag:s2] =	dma.local @!p0 [hbm:s0], s1  }
0x4a: {  	s0 =	simm.s32 @!p0 $0x1  }
0x4b: {  	_ =	swait.ge @!p0 [sflag:s0], s1  }
0x4c: {  	s1 =	ssub.s32 @!p0 $0x0, s1;
	[sflag:s0] =	ssyncset.done @!p0 $0x0  }
0x4d: {  	[sflag:s0] =	ssyncadd.s32 @!p0 s1  }
0x4e: {  	[bflag:$0x3] =	sbarrier.arrive $0xFFFF  }
0x4f: {  	_ =	shalt  }

</sc_bundles>
